<compile_context>
chip_gen: v7x
topology: tpu7x:2x2x1
jax: 0.10.2.dev20260603
libtpu: 0.0.44.dev20260713+nightly
codegen_flags: <defaults>
</compile_context>

<pallas_src>
import functools
import math

import jax
import jax.numpy as jnp
import numpy as np
from jax import lax
from jax.experimental import pallas as pl
from jax.experimental.pallas import tpu as pltpu
from jax.experimental.pallas import tpu_sc as plsc

_TOPK = 64
_PRIOR_SCALE = 0.5
_CLIP = 50.0
_INT_MIN = np.int32(-2**31)
_T_PAD = 1536



def _keys_body(tg_ref, tfid_t_ref, motif_ref, keys_ref):
    d = tg_ref.shape[1]
    sim = lax.dot_general(
        tg_ref[...].astype(jnp.bfloat16), tfid_t_ref[...].astype(jnp.bfloat16),
        (((1,), (0,)), ((), ())),
        preferred_element_type=jnp.float32,
    )
    sim = sim / np.float32(math.sqrt(d)) + _PRIOR_SCALE * motif_ref[...]
    sim = jnp.clip(sim, -_CLIP, _CLIP)
    b = lax.bitcast_convert_type(sim, jnp.int32)
    key = jnp.where(b < 0, b ^ jnp.int32(0x7FFFFFFF), b)
    pad = jnp.full((key.shape[0], _T_PAD - key.shape[1]), _INT_MIN, jnp.int32)
    keys_ref[...] = jnp.concatenate([key, pad], axis=1)




def _sc_topk_body(keys_hbm, tau_hbm, kbuf, hist, taubuf):
    nc = 2
    wid = lax.axis_index("s") * nc + lax.axis_index("c")
    n_chunks = tau_hbm.shape[0]
    lanes = lax.iota(jnp.int32, 16)
    ones = jnp.ones((16,), jnp.int32)
    zeros = jnp.zeros((16,), jnp.int32)

    def chunk_body(i, _):
        c = i * 32 + wid

        @pl.when(c < n_chunks)
        def _():
            pltpu.sync_copy(keys_hbm.at[pl.ds(c * 16, 16), :], kbuf)

            def row_body(r, _):
                tgt = jnp.int32(0)
                k = jnp.int32(_TOPK)

                for lv in range(4):
                    shift = 24 - 8 * lv
                    for j in range(16):
                        hist[pl.ds(j * 16, 16)] = zeros

                    def pass_body(jj, _, lv=lv, shift=shift, tgt=tgt):
                        for u in range(8):
                            v = kbuf[r, pl.ds(jj * 128 + u * 16, 16)]
                            if lv == 0:
                                bkt = (v >> 24) + 128
                                plsc.addupdate_scatter(hist, [bkt], ones)
                            else:
                                m = (v >> (shift + 8)) == tgt
                                bkt = (v >> shift) & 255
                                plsc.addupdate_scatter(hist, [bkt], ones,
                                                       mask=m)
                        return 0

                    lax.fori_loop(0, 12, pass_body, 0)

                    tot = [jnp.sum(hist[pl.ds(j * 16, 16)])
                           for j in range(16)]
                    s_run = jnp.int32(0)
                    found = jnp.bool_(False)
                    j_star = jnp.int32(0)
                    s_cross = jnp.int32(0)
                    for j in range(15, -1, -1):
                        cross = jnp.logical_and(jnp.logical_not(found),
                                                s_run + tot[j] >= k)
                        j_star = jnp.where(cross, j, j_star)
                        s_cross = jnp.where(cross, s_run, s_cross)
                        found = jnp.logical_or(found, cross)
                        s_run = s_run + tot[j]
                    h = hist[pl.ds(j_star * 16, 16)]
                    hr = lax.rev(h, (0,))
                    cs = plsc.cumsum(hr)
                    cv = (s_cross + cs) >= k
                    first = plsc.all_reduce_ffs(cv)
                    prev = jnp.sum(jnp.where(lanes == first - 1, cs, 0))
                    beta = j_star * 16 + 15 - jnp.sum(
                        jnp.where(lanes == 0, first, 0))
                    s_fin = s_cross + prev

                    if lv == 0:
                        tgt = beta - 128
                    else:
                        tgt = tgt * 256 + beta
                    k = k - s_fin

                plsc.store_scatter(taubuf, [zeros + r], zeros + tgt,
                                   mask=lanes == 0)
                return 0

            lax.fori_loop(0, 16, row_body, 0)
            pltpu.sync_copy(taubuf, tau_hbm.at[c])

        return 0

    lax.fori_loop(0, (n_chunks + 31) // 32, chunk_body, 0)




def _finish_body(scale_ref, keys_ref, tau_ref, tfexpr_ref, attn_ref, out_ref):
    t = attn_ref.shape[1]
    keyp = keys_ref[...]
    key = keyp[:, :t]
    b = jnp.where(key < 0, key ^ jnp.int32(0x7FFFFFFF), key)
    sim = lax.bitcast_convert_type(b, jnp.float32)

    m = jnp.max(sim, axis=1, keepdims=True)
    p = jnp.exp(sim - m)
    z = jnp.sum(p, axis=1, keepdims=True)
    mask = key >= tau_ref[...]
    s = jnp.sum(jnp.where(mask, p, 0.0), axis=1, keepdims=True)
    attn = jnp.where(mask, p / (s + 1e-8 * z), 0.0)
    attn_ref[...] = attn

    ts = lax.dot_general(
        attn.astype(jnp.bfloat16), tfexpr_ref[...].astype(jnp.bfloat16),
        (((1,), (1,)), ((), ())),
        preferred_element_type=jnp.float32,
    )
    out_ref[...] = scale_ref[0, 0] * ts




def kernel(tg_emb, tf_id_emb, tf_expr, motif_mask, scale):
    g, d = tg_emb.shape
    t = tf_id_emb.shape[0]
    b = tf_expr.shape[0]
    gb = 400
    grid = (g // gb,)
    n_chunks = g // 16

    tfid_t = tf_id_emb.T
    scale_arr = jnp.asarray(scale, jnp.float32).reshape(1, 1)

    keys = pl.pallas_call(
        _keys_body,
        grid=grid,
        in_specs=[
            pl.BlockSpec((gb, d), lambda i: (i, 0)),
            pl.BlockSpec((d, t), lambda i: (0, 0)),
            pl.BlockSpec((gb, t), lambda i: (i, 0)),
        ],
        out_specs=pl.BlockSpec((gb, _T_PAD), lambda i: (i, 0)),
        out_shape=jax.ShapeDtypeStruct((g, _T_PAD), jnp.int32),
        compiler_params=pltpu.CompilerParams(
            dimension_semantics=("arbitrary",),
        ),
    )(tg_emb, tfid_t, motif_mask)

    mesh = plsc.VectorSubcoreMesh(core_axis_name="c", subcore_axis_name="s")
    sc_topk = functools.partial(
        pl.kernel,
        mesh=mesh,
        out_type=jax.ShapeDtypeStruct((n_chunks, 16), jnp.int32),
        scratch_types=[
            pltpu.VMEM((16, _T_PAD), jnp.int32),
            pltpu.VMEM((256,), jnp.int32),
            pltpu.VMEM((16,), jnp.int32),
        ],
        compiler_params=pltpu.CompilerParams(
            use_tc_tiling_on_sc=False, needs_layout_passes=False),
    )(_sc_topk_body)
    tau = sc_topk(keys)
    tau = tau.reshape(g, 1)

    attn, out_t = pl.pallas_call(
        _finish_body,
        grid=grid,
        in_specs=[
            pl.BlockSpec(memory_space=pltpu.SMEM),
            pl.BlockSpec((gb, _T_PAD), lambda i: (i, 0)),
            pl.BlockSpec((gb, 1), lambda i: (i, 0)),
            pl.BlockSpec((b, t), lambda i: (0, 0)),
        ],
        out_specs=[
            pl.BlockSpec((gb, t), lambda i: (i, 0)),
            pl.BlockSpec((gb, b), lambda i: (i, 0)),
        ],
        out_shape=[
            jax.ShapeDtypeStruct((g, t), jnp.float32),
            jax.ShapeDtypeStruct((g, b), jnp.float32),
        ],
        compiler_params=pltpu.CompilerParams(
            dimension_semantics=("arbitrary",),
        ),
    )(scale_arr, keys, tau, tf_expr)
    return (out_t.T, attn)

# --- scband reference (transcript-rebuilt; emitter-appended) ---
"""Pipeline reference for scband-tfto-tgshortcut-4801773437355 (READ-ONLY COPY).

The authoritative reference and input builder live on the scoring server;
editing this copy changes nothing except your own understanding.
"""

import jax, jax.numpy as jnp
import numpy as np
import math

G, T, B, D = 20000, 1500, 128, 128
TOPK = 64
PRIOR_SCALE = 0.5


def setup_inputs(seed: int = 0) -> dict:
    key = jax.random.key(seed)
    k1, k2, k3, k4 = jax.random.split(key, 4)
    return {
        "tg_emb": jax.random.normal(k1, (G, D), dtype=jnp.float32),
        "tf_id_emb": jax.random.normal(k2, (T, D), dtype=jnp.float32),
        "tf_expr": jax.random.uniform(k3, (B, T), dtype=jnp.float32),
        "motif_mask": jax.random.uniform(k4, (G, T), dtype=jnp.float32),
        "scale": jnp.float32(0.01),
    }


def reference(tg_emb, tf_id_emb, tf_expr, motif_mask, scale):
    d = tf_id_emb.shape[1]
    # similarity between TG embeddings and TF identity embeddings
    sim = jnp.matmul(tg_emb, tf_id_emb.T) / math.sqrt(d)
    # use_motif_mask=True, motif_mask_threshold=None -> only additive prior
    sim = sim + PRIOR_SCALE * motif_mask
    sim = jnp.clip(sim, -50.0, 50.0)
    attn = jax.nn.softmax(sim, axis=-1)
    attn = jnp.nan_to_num(attn, nan=0.0)
    row_sums = jnp.sum(attn, axis=-1, keepdims=True)
    attn = jnp.where(row_sums > 0, attn / row_sums, attn)
    # top-k sparsification along TF axis (scatter-overwrite to build mask)
    topk_vals, topk_idx = jax.lax.top_k(attn, TOPK)
    rows = jnp.arange(attn.shape[0])[:, None]
    mask = jnp.zeros_like(attn).at[rows, topk_idx].set(1.0)
    attn = attn * mask
    attn = attn / (jnp.sum(attn, axis=-1, keepdims=True) + 1e-08)
    tf_scalar = jnp.matmul(tf_expr, attn.T)
    # dropout: eval mode (training=False) -> identity
    output = scale * tf_scalar
    return (output, attn)

if __name__ == "__main__":
    import jax
    _d = setup_inputs()
    print(jax.jit(kernel)(*tuple(_d.values())))

</pallas_src>

<mosaic_0001>
#map = affine_map<(d0, d1) -> (0, 0)>
module attributes {stable_mosaic.version = 14 : i64} {
  func.func @_sc_topk_body(%arg0: i32, %arg1: i32, %arg2: memref<20000x1536xi32, #tpu.memory_space<hbm>>, %arg3: memref<1250x16xi32, #tpu.memory_space<hbm>>, %arg4: memref<16x1536xi32, #tpu.memory_space<vmem>>, %arg5: memref<256xi32, #tpu.memory_space<vmem>>, %arg6: memref<16xi32, #tpu.memory_space<vmem>>) attributes {dimension_semantics = [#tpu.dimension_semantics<core_parallel>, #tpu.dimension_semantics<subcore_parallel>], iteration_bounds = array<i64: 2, 16>, scalar_prefetch = 0 : i64, scratch_operands = 3 : i64, tpu.core_type = #tpu.core_type<sc_vector_subcore>, window_params = [{transform_indices = #map}, {transform_indices = #map}]} {
    %mul3A = arith.constant 2 : i32
    %mul3A_0 = arith.muli %arg1, %mul3A : i32
    %add3A = arith.addi %mul3A_0, %arg0 : i32
    %iota3A = tpu.iota {dimensions = array<i32: 0>} : vector<16xi32>
    %broadcast_in_dim3A = arith.constant 1 : i32
    %broadcast_in_dim3A_1 = vector.broadcast %broadcast_in_dim3A : i32 to vector<16xi32>
    %broadcast_in_dim3A_2 = arith.constant 0 : i32
    %broadcast_in_dim3A_3 = vector.broadcast %broadcast_in_dim3A_2 : i32 to vector<16xi32>
    %scan3A = arith.constant 0 : i32
    %scan3A_4 = arith.constant 0 : i32
    %scan3A_5 = arith.constant 40 : i32
    %scan3A_6 = arith.addi %scan3A_4, %scan3A_5 : i32
    %scan3A_7 = arith.constant 1 : i32
    %scan3A_8 = scf.for %scan3A_10 = %scan3A_4 to %scan3A_6 step %scan3A_7 iter_args(%scan3A_11 = %scan3A) -> (i32)  : i32 {
      %mul3A_12 = arith.constant 32 : i32
      %mul3A_13 = arith.muli %scan3A_10, %mul3A_12 : i32
      %add3A_14 = arith.addi %mul3A_13, %add3A : i32
      %lt3A = arith.constant 1250 : i32
      %lt3A_15 = arith.cmpi slt, %add3A_14, %lt3A : i32
      %convert_element_type3A = arith.extui %lt3A_15 : i1 to i32
      %cond3A = arith.constant 0 : i32
      %cond3A_16 = arith.cmpi ne, %convert_element_type3A, %cond3A : i32
      scf.if %cond3A_16 {
        %mul3A_18 = arith.constant 16 : i32
        %mul3A_19 = arith.muli %add3A_14, %mul3A_18 : i32
        "tpu.region"() ({
          %run_scoped3A = tpu.sem_alloc : memref<!tpu.dma_semaphore, #tpu.memory_space<semaphore_mem>>
          %dma_start3A = arith.constant 0 : i32
          %dma_start3A_27 = tpu.memref_slice %arg2[%mul3A_19, %dma_start3A] : memref<20000x1536xi32, #tpu.memory_space<hbm>> -> memref<16x1536xi32, #tpu.memory_space<hbm>>
          %dma_start3A_28 = arith.constant 0 : i32
          %dma_start3A_29 = tpu.memref_slice %arg2[%mul3A_19, %dma_start3A_28] : memref<20000x1536xi32, #tpu.memory_space<hbm>> -> memref<16x1536xi32, #tpu.memory_space<hbm>>
          tpu.enqueue_dma source(%dma_start3A_29 : memref<16x1536xi32, #tpu.memory_space<hbm>>) target(%arg4 : memref<16x1536xi32, #tpu.memory_space<vmem>>) target_semaphore(%run_scoped3A : memref<!tpu.dma_semaphore, #tpu.memory_space<semaphore_mem>>)
          %dma_wait3A = arith.constant 0 : i32
          %dma_wait3A_30 = tpu.memref_slice %arg2[%mul3A_19, %dma_wait3A] : memref<20000x1536xi32, #tpu.memory_space<hbm>> -> memref<16x1536xi32, #tpu.memory_space<hbm>>
          %dma_wait3A_31 = arith.constant 0 : i32
          %dma_wait3A_32 = tpu.memref_slice %arg2[%mul3A_19, %dma_wait3A_31] : memref<20000x1536xi32, #tpu.memory_space<hbm>> -> memref<16x1536xi32, #tpu.memory_space<hbm>>
          tpu.wait_dma2 semaphore(%run_scoped3A : memref<!tpu.dma_semaphore, #tpu.memory_space<semaphore_mem>>) src(%dma_wait3A_32 : memref<16x1536xi32, #tpu.memory_space<hbm>>) dst(%arg4 : memref<16x1536xi32, #tpu.memory_space<vmem>>)
          tpu.yield
        }) : () -> ()
        %scan3A_20 = arith.constant 0 : i32
        %scan3A_21 = arith.constant 0 : i32
        %scan3A_22 = arith.constant 16 : i32
        %scan3A_23 = arith.addi %scan3A_21, %scan3A_22 : i32
        %scan3A_24 = arith.constant 1 : i32
        %scan3A_25 = scf.for %scan3A_27 = %scan3A_21 to %scan3A_23 step %scan3A_24 iter_args(%scan3A_28 = %scan3A_20) -> (i32)  : i32 {
          %swap3A = arith.constant 0 : index
          %swap3A_29 = tpu.vector_load %arg5[%swap3A] {strides = array<i32>} : memref<256xi32, #tpu.memory_space<vmem>>, vector<16xi32>,
          tpu.vector_store %arg5[%swap3A], %broadcast_in_dim3A_3 {strides = array<i32>} : memref<256xi32, #tpu.memory_space<vmem>>, vector<16xi32>,
          %swap3A_30 = arith.constant 16 : index
          %swap3A_31 = tpu.vector_load %arg5[%swap3A_30] {strides = array<i32>} : memref<256xi32, #tpu.memory_space<vmem>>, vector<16xi32>,
          tpu.vector_store %arg5[%swap3A_30], %broadcast_in_dim3A_3 {strides = array<i32>} : memref<256xi32, #tpu.memory_space<vmem>>, vector<16xi32>,
          %swap3A_32 = arith.constant 32 : index
          %swap3A_33 = tpu.vector_load %arg5[%swap3A_32] {strides = array<i32>} : memref<256xi32, #tpu.memory_space<vmem>>, vector<16xi32>,
          tpu.vector_store %arg5[%swap3A_32], %broadcast_in_dim3A_3 {strides = array<i32>} : memref<256xi32, #tpu.memory_space<vmem>>, vector<16xi32>,
          %swap3A_34 = arith.constant 48 : index
          %swap3A_35 = tpu.vector_load %arg5[%swap3A_34] {strides = array<i32>} : memref<256xi32, #tpu.memory_space<vmem>>, vector<16xi32>,
          tpu.vector_store %arg5[%swap3A_34], %broadcast_in_dim3A_3 {strides = array<i32>} : memref<256xi32, #tpu.memory_space<vmem>>, vector<16xi32>,
          %swap3A_36 = arith.constant 64 : index
          %swap3A_37 = tpu.vector_load %arg5[%swap3A_36] {strides = array<i32>} : memref<256xi32, #tpu.memory_space<vmem>>, vector<16xi32>,
          tpu.vector_store %arg5[%swap3A_36], %broadcast_in_dim3A_3 {strides = array<i32>} : memref<256xi32, #tpu.memory_space<vmem>>, vector<16xi32>,
          %swap3A_38 = arith.constant 80 : index
          %swap3A_39 = tpu.vector_load %arg5[%swap3A_38] {strides = array<i32>} : memref<256xi32, #tpu.memory_space<vmem>>, vector<16xi32>,
          tpu.vector_store %arg5[%swap3A_38], %broadcast_in_dim3A_3 {strides = array<i32>} : memref<256xi32, #tpu.memory_space<vmem>>, vector<16xi32>,
          %swap3A_40 = arith.constant 96 : index
          %swap3A_41 = tpu.vector_load %arg5[%swap3A_40] {strides = array<i32>} : memref<256xi32, #tpu.memory_space<vmem>>, vector<16xi32>,
          tpu.vector_store %arg5[%swap3A_40], %broadcast_in_dim3A_3 {strides = array<i32>} : memref<256xi32, #tpu.memory_space<vmem>>, vector<16xi32>,
          %swap3A_42 = arith.constant 112 : index
          %swap3A_43 = tpu.vector_load %arg5[%swap3A_42] {strides = array<i32>} : memref<256xi32, #tpu.memory_space<vmem>>, vector<16xi32>,
          tpu.vector_store %arg5[%swap3A_42], %broadcast_in_dim3A_3 {strides = array<i32>} : memref<256xi32, #tpu.memory_space<vmem>>, vector<16xi32>,
          %swap3A_44 = arith.constant 128 : index
          %swap3A_45 = tpu.vector_load %arg5[%swap3A_44] {strides = array<i32>} : memref<256xi32, #tpu.memory_space<vmem>>, vector<16xi32>,
          tpu.vector_store %arg5[%swap3A_44], %broadcast_in_dim3A_3 {strides = array<i32>} : memref<256xi32, #tpu.memory_space<vmem>>, vector<16xi32>,
          %swap3A_46 = arith.constant 144 : index
          %swap3A_47 = tpu.vector_load %arg5[%swap3A_46] {strides = array<i32>} : memref<256xi32, #tpu.memory_space<vmem>>, vector<16xi32>,
          tpu.vector_store %arg5[%swap3A_46], %broadcast_in_dim3A_3 {strides = array<i32>} : memref<256xi32, #tpu.memory_space<vmem>>, vector<16xi32>,
          %swap3A_48 = arith.constant 160 : index
          %swap3A_49 = tpu.vector_load %arg5[%swap3A_48] {strides = array<i32>} : memref<256xi32, #tpu.memory_space<vmem>>, vector<16xi32>,
          tpu.vector_store %arg5[%swap3A_48], %broadcast_in_dim3A_3 {strides = array<i32>} : memref<256xi32, #tpu.memory_space<vmem>>, vector<16xi32>,
          %swap3A_50 = arith.constant 176 : index
          %swap3A_51 = tpu.vector_load %arg5[%swap3A_50] {strides = array<i32>} : memref<256xi32, #tpu.memory_space<vmem>>, vector<16xi32>,
          tpu.vector_store %arg5[%swap3A_50], %broadcast_in_dim3A_3 {strides = array<i32>} : memref<256xi32, #tpu.memory_space<vmem>>, vector<16xi32>,
          %swap3A_52 = arith.constant 192 : index
          %swap3A_53 = tpu.vector_load %arg5[%swap3A_52] {strides = array<i32>} : memref<256xi32, #tpu.memory_space<vmem>>, vector<16xi32>,
          tpu.vector_store %arg5[%swap3A_52], %broadcast_in_dim3A_3 {strides = array<i32>} : memref<256xi32, #tpu.memory_space<vmem>>, vector<16xi32>,
          %swap3A_54 = arith.constant 208 : index
          %swap3A_55 = tpu.vector_load %arg5[%swap3A_54] {strides = array<i32>} : memref<256xi32, #tpu.memory_space<vmem>>, vector<16xi32>,
          tpu.vector_store %arg5[%swap3A_54], %broadcast_in_dim3A_3 {strides = array<i32>} : memref<256xi32, #tpu.memory_space<vmem>>, vector<16xi32>,
          %swap3A_56 = arith.constant 224 : index
          %swap3A_57 = tpu.vector_load %arg5[%swap3A_56] {strides = array<i32>} : memref<256xi32, #tpu.memory_space<vmem>>, vector<16xi32>,
          tpu.vector_store %arg5[%swap3A_56], %broadcast_in_dim3A_3 {strides = array<i32>} : memref<256xi32, #tpu.memory_space<vmem>>, vector<16xi32>,
          %swap3A_58 = arith.constant 240 : index
          %swap3A_59 = tpu.vector_load %arg5[%swap3A_58] {strides = array<i32>} : memref<256xi32, #tpu.memory_space<vmem>>, vector<16xi32>,
          tpu.vector_store %arg5[%swap3A_58], %broadcast_in_dim3A_3 {strides = array<i32>} : memref<256xi32, #tpu.memory_space<vmem>>, vector<16xi32>,
          %scan3A_60 = arith.constant 0 : i32
          %scan3A_61 = arith.constant 0 : i32
          %scan3A_62 = arith.constant 12 : i32
          %scan3A_63 = arith.addi %scan3A_61, %scan3A_62 : i32
          %scan3A_64 = arith.constant 1 : i32
          %scan3A_65 = scf.for %scan3A_1440 = %scan3A_61 to %scan3A_63 step %scan3A_64 iter_args(%scan3A_1441 = %scan3A_60) -> (i32)  : i32 {
            %mul3A_1442 = arith.constant 128 : i32
            %mul3A_1443 = arith.muli %scan3A_1440, %mul3A_1442 : i32
            %add3A_1444 = arith.constant 0 : i32
            %add3A_1445 = arith.addi %mul3A_1443, %add3A_1444 : i32
            %get3A_1446 = arith.index_cast %scan3A_27 : i32 to index
            %get3A_1447 = arith.index_cast %add3A_1445 : i32 to index
            %get3A_1448 = tpu.vector_load %arg4[%get3A_1446, %get3A_1447] {strides = array<i32>} : memref<16x1536xi32, #tpu.memory_space<vmem>>, vector<16xi32>,
            %shift_right_arithmetic3A = arith.constant 24 : i32
            %shift_right_arithmetic3A_1449 = vector.broadcast %shift_right_arithmetic3A : i32 to vector<16xi32>
            %shift_right_arithmetic3A_1450 = arith.shrsi %get3A_1448, %shift_right_arithmetic3A_1449 : vector<16xi32>
            %add3A_1451 = arith.constant 128 : i32
            %add3A_1452 = vector.broadcast %add3A_1451 : i32 to vector<16xi32>
            %add3A_1453 = arith.addi %shift_right_arithmetic3A_1450, %add3A_1452 : vector<16xi32>
            tpu.vector_store_idx %arg5[%add3A_1453], %broadcast_in_dim3A_1 {add = true} : memref<256xi32, #tpu.memory_space<vmem>>[vector<16xi32>], vector<16xi32>,
            %mul3A_1454 = arith.constant 128 : i32
            %mul3A_1455 = arith.muli %scan3A_1440, %mul3A_1454 : i32
            %add3A_1456 = arith.constant 16 : i32
            %add3A_1457 = arith.addi %mul3A_1455, %add3A_1456 : i32
            %get3A_1458 = arith.index_cast %scan3A_27 : i32 to index
            %get3A_1459 = arith.index_cast %add3A_1457 : i32 to index
            %get3A_1460 = tpu.vector_load %arg4[%get3A_1458, %get3A_1459] {strides = array<i32>} : memref<16x1536xi32, #tpu.memory_space<vmem>>, vector<16xi32>,
            %shift_right_arithmetic3A_1461 = arith.constant 24 : i32
            %shift_right_arithmetic3A_1462 = vector.broadcast %shift_right_arithmetic3A_1461 : i32 to vector<16xi32>
            %shift_right_arithmetic3A_1463 = arith.shrsi %get3A_1460, %shift_right_arithmetic3A_1462 : vector<16xi32>
            %add3A_1464 = arith.constant 128 : i32
            %add3A_1465 = vector.broadcast %add3A_1464 : i32 to vector<16xi32>
            %add3A_1466 = arith.addi %shift_right_arithmetic3A_1463, %add3A_1465 : vector<16xi32>
            tpu.vector_store_idx %arg5[%add3A_1466], %broadcast_in_dim3A_1 {add = true} : memref<256xi32, #tpu.memory_space<vmem>>[vector<16xi32>], vector<16xi32>,
            %mul3A_1467 = arith.constant 128 : i32
            %mul3A_1468 = arith.muli %scan3A_1440, %mul3A_1467 : i32
            %add3A_1469 = arith.constant 32 : i32
            %add3A_1470 = arith.addi %mul3A_1468, %add3A_1469 : i32
            %get3A_1471 = arith.index_cast %scan3A_27 : i32 to index
            %get3A_1472 = arith.index_cast %add3A_1470 : i32 to index
            %get3A_1473 = tpu.vector_load %arg4[%get3A_1471, %get3A_1472] {strides = array<i32>} : memref<16x1536xi32, #tpu.memory_space<vmem>>, vector<16xi32>,
            %shift_right_arithmetic3A_1474 = arith.constant 24 : i32
            %shift_right_arithmetic3A_1475 = vector.broadcast %shift_right_arithmetic3A_1474 : i32 to vector<16xi32>
            %shift_right_arithmetic3A_1476 = arith.shrsi %get3A_1473, %shift_right_arithmetic3A_1475 : vector<16xi32>
            %add3A_1477 = arith.constant 128 : i32
            %add3A_1478 = vector.broadcast %add3A_1477 : i32 to vector<16xi32>
            %add3A_1479 = arith.addi %shift_right_arithmetic3A_1476, %add3A_1478 : vector<16xi32>
            tpu.vector_store_idx %arg5[%add3A_1479], %broadcast_in_dim3A_1 {add = true} : memref<256xi32, #tpu.memory_space<vmem>>[vector<16xi32>], vector<16xi32>,
            %mul3A_1480 = arith.constant 128 : i32
            %mul3A_1481 = arith.muli %scan3A_1440, %mul3A_1480 : i32
            %add3A_1482 = arith.constant 48 : i32
            %add3A_1483 = arith.addi %mul3A_1481, %add3A_1482 : i32
            %get3A_1484 = arith.index_cast %scan3A_27 : i32 to index
            %get3A_1485 = arith.index_cast %add3A_1483 : i32 to index
            %get3A_1486 = tpu.vector_load %arg4[%get3A_1484, %get3A_1485] {strides = array<i32>} : memref<16x1536xi32, #tpu.memory_space<vmem>>, vector<16xi32>,
            %shift_right_arithmetic3A_1487 = arith.constant 24 : i32
            %shift_right_arithmetic3A_1488 = vector.broadcast %shift_right_arithmetic3A_1487 : i32 to vector<16xi32>
            %shift_right_arithmetic3A_1489 = arith.shrsi %get3A_1486, %shift_right_arithmetic3A_1488 : vector<16xi32>
            %add3A_1490 = arith.constant 128 : i32
            %add3A_1491 = vector.broadcast %add3A_1490 : i32 to vector<16xi32>
            %add3A_1492 = arith.addi %shift_right_arithmetic3A_1489, %add3A_1491 : vector<16xi32>
            tpu.vector_store_idx %arg5[%add3A_1492], %broadcast_in_dim3A_1 {add = true} : memref<256xi32, #tpu.memory_space<vmem>>[vector<16xi32>], vector<16xi32>,
            %mul3A_1493 = arith.constant 128 : i32
            %mul3A_1494 = arith.muli %scan3A_1440, %mul3A_1493 : i32
            %add3A_1495 = arith.constant 64 : i32
            %add3A_1496 = arith.addi %mul3A_1494, %add3A_1495 : i32
            %get3A_1497 = arith.index_cast %scan3A_27 : i32 to index
            %get3A_1498 = arith.index_cast %add3A_1496 : i32 to index
            %get3A_1499 = tpu.vector_load %arg4[%get3A_1497, %get3A_1498] {strides = array<i32>} : memref<16x1536xi32, #tpu.memory_space<vmem>>, vector<16xi32>,
            %shift_right_arithmetic3A_1500 = arith.constant 24 : i32
            %shift_right_arithmetic3A_1501 = vector.broadcast %shift_right_arithmetic3A_1500 : i32 to vector<16xi32>
            %shift_right_arithmetic3A_1502 = arith.shrsi %get3A_1499, %shift_right_arithmetic3A_1501 : vector<16xi32>
            %add3A_1503 = arith.constant 128 : i32
            %add3A_1504 = vector.broadcast %add3A_1503 : i32 to vector<16xi32>
            %add3A_1505 = arith.addi %shift_right_arithmetic3A_1502, %add3A_1504 : vector<16xi32>
            tpu.vector_store_idx %arg5[%add3A_1505], %broadcast_in_dim3A_1 {add = true} : memref<256xi32, #tpu.memory_space<vmem>>[vector<16xi32>], vector<16xi32>,
            %mul3A_1506 = arith.constant 128 : i32
            %mul3A_1507 = arith.muli %scan3A_1440, %mul3A_1506 : i32
            %add3A_1508 = arith.constant 80 : i32
            %add3A_1509 = arith.addi %mul3A_1507, %add3A_1508 : i32
            %get3A_1510 = arith.index_cast %scan3A_27 : i32 to index
            %get3A_1511 = arith.index_cast %add3A_1509 : i32 to index
            %get3A_1512 = tpu.vector_load %arg4[%get3A_1510, %get3A_1511] {strides = array<i32>} : memref<16x1536xi32, #tpu.memory_space<vmem>>, vector<16xi32>,
            %shift_right_arithmetic3A_1513 = arith.constant 24 : i32
            %shift_right_arithmetic3A_1514 = vector.broadcast %shift_right_arithmetic3A_1513 : i32 to vector<16xi32>
            %shift_right_arithmetic3A_1515 = arith.shrsi %get3A_1512, %shift_right_arithmetic3A_1514 : vector<16xi32>
            %add3A_1516 = arith.constant 128 : i32
            %add3A_1517 = vector.broadcast %add3A_1516 : i32 to vector<16xi32>
            %add3A_1518 = arith.addi %shift_right_arithmetic3A_1515, %add3A_1517 : vector<16xi32>
            tpu.vector_store_idx %arg5[%add3A_1518], %broadcast_in_dim3A_1 {add = true} : memref<256xi32, #tpu.memory_space<vmem>>[vector<16xi32>], vector<16xi32>,
            %mul3A_1519 = arith.constant 128 : i32
            %mul3A_1520 = arith.muli %scan3A_1440, %mul3A_1519 : i32
            %add3A_1521 = arith.constant 96 : i32
            %add3A_1522 = arith.addi %mul3A_1520, %add3A_1521 : i32
            %get3A_1523 = arith.index_cast %scan3A_27 : i32 to index
            %get3A_1524 = arith.index_cast %add3A_1522 : i32 to index
            %get3A_1525 = tpu.vector_load %arg4[%get3A_1523, %get3A_1524] {strides = array<i32>} : memref<16x1536xi32, #tpu.memory_space<vmem>>, vector<16xi32>,
            %shift_right_arithmetic3A_1526 = arith.constant 24 : i32
            %shift_right_arithmetic3A_1527 = vector.broadcast %shift_right_arithmetic3A_1526 : i32 to vector<16xi32>
            %shift_right_arithmetic3A_1528 = arith.shrsi %get3A_1525, %shift_right_arithmetic3A_1527 : vector<16xi32>
            %add3A_1529 = arith.constant 128 : i32
            %add3A_1530 = vector.broadcast %add3A_1529 : i32 to vector<16xi32>
            %add3A_1531 = arith.addi %shift_right_arithmetic3A_1528, %add3A_1530 : vector<16xi32>
            tpu.vector_store_idx %arg5[%add3A_1531], %broadcast_in_dim3A_1 {add = true} : memref<256xi32, #tpu.memory_space<vmem>>[vector<16xi32>], vector<16xi32>,
            %mul3A_1532 = arith.constant 128 : i32
            %mul3A_1533 = arith.muli %scan3A_1440, %mul3A_1532 : i32
            %add3A_1534 = arith.constant 112 : i32
            %add3A_1535 = arith.addi %mul3A_1533, %add3A_1534 : i32
            %get3A_1536 = arith.index_cast %scan3A_27 : i32 to index
            %get3A_1537 = arith.index_cast %add3A_1535 : i32 to index
            %get3A_1538 = tpu.vector_load %arg4[%get3A_1536, %get3A_1537] {strides = array<i32>} : memref<16x1536xi32, #tpu.memory_space<vmem>>, vector<16xi32>,
            %shift_right_arithmetic3A_1539 = arith.constant 24 : i32
            %shift_right_arithmetic3A_1540 = vector.broadcast %shift_right_arithmetic3A_1539 : i32 to vector<16xi32>
            %shift_right_arithmetic3A_1541 = arith.shrsi %get3A_1538, %shift_right_arithmetic3A_1540 : vector<16xi32>
            %add3A_1542 = arith.constant 128 : i32
            %add3A_1543 = vector.broadcast %add3A_1542 : i32 to vector<16xi32>
            %add3A_1544 = arith.addi %shift_right_arithmetic3A_1541, %add3A_1543 : vector<16xi32>
            tpu.vector_store_idx %arg5[%add3A_1544], %broadcast_in_dim3A_1 {add = true} : memref<256xi32, #tpu.memory_space<vmem>>[vector<16xi32>], vector<16xi32>,
            %scan3A_1545 = arith.constant 0 : i32
            scf.yield %scan3A_1545 : i32
          }
          %scan3A_66 = arith.constant 12 : i32
          %get3A = arith.constant 0 : index
          %get3A_67 = tpu.vector_load %arg5[%get3A] {strides = array<i32>} : memref<256xi32, #tpu.memory_space<vmem>>, vector<16xi32>,
          %reduce_sum3A = arith.constant true
          %reduce_sum3A_68 = vector.broadcast %reduce_sum3A : i1 to vector<16xi1>
          %reduce_sum3A_69 = tpu.scan <sum>, %get3A_67 masked %reduce_sum3A_68 : vector<16xi32>, vector<16xi1> -> vector<16xi32>
          %reduce_sum3A_70 = vector.extract %reduce_sum3A_69[15] : i32 from vector<16xi32>
          %get3A_71 = arith.constant 16 : index
          %get3A_72 = tpu.vector_load %arg5[%get3A_71] {strides = array<i32>} : memref<256xi32, #tpu.memory_space<vmem>>, vector<16xi32>,
          %reduce_sum3A_73 = arith.constant true
          %reduce_sum3A_74 = vector.broadcast %reduce_sum3A_73 : i1 to vector<16xi1>
          %reduce_sum3A_75 = tpu.scan <sum>, %get3A_72 masked %reduce_sum3A_74 : vector<16xi32>, vector<16xi1> -> vector<16xi32>
          %reduce_sum3A_76 = vector.extract %reduce_sum3A_75[15] : i32 from vector<16xi32>
          %get3A_77 = arith.constant 32 : index
          %get3A_78 = tpu.vector_load %arg5[%get3A_77] {strides = array<i32>} : memref<256xi32, #tpu.memory_space<vmem>>, vector<16xi32>,
          %reduce_sum3A_79 = arith.constant true
          %reduce_sum3A_80 = vector.broadcast %reduce_sum3A_79 : i1 to vector<16xi1>
          %reduce_sum3A_81 = tpu.scan <sum>, %get3A_78 masked %reduce_sum3A_80 : vector<16xi32>, vector<16xi1> -> vector<16xi32>
          %reduce_sum3A_82 = vector.extract %reduce_sum3A_81[15] : i32 from vector<16xi32>
          %get3A_83 = arith.constant 48 : index
          %get3A_84 = tpu.vector_load %arg5[%get3A_83] {strides = array<i32>} : memref<256xi32, #tpu.memory_space<vmem>>, vector<16xi32>,
          %reduce_sum3A_85 = arith.constant true
          %reduce_sum3A_86 = vector.broadcast %reduce_sum3A_85 : i1 to vector<16xi1>
          %reduce_sum3A_87 = tpu.scan <sum>, %get3A_84 masked %reduce_sum3A_86 : vector<16xi32>, vector<16xi1> -> vector<16xi32>
          %reduce_sum3A_88 = vector.extract %reduce_sum3A_87[15] : i32 from vector<16xi32>
          %get3A_89 = arith.constant 64 : index
          %get3A_90 = tpu.vector_load %arg5[%get3A_89] {strides = array<i32>} : memref<256xi32, #tpu.memory_space<vmem>>, vector<16xi32>,
          %reduce_sum3A_91 = arith.constant true
          %reduce_sum3A_92 = vector.broadcast %reduce_sum3A_91 : i1 to vector<16xi1>
          %reduce_sum3A_93 = tpu.scan <sum>, %get3A_90 masked %reduce_sum3A_92 : vector<16xi32>, vector<16xi1> -> vector<16xi32>
          %reduce_sum3A_94 = vector.extract %reduce_sum3A_93[15] : i32 from vector<16xi32>
          %get3A_95 = arith.constant 80 : index
          %get3A_96 = tpu.vector_load %arg5[%get3A_95] {strides = array<i32>} : memref<256xi32, #tpu.memory_space<vmem>>, vector<16xi32>,
          %reduce_sum3A_97 = arith.constant true
          %reduce_sum3A_98 = vector.broadcast %reduce_sum3A_97 : i1 to vector<16xi1>
          %reduce_sum3A_99 = tpu.scan <sum>, %get3A_96 masked %reduce_sum3A_98 : vector<16xi32>, vector<16xi1> -> vector<16xi32>
          %reduce_sum3A_100 = vector.extract %reduce_sum3A_99[15] : i32 from vector<16xi32>
          %get3A_101 = arith.constant 96 : index
          %get3A_102 = tpu.vector_load %arg5[%get3A_101] {strides = array<i32>} : memref<256xi32, #tpu.memory_space<vmem>>, vector<16xi32>,
          %reduce_sum3A_103 = arith.constant true
          %reduce_sum3A_104 = vector.broadcast %reduce_sum3A_103 : i1 to vector<16xi1>
          %reduce_sum3A_105 = tpu.scan <sum>, %get3A_102 masked %reduce_sum3A_104 : vector<16xi32>, vector<16xi1> -> vector<16xi32>
          %reduce_sum3A_106 = vector.extract %reduce_sum3A_105[15] : i32 from vector<16xi32>
          %get3A_107 = arith.constant 112 : index
          %get3A_108 = tpu.vector_load %arg5[%get3A_107] {strides = array<i32>} : memref<256xi32, #tpu.memory_space<vmem>>, vector<16xi32>,
          %reduce_sum3A_109 = arith.constant true
          %reduce_sum3A_110 = vector.broadcast %reduce_sum3A_109 : i1 to vector<16xi1>
          %reduce_sum3A_111 = tpu.scan <sum>, %get3A_108 masked %reduce_sum3A_110 : vector<16xi32>, vector<16xi1> -> vector<16xi32>
          %reduce_sum3A_112 = vector.extract %reduce_sum3A_111[15] : i32 from vector<16xi32>
          %get3A_113 = arith.constant 128 : index
          %get3A_114 = tpu.vector_load %arg5[%get3A_113] {strides = array<i32>} : memref<256xi32, #tpu.memory_space<vmem>>, vector<16xi32>,
          %reduce_sum3A_115 = arith.constant true
          %reduce_sum3A_116 = vector.broadcast %reduce_sum3A_115 : i1 to vector<16xi1>
          %reduce_sum3A_117 = tpu.scan <sum>, %get3A_114 masked %reduce_sum3A_116 : vector<16xi32>, vector<16xi1> -> vector<16xi32>
          %reduce_sum3A_118 = vector.extract %reduce_sum3A_117[15] : i32 from vector<16xi32>
          %get3A_119 = arith.constant 144 : index
          %get3A_120 = tpu.vector_load %arg5[%get3A_119] {strides = array<i32>} : memref<256xi32, #tpu.memory_space<vmem>>, vector<16xi32>,
          %reduce_sum3A_121 = arith.constant true
          %reduce_sum3A_122 = vector.broadcast %reduce_sum3A_121 : i1 to vector<16xi1>
          %reduce_sum3A_123 = tpu.scan <sum>, %get3A_120 masked %reduce_sum3A_122 : vector<16xi32>, vector<16xi1> -> vector<16xi32>
          %reduce_sum3A_124 = vector.extract %reduce_sum3A_123[15] : i32 from vector<16xi32>
          %get3A_125 = arith.constant 160 : index
          %get3A_126 = tpu.vector_load %arg5[%get3A_125] {strides = array<i32>} : memref<256xi32, #tpu.memory_space<vmem>>, vector<16xi32>,
          %reduce_sum3A_127 = arith.constant true
          %reduce_sum3A_128 = vector.broadcast %reduce_sum3A_127 : i1 to vector<16xi1>
          %reduce_sum3A_129 = tpu.scan <sum>, %get3A_126 masked %reduce_sum3A_128 : vector<16xi32>, vector<16xi1> -> vector<16xi32>
          %reduce_sum3A_130 = vector.extract %reduce_sum3A_129[15] : i32 from vector<16xi32>
          %get3A_131 = arith.constant 176 : index
          %get3A_132 = tpu.vector_load %arg5[%get3A_131] {strides = array<i32>} : memref<256xi32, #tpu.memory_space<vmem>>, vector<16xi32>,
          %reduce_sum3A_133 = arith.constant true
          %reduce_sum3A_134 = vector.broadcast %reduce_sum3A_133 : i1 to vector<16xi1>
          %reduce_sum3A_135 = tpu.scan <sum>, %get3A_132 masked %reduce_sum3A_134 : vector<16xi32>, vector<16xi1> -> vector<16xi32>
          %reduce_sum3A_136 = vector.extract %reduce_sum3A_135[15] : i32 from vector<16xi32>
          %get3A_137 = arith.constant 192 : index
          %get3A_138 = tpu.vector_load %arg5[%get3A_137] {strides = array<i32>} : memref<256xi32, #tpu.memory_space<vmem>>, vector<16xi32>,
          %reduce_sum3A_139 = arith.constant true
          %reduce_sum3A_140 = vector.broadcast %reduce_sum3A_139 : i1 to vector<16xi1>
          %reduce_sum3A_141 = tpu.scan <sum>, %get3A_138 masked %reduce_sum3A_140 : vector<16xi32>, vector<16xi1> -> vector<16xi32>
          %reduce_sum3A_142 = vector.extract %reduce_sum3A_141[15] : i32 from vector<16xi32>
          %get3A_143 = arith.constant 208 : index
          %get3A_144 = tpu.vector_load %arg5[%get3A_143] {strides = array<i32>} : memref<256xi32, #tpu.memory_space<vmem>>, vector<16xi32>,
          %reduce_sum3A_145 = arith.constant true
          %reduce_sum3A_146 = vector.broadcast %reduce_sum3A_145 : i1 to vector<16xi1>
          %reduce_sum3A_147 = tpu.scan <sum>, %get3A_144 masked %reduce_sum3A_146 : vector<16xi32>, vector<16xi1> -> vector<16xi32>
          %reduce_sum3A_148 = vector.extract %reduce_sum3A_147[15] : i32 from vector<16xi32>
          %get3A_149 = arith.constant 224 : index
          %get3A_150 = tpu.vector_load %arg5[%get3A_149] {strides = array<i32>} : memref<256xi32, #tpu.memory_space<vmem>>, vector<16xi32>,
          %reduce_sum3A_151 = arith.constant true
          %reduce_sum3A_152 = vector.broadcast %reduce_sum3A_151 : i1 to vector<16xi1>
          %reduce_sum3A_153 = tpu.scan <sum>, %get3A_150 masked %reduce_sum3A_152 : vector<16xi32>, vector<16xi1> -> vector<16xi32>
          %reduce_sum3A_154 = vector.extract %reduce_sum3A_153[15] : i32 from vector<16xi32>
          %get3A_155 = arith.constant 240 : index
          %get3A_156 = tpu.vector_load %arg5[%get3A_155] {strides = array<i32>} : memref<256xi32, #tpu.memory_space<vmem>>, vector<16xi32>,
          %reduce_sum3A_157 = arith.constant true
          %reduce_sum3A_158 = vector.broadcast %reduce_sum3A_157 : i1 to vector<16xi1>
          %reduce_sum3A_159 = tpu.scan <sum>, %get3A_156 masked %reduce_sum3A_158 : vector<16xi32>, vector<16xi1> -> vector<16xi32>
          %reduce_sum3A_160 = vector.extract %reduce_sum3A_159[15] : i32 from vector<16xi32>
          %not3A = arith.constant false
          %not3A_161 = arith.constant true
          %not3A_162 = arith.xori %not3A, %not3A_161 : i1
          %add3A_163 = arith.constant 0 : i32
          %add3A_164 = arith.addi %add3A_163, %reduce_sum3A_160 : i32
          %ge3A = arith.constant 64 : i32
          %ge3A_165 = arith.cmpi sge, %add3A_164, %ge3A : i32
          %and3A = arith.andi %not3A_162, %ge3A_165 : i1
          %jit3A = arith.constant 15 : i32
          %jit3A_166 = arith.constant 0 : i32
          %select_n3A = arith.select %and3A, %jit3A, %jit3A_166 : i32
          %jit3A_167 = arith.constant 0 : i32
          %jit3A_168 = arith.constant 0 : i32
          %select_n3A_169 = arith.select %and3A, %jit3A_167, %jit3A_168 : i32
          %or3A = arith.constant false
          %or3A_170 = arith.ori %or3A, %and3A : i1
          %add3A_171 = arith.constant 0 : i32
          %add3A_172 = arith.addi %add3A_171, %reduce_sum3A_160 : i32
          %not3A_173 = arith.constant true
          %not3A_174 = arith.xori %or3A_170, %not3A_173 : i1
          %add3A_175 = arith.addi %add3A_172, %reduce_sum3A_154 : i32
          %ge3A_176 = arith.constant 64 : i32
          %ge3A_177 = arith.cmpi sge, %add3A_175, %ge3A_176 : i32
          %and3A_178 = arith.andi %not3A_174, %ge3A_177 : i1
          %jit3A_179 = arith.constant 14 : i32
          %select_n3A_180 = arith.select %and3A_178, %jit3A_179, %select_n3A : i32
          %select_n3A_181 = arith.select %and3A_178, %add3A_172, %select_n3A_169 : i32
          %or3A_182 = arith.ori %or3A_170, %and3A_178 : i1
          %add3A_183 = arith.addi %add3A_172, %reduce_sum3A_154 : i32
          %not3A_184 = arith.constant true
          %not3A_185 = arith.xori %or3A_182, %not3A_184 : i1
          %add3A_186 = arith.addi %add3A_183, %reduce_sum3A_148 : i32
          %ge3A_187 = arith.constant 64 : i32
          %ge3A_188 = arith.cmpi sge, %add3A_186, %ge3A_187 : i32
          %and3A_189 = arith.andi %not3A_185, %ge3A_188 : i1
          %jit3A_190 = arith.constant 13 : i32
          %select_n3A_191 = arith.select %and3A_189, %jit3A_190, %select_n3A_180 : i32
          %select_n3A_192 = arith.select %and3A_189, %add3A_183, %select_n3A_181 : i32
          %or3A_193 = arith.ori %or3A_182, %and3A_189 : i1
          %add3A_194 = arith.addi %add3A_183, %reduce_sum3A_148 : i32
          %not3A_195 = arith.constant true
          %not3A_196 = arith.xori %or3A_193, %not3A_195 : i1
          %add3A_197 = arith.addi %add3A_194, %reduce_sum3A_142 : i32
          %ge3A_198 = arith.constant 64 : i32
          %ge3A_199 = arith.cmpi sge, %add3A_197, %ge3A_198 : i32
          %and3A_200 = arith.andi %not3A_196, %ge3A_199 : i1
          %jit3A_201 = arith.constant 12 : i32
          %select_n3A_202 = arith.select %and3A_200, %jit3A_201, %select_n3A_191 : i32
          %select_n3A_203 = arith.select %and3A_200, %add3A_194, %select_n3A_192 : i32
          %or3A_204 = arith.ori %or3A_193, %and3A_200 : i1
          %add3A_205 = arith.addi %add3A_194, %reduce_sum3A_142 : i32
          %not3A_206 = arith.constant true
          %not3A_207 = arith.xori %or3A_204, %not3A_206 : i1
          %add3A_208 = arith.addi %add3A_205, %reduce_sum3A_136 : i32
          %ge3A_209 = arith.constant 64 : i32
          %ge3A_210 = arith.cmpi sge, %add3A_208, %ge3A_209 : i32
          %and3A_211 = arith.andi %not3A_207, %ge3A_210 : i1
          %jit3A_212 = arith.constant 11 : i32
          %select_n3A_213 = arith.select %and3A_211, %jit3A_212, %select_n3A_202 : i32
          %select_n3A_214 = arith.select %and3A_211, %add3A_205, %select_n3A_203 : i32
          %or3A_215 = arith.ori %or3A_204, %and3A_211 : i1
          %add3A_216 = arith.addi %add3A_205, %reduce_sum3A_136 : i32
          %not3A_217 = arith.constant true
          %not3A_218 = arith.xori %or3A_215, %not3A_217 : i1
          %add3A_219 = arith.addi %add3A_216, %reduce_sum3A_130 : i32
          %ge3A_220 = arith.constant 64 : i32
          %ge3A_221 = arith.cmpi sge, %add3A_219, %ge3A_220 : i32
          %and3A_222 = arith.andi %not3A_218, %ge3A_221 : i1
          %jit3A_223 = arith.constant 10 : i32
          %select_n3A_224 = arith.select %and3A_222, %jit3A_223, %select_n3A_213 : i32
          %select_n3A_225 = arith.select %and3A_222, %add3A_216, %select_n3A_214 : i32
          %or3A_226 = arith.ori %or3A_215, %and3A_222 : i1
          %add3A_227 = arith.addi %add3A_216, %reduce_sum3A_130 : i32
          %not3A_228 = arith.constant true
          %not3A_229 = arith.xori %or3A_226, %not3A_228 : i1
          %add3A_230 = arith.addi %add3A_227, %reduce_sum3A_124 : i32
          %ge3A_231 = arith.constant 64 : i32
          %ge3A_232 = arith.cmpi sge, %add3A_230, %ge3A_231 : i32
          %and3A_233 = arith.andi %not3A_229, %ge3A_232 : i1
          %jit3A_234 = arith.constant 9 : i32
          %select_n3A_235 = arith.select %and3A_233, %jit3A_234, %select_n3A_224 : i32
          %select_n3A_236 = arith.select %and3A_233, %add3A_227, %select_n3A_225 : i32
          %or3A_237 = arith.ori %or3A_226, %and3A_233 : i1
          %add3A_238 = arith.addi %add3A_227, %reduce_sum3A_124 : i32
          %not3A_239 = arith.constant true
          %not3A_240 = arith.xori %or3A_237, %not3A_239 : i1
          %add3A_241 = arith.addi %add3A_238, %reduce_sum3A_118 : i32
          %ge3A_242 = arith.constant 64 : i32
          %ge3A_243 = arith.cmpi sge, %add3A_241, %ge3A_242 : i32
          %and3A_244 = arith.andi %not3A_240, %ge3A_243 : i1
          %jit3A_245 = arith.constant 8 : i32
          %select_n3A_246 = arith.select %and3A_244, %jit3A_245, %select_n3A_235 : i32
          %select_n3A_247 = arith.select %and3A_244, %add3A_238, %select_n3A_236 : i32
          %or3A_248 = arith.ori %or3A_237, %and3A_244 : i1
          %add3A_249 = arith.addi %add3A_238, %reduce_sum3A_118 : i32
          %not3A_250 = arith.constant true
          %not3A_251 = arith.xori %or3A_248, %not3A_250 : i1
          %add3A_252 = arith.addi %add3A_249, %reduce_sum3A_112 : i32
          %ge3A_253 = arith.constant 64 : i32
          %ge3A_254 = arith.cmpi sge, %add3A_252, %ge3A_253 : i32
          %and3A_255 = arith.andi %not3A_251, %ge3A_254 : i1
          %jit3A_256 = arith.constant 7 : i32
          %select_n3A_257 = arith.select %and3A_255, %jit3A_256, %select_n3A_246 : i32
          %select_n3A_258 = arith.select %and3A_255, %add3A_249, %select_n3A_247 : i32
          %or3A_259 = arith.ori %or3A_248, %and3A_255 : i1
          %add3A_260 = arith.addi %add3A_249, %reduce_sum3A_112 : i32
          %not3A_261 = arith.constant true
          %not3A_262 = arith.xori %or3A_259, %not3A_261 : i1
          %add3A_263 = arith.addi %add3A_260, %reduce_sum3A_106 : i32
          %ge3A_264 = arith.constant 64 : i32
          %ge3A_265 = arith.cmpi sge, %add3A_263, %ge3A_264 : i32
          %and3A_266 = arith.andi %not3A_262, %ge3A_265 : i1
          %jit3A_267 = arith.constant 6 : i32
          %select_n3A_268 = arith.select %and3A_266, %jit3A_267, %select_n3A_257 : i32
          %select_n3A_269 = arith.select %and3A_266, %add3A_260, %select_n3A_258 : i32
          %or3A_270 = arith.ori %or3A_259, %and3A_266 : i1
          %add3A_271 = arith.addi %add3A_260, %reduce_sum3A_106 : i32
          %not3A_272 = arith.constant true
          %not3A_273 = arith.xori %or3A_270, %not3A_272 : i1
          %add3A_274 = arith.addi %add3A_271, %reduce_sum3A_100 : i32
          %ge3A_275 = arith.constant 64 : i32
          %ge3A_276 = arith.cmpi sge, %add3A_274, %ge3A_275 : i32
          %and3A_277 = arith.andi %not3A_273, %ge3A_276 : i1
          %jit3A_278 = arith.constant 5 : i32
          %select_n3A_279 = arith.select %and3A_277, %jit3A_278, %select_n3A_268 : i32
          %select_n3A_280 = arith.select %and3A_277, %add3A_271, %select_n3A_269 : i32
          %or3A_281 = arith.ori %or3A_270, %and3A_277 : i1
          %add3A_282 = arith.addi %add3A_271, %reduce_sum3A_100 : i32
          %not3A_283 = arith.constant true
          %not3A_284 = arith.xori %or3A_281, %not3A_283 : i1
          %add3A_285 = arith.addi %add3A_282, %reduce_sum3A_94 : i32
          %ge3A_286 = arith.constant 64 : i32
          %ge3A_287 = arith.cmpi sge, %add3A_285, %ge3A_286 : i32
          %and3A_288 = arith.andi %not3A_284, %ge3A_287 : i1
          %jit3A_289 = arith.constant 4 : i32
          %select_n3A_290 = arith.select %and3A_288, %jit3A_289, %select_n3A_279 : i32
          %select_n3A_291 = arith.select %and3A_288, %add3A_282, %select_n3A_280 : i32
          %or3A_292 = arith.ori %or3A_281, %and3A_288 : i1
          %add3A_293 = arith.addi %add3A_282, %reduce_sum3A_94 : i32
          %not3A_294 = arith.constant true
          %not3A_295 = arith.xori %or3A_292, %not3A_294 : i1
          %add3A_296 = arith.addi %add3A_293, %reduce_sum3A_88 : i32
          %ge3A_297 = arith.constant 64 : i32
          %ge3A_298 = arith.cmpi sge, %add3A_296, %ge3A_297 : i32
          %and3A_299 = arith.andi %not3A_295, %ge3A_298 : i1
          %jit3A_300 = arith.constant 3 : i32
          %select_n3A_301 = arith.select %and3A_299, %jit3A_300, %select_n3A_290 : i32
          %select_n3A_302 = arith.select %and3A_299, %add3A_293, %select_n3A_291 : i32
          %or3A_303 = arith.ori %or3A_292, %and3A_299 : i1
          %add3A_304 = arith.addi %add3A_293, %reduce_sum3A_88 : i32
          %not3A_305 = arith.constant true
          %not3A_306 = arith.xori %or3A_303, %not3A_305 : i1
          %add3A_307 = arith.addi %add3A_304, %reduce_sum3A_82 : i32
          %ge3A_308 = arith.constant 64 : i32
          %ge3A_309 = arith.cmpi sge, %add3A_307, %ge3A_308 : i32
          %and3A_310 = arith.andi %not3A_306, %ge3A_309 : i1
          %jit3A_311 = arith.constant 2 : i32
          %select_n3A_312 = arith.select %and3A_310, %jit3A_311, %select_n3A_301 : i32
          %select_n3A_313 = arith.select %and3A_310, %add3A_304, %select_n3A_302 : i32
          %or3A_314 = arith.ori %or3A_303, %and3A_310 : i1
          %add3A_315 = arith.addi %add3A_304, %reduce_sum3A_82 : i32
          %not3A_316 = arith.constant true
          %not3A_317 = arith.xori %or3A_314, %not3A_316 : i1
          %add3A_318 = arith.addi %add3A_315, %reduce_sum3A_76 : i32
          %ge3A_319 = arith.constant 64 : i32
          %ge3A_320 = arith.cmpi sge, %add3A_318, %ge3A_319 : i32
          %and3A_321 = arith.andi %not3A_317, %ge3A_320 : i1
          %jit3A_322 = arith.constant 1 : i32
          %select_n3A_323 = arith.select %and3A_321, %jit3A_322, %select_n3A_312 : i32
          %select_n3A_324 = arith.select %and3A_321, %add3A_315, %select_n3A_313 : i32
          %or3A_325 = arith.ori %or3A_314, %and3A_321 : i1
          %add3A_326 = arith.addi %add3A_315, %reduce_sum3A_76 : i32
          %not3A_327 = arith.constant true
          %not3A_328 = arith.xori %or3A_325, %not3A_327 : i1
          %add3A_329 = arith.addi %add3A_326, %reduce_sum3A_70 : i32
          %ge3A_330 = arith.constant 64 : i32
          %ge3A_331 = arith.cmpi sge, %add3A_329, %ge3A_330 : i32
          %and3A_332 = arith.andi %not3A_328, %ge3A_331 : i1
          %jit3A_333 = arith.constant 0 : i32
          %select_n3A_334 = arith.select %and3A_332, %jit3A_333, %select_n3A_323 : i32
          %select_n3A_335 = arith.select %and3A_332, %add3A_326, %select_n3A_324 : i32
          %or3A_336 = arith.ori %or3A_325, %and3A_332 : i1
          %add3A_337 = arith.addi %add3A_326, %reduce_sum3A_70 : i32
          %mul3A_338 = arith.constant 16 : i32
          %mul3A_339 = arith.muli %select_n3A_334, %mul3A_338 : i32
          %get3A_340 = arith.index_cast %mul3A_339 : i32 to index
          %get3A_341 = tpu.vector_load %arg5[%get3A_340] {strides = array<i32>} : memref<256xi32, #tpu.memory_space<vmem>>, vector<16xi32>,
          %rev3A = arith.constant 15 : i32
          %rev3A_342 = vector.broadcast %rev3A : i32 to vector<16xi32>
          %rev3A_343 = tpu.iota {dimensions = array<i32: 0>} : vector<16xi32>
          %rev3A_344 = arith.subi %rev3A_342, %rev3A_343 : vector<16xi32>
          %rev3A_345 = tpu.dynamic_gather %get3A_341[%rev3A_344] in [0] : vector<16xi32>, vector<16xi32> -> vector<16xi32>
          %broadcast_in_dim3A_346 = arith.constant true
          %broadcast_in_dim3A_347 = vector.broadcast %broadcast_in_dim3A_346 : i1 to vector<16xi1>
          %masked_cumsum3A = tpu.scan <sum>, %rev3A_345 masked %broadcast_in_dim3A_347 : vector<16xi32>, vector<16xi1> -> vector<16xi32>
          %add3A_348 = vector.broadcast %select_n3A_335 : i32 to vector<16xi32>
          %add3A_349 = arith.addi %add3A_348, %masked_cumsum3A : vector<16xi32>
          %ge3A_350 = arith.constant 64 : i32
          %ge3A_351 = vector.broadcast %ge3A_350 : i32 to vector<16xi32>
          %ge3A_352 = arith.cmpi sge, %add3A_349, %ge3A_351 : vector<16xi32>
          %all_reduce_ffs3A = tpu.all_reduce %ge3A_352 {dim = 0 : i64, kind = #tpu.reduction_kind<find_first_set>} : vector<16xi1> -> vector<16xi32>
          %sub3A = arith.constant 1 : i32
          %sub3A_353 = vector.broadcast %sub3A : i32 to vector<16xi32>
          %sub3A_354 = arith.subi %all_reduce_ffs3A, %sub3A_353 : vector<16xi32>
          %eq3A = arith.cmpi eq, %iota3A, %sub3A_354 : vector<16xi32>
          %jit3A_355 = arith.constant 0 : i32
          %broadcast_in_dim3A_356 = vector.broadcast %jit3A_355 : i32 to vector<16xi32>
          %select_n3A_357 = arith.select %eq3A, %masked_cumsum3A, %broadcast_in_dim3A_356 : vector<16xi1>, vector<16xi32>
          %reduce_sum3A_358 = arith.constant true
          %reduce_sum3A_359 = vector.broadcast %reduce_sum3A_358 : i1 to vector<16xi1>
          %reduce_sum3A_360 = tpu.scan <sum>, %select_n3A_357 masked %reduce_sum3A_359 : vector<16xi32>, vector<16xi1> -> vector<16xi32>
          %reduce_sum3A_361 = vector.extract %reduce_sum3A_360[15] : i32 from vector<16xi32>
          %mul3A_362 = arith.constant 16 : i32
          %mul3A_363 = arith.muli %select_n3A_334, %mul3A_362 : i32
          %add3A_364 = arith.constant 15 : i32
          %add3A_365 = arith.addi %mul3A_363, %add3A_364 : i32
          %eq3A_366 = arith.constant 0 : i32
          %eq3A_367 = vector.broadcast %eq3A_366 : i32 to vector<16xi32>
          %eq3A_368 = arith.cmpi eq, %iota3A, %eq3A_367 : vector<16xi32>
          %jit3A_369 = arith.constant 0 : i32
          %broadcast_in_dim3A_370 = vector.broadcast %jit3A_369 : i32 to vector<16xi32>
          %select_n3A_371 = arith.select %eq3A_368, %all_reduce_ffs3A, %broadcast_in_dim3A_370 : vector<16xi1>, vector<16xi32>
          %reduce_sum3A_372 = arith.constant true
          %reduce_sum3A_373 = vector.broadcast %reduce_sum3A_372 : i1 to vector<16xi1>
          %reduce_sum3A_374 = tpu.scan <sum>, %select_n3A_371 masked %reduce_sum3A_373 : vector<16xi32>, vector<16xi1> -> vector<16xi32>
          %reduce_sum3A_375 = vector.extract %reduce_sum3A_374[15] : i32 from vector<16xi32>
          %sub3A_376 = arith.subi %add3A_365, %reduce_sum3A_375 : i32
          %add3A_377 = arith.addi %select_n3A_335, %reduce_sum3A_361 : i32
          %sub3A_378 = arith.constant 128 : i32
          %sub3A_379 = arith.subi %sub3A_376, %sub3A_378 : i32
          %sub3A_380 = arith.constant 64 : i32
          %sub3A_381 = arith.subi %sub3A_380, %add3A_377 : i32
          %swap3A_382 = arith.constant 0 : index
          %swap3A_383 = tpu.vector_load %arg5[%swap3A_382] {strides = array<i32>} : memref<256xi32, #tpu.memory_space<vmem>>, vector<16xi32>,
          tpu.vector_store %arg5[%swap3A_382], %broadcast_in_dim3A_3 {strides = array<i32>} : memref<256xi32, #tpu.memory_space<vmem>>, vector<16xi32>,
          %swap3A_384 = arith.constant 16 : index
          %swap3A_385 = tpu.vector_load %arg5[%swap3A_384] {strides = array<i32>} : memref<256xi32, #tpu.memory_space<vmem>>, vector<16xi32>,
          tpu.vector_store %arg5[%swap3A_384], %broadcast_in_dim3A_3 {strides = array<i32>} : memref<256xi32, #tpu.memory_space<vmem>>, vector<16xi32>,
          %swap3A_386 = arith.constant 32 : index
          %swap3A_387 = tpu.vector_load %arg5[%swap3A_386] {strides = array<i32>} : memref<256xi32, #tpu.memory_space<vmem>>, vector<16xi32>,
          tpu.vector_store %arg5[%swap3A_386], %broadcast_in_dim3A_3 {strides = array<i32>} : memref<256xi32, #tpu.memory_space<vmem>>, vector<16xi32>,
          %swap3A_388 = arith.constant 48 : index
          %swap3A_389 = tpu.vector_load %arg5[%swap3A_388] {strides = array<i32>} : memref<256xi32, #tpu.memory_space<vmem>>, vector<16xi32>,
          tpu.vector_store %arg5[%swap3A_388], %broadcast_in_dim3A_3 {strides = array<i32>} : memref<256xi32, #tpu.memory_space<vmem>>, vector<16xi32>,
          %swap3A_390 = arith.constant 64 : index
          %swap3A_391 = tpu.vector_load %arg5[%swap3A_390] {strides = array<i32>} : memref<256xi32, #tpu.memory_space<vmem>>, vector<16xi32>,
          tpu.vector_store %arg5[%swap3A_390], %broadcast_in_dim3A_3 {strides = array<i32>} : memref<256xi32, #tpu.memory_space<vmem>>, vector<16xi32>,
          %swap3A_392 = arith.constant 80 : index
          %swap3A_393 = tpu.vector_load %arg5[%swap3A_392] {strides = array<i32>} : memref<256xi32, #tpu.memory_space<vmem>>, vector<16xi32>,
          tpu.vector_store %arg5[%swap3A_392], %broadcast_in_dim3A_3 {strides = array<i32>} : memref<256xi32, #tpu.memory_space<vmem>>, vector<16xi32>,
          %swap3A_394 = arith.constant 96 : index
          %swap3A_395 = tpu.vector_load %arg5[%swap3A_394] {strides = array<i32>} : memref<256xi32, #tpu.memory_space<vmem>>, vector<16xi32>,
          tpu.vector_store %arg5[%swap3A_394], %broadcast_in_dim3A_3 {strides = array<i32>} : memref<256xi32, #tpu.memory_space<vmem>>, vector<16xi32>,
          %swap3A_396 = arith.constant 112 : index
          %swap3A_397 = tpu.vector_load %arg5[%swap3A_396] {strides = array<i32>} : memref<256xi32, #tpu.memory_space<vmem>>, vector<16xi32>,
          tpu.vector_store %arg5[%swap3A_396], %broadcast_in_dim3A_3 {strides = array<i32>} : memref<256xi32, #tpu.memory_space<vmem>>, vector<16xi32>,
          %swap3A_398 = arith.constant 128 : index
          %swap3A_399 = tpu.vector_load %arg5[%swap3A_398] {strides = array<i32>} : memref<256xi32, #tpu.memory_space<vmem>>, vector<16xi32>,
          tpu.vector_store %arg5[%swap3A_398], %broadcast_in_dim3A_3 {strides = array<i32>} : memref<256xi32, #tpu.memory_space<vmem>>, vector<16xi32>,
          %swap3A_400 = arith.constant 144 : index
          %swap3A_401 = tpu.vector_load %arg5[%swap3A_400] {strides = array<i32>} : memref<256xi32, #tpu.memory_space<vmem>>, vector<16xi32>,
          tpu.vector_store %arg5[%swap3A_400], %broadcast_in_dim3A_3 {strides = array<i32>} : memref<256xi32, #tpu.memory_space<vmem>>, vector<16xi32>,
          %swap3A_402 = arith.constant 160 : index
          %swap3A_403 = tpu.vector_load %arg5[%swap3A_402] {strides = array<i32>} : memref<256xi32, #tpu.memory_space<vmem>>, vector<16xi32>,
          tpu.vector_store %arg5[%swap3A_402], %broadcast_in_dim3A_3 {strides = array<i32>} : memref<256xi32, #tpu.memory_space<vmem>>, vector<16xi32>,
          %swap3A_404 = arith.constant 176 : index
          %swap3A_405 = tpu.vector_load %arg5[%swap3A_404] {strides = array<i32>} : memref<256xi32, #tpu.memory_space<vmem>>, vector<16xi32>,
          tpu.vector_store %arg5[%swap3A_404], %broadcast_in_dim3A_3 {strides = array<i32>} : memref<256xi32, #tpu.memory_space<vmem>>, vector<16xi32>,
          %swap3A_406 = arith.constant 192 : index
          %swap3A_407 = tpu.vector_load %arg5[%swap3A_406] {strides = array<i32>} : memref<256xi32, #tpu.memory_space<vmem>>, vector<16xi32>,
          tpu.vector_store %arg5[%swap3A_406], %broadcast_in_dim3A_3 {strides = array<i32>} : memref<256xi32, #tpu.memory_space<vmem>>, vector<16xi32>,
          %swap3A_408 = arith.constant 208 : index
          %swap3A_409 = tpu.vector_load %arg5[%swap3A_408] {strides = array<i32>} : memref<256xi32, #tpu.memory_space<vmem>>, vector<16xi32>,
          tpu.vector_store %arg5[%swap3A_408], %broadcast_in_dim3A_3 {strides = array<i32>} : memref<256xi32, #tpu.memory_space<vmem>>, vector<16xi32>,
          %swap3A_410 = arith.constant 224 : index
          %swap3A_411 = tpu.vector_load %arg5[%swap3A_410] {strides = array<i32>} : memref<256xi32, #tpu.memory_space<vmem>>, vector<16xi32>,
          tpu.vector_store %arg5[%swap3A_410], %broadcast_in_dim3A_3 {strides = array<i32>} : memref<256xi32, #tpu.memory_space<vmem>>, vector<16xi32>,
          %swap3A_412 = arith.constant 240 : index
          %swap3A_413 = tpu.vector_load %arg5[%swap3A_412] {strides = array<i32>} : memref<256xi32, #tpu.memory_space<vmem>>, vector<16xi32>,
          tpu.vector_store %arg5[%swap3A_412], %broadcast_in_dim3A_3 {strides = array<i32>} : memref<256xi32, #tpu.memory_space<vmem>>, vector<16xi32>,
          %scan3A_414 = arith.constant 0 : i32
          %scan3A_415 = arith.constant 0 : i32
          %scan3A_416 = arith.constant 12 : i32
          %scan3A_417 = arith.addi %scan3A_415, %scan3A_416 : i32
          %scan3A_418 = arith.constant 1 : i32
          %scan3A_419 = scf.for %scan3A_1440 = %scan3A_415 to %scan3A_417 step %scan3A_418 iter_args(%scan3A_1441 = %scan3A_414) -> (i32)  : i32 {
            %mul3A_1442 = arith.constant 128 : i32
            %mul3A_1443 = arith.muli %scan3A_1440, %mul3A_1442 : i32
            %add3A_1444 = arith.constant 0 : i32
            %add3A_1445 = arith.addi %mul3A_1443, %add3A_1444 : i32
            %get3A_1446 = arith.index_cast %scan3A_27 : i32 to index
            %get3A_1447 = arith.index_cast %add3A_1445 : i32 to index
            %get3A_1448 = tpu.vector_load %arg4[%get3A_1446, %get3A_1447] {strides = array<i32>} : memref<16x1536xi32, #tpu.memory_space<vmem>>, vector<16xi32>,
            %shift_right_arithmetic3A = arith.constant 24 : i32
            %shift_right_arithmetic3A_1449 = vector.broadcast %shift_right_arithmetic3A : i32 to vector<16xi32>
            %shift_right_arithmetic3A_1450 = arith.shrsi %get3A_1448, %shift_right_arithmetic3A_1449 : vector<16xi32>
            %eq3A_1451 = vector.broadcast %sub3A_379 : i32 to vector<16xi32>
            %eq3A_1452 = arith.cmpi eq, %shift_right_arithmetic3A_1450, %eq3A_1451 : vector<16xi32>
            %shift_right_arithmetic3A_1453 = arith.constant 16 : i32
            %shift_right_arithmetic3A_1454 = vector.broadcast %shift_right_arithmetic3A_1453 : i32 to vector<16xi32>
            %shift_right_arithmetic3A_1455 = arith.shrsi %get3A_1448, %shift_right_arithmetic3A_1454 : vector<16xi32>
            %and3A_1456 = arith.constant 255 : i32
            %and3A_1457 = vector.broadcast %and3A_1456 : i32 to vector<16xi32>
            %and3A_1458 = arith.andi %shift_right_arithmetic3A_1455, %and3A_1457 : vector<16xi32>
            tpu.vector_store_idx %arg5[%and3A_1458], %broadcast_in_dim3A_1 masked %eq3A_1452 {add = true} : memref<256xi32, #tpu.memory_space<vmem>>[vector<16xi32>], vector<16xi32>, vector<16xi1>
            %mul3A_1459 = arith.constant 128 : i32
            %mul3A_1460 = arith.muli %scan3A_1440, %mul3A_1459 : i32
            %add3A_1461 = arith.constant 16 : i32
            %add3A_1462 = arith.addi %mul3A_1460, %add3A_1461 : i32
            %get3A_1463 = arith.index_cast %scan3A_27 : i32 to index
            %get3A_1464 = arith.index_cast %add3A_1462 : i32 to index
            %get3A_1465 = tpu.vector_load %arg4[%get3A_1463, %get3A_1464] {strides = array<i32>} : memref<16x1536xi32, #tpu.memory_space<vmem>>, vector<16xi32>,
            %shift_right_arithmetic3A_1466 = arith.constant 24 : i32
            %shift_right_arithmetic3A_1467 = vector.broadcast %shift_right_arithmetic3A_1466 : i32 to vector<16xi32>
            %shift_right_arithmetic3A_1468 = arith.shrsi %get3A_1465, %shift_right_arithmetic3A_1467 : vector<16xi32>
            %eq3A_1469 = vector.broadcast %sub3A_379 : i32 to vector<16xi32>
            %eq3A_1470 = arith.cmpi eq, %shift_right_arithmetic3A_1468, %eq3A_1469 : vector<16xi32>
            %shift_right_arithmetic3A_1471 = arith.constant 16 : i32
            %shift_right_arithmetic3A_1472 = vector.broadcast %shift_right_arithmetic3A_1471 : i32 to vector<16xi32>
            %shift_right_arithmetic3A_1473 = arith.shrsi %get3A_1465, %shift_right_arithmetic3A_1472 : vector<16xi32>
            %and3A_1474 = arith.constant 255 : i32
            %and3A_1475 = vector.broadcast %and3A_1474 : i32 to vector<16xi32>
            %and3A_1476 = arith.andi %shift_right_arithmetic3A_1473, %and3A_1475 : vector<16xi32>
            tpu.vector_store_idx %arg5[%and3A_1476], %broadcast_in_dim3A_1 masked %eq3A_1470 {add = true} : memref<256xi32, #tpu.memory_space<vmem>>[vector<16xi32>], vector<16xi32>, vector<16xi1>
            %mul3A_1477 = arith.constant 128 : i32
            %mul3A_1478 = arith.muli %scan3A_1440, %mul3A_1477 : i32
            %add3A_1479 = arith.constant 32 : i32
            %add3A_1480 = arith.addi %mul3A_1478, %add3A_1479 : i32
            %get3A_1481 = arith.index_cast %scan3A_27 : i32 to index
            %get3A_1482 = arith.index_cast %add3A_1480 : i32 to index
            %get3A_1483 = tpu.vector_load %arg4[%get3A_1481, %get3A_1482] {strides = array<i32>} : memref<16x1536xi32, #tpu.memory_space<vmem>>, vector<16xi32>,
            %shift_right_arithmetic3A_1484 = arith.constant 24 : i32
            %shift_right_arithmetic3A_1485 = vector.broadcast %shift_right_arithmetic3A_1484 : i32 to vector<16xi32>
            %shift_right_arithmetic3A_1486 = arith.shrsi %get3A_1483, %shift_right_arithmetic3A_1485 : vector<16xi32>
            %eq3A_1487 = vector.broadcast %sub3A_379 : i32 to vector<16xi32>
            %eq3A_1488 = arith.cmpi eq, %shift_right_arithmetic3A_1486, %eq3A_1487 : vector<16xi32>
            %shift_right_arithmetic3A_1489 = arith.constant 16 : i32
            %shift_right_arithmetic3A_1490 = vector.broadcast %shift_right_arithmetic3A_1489 : i32 to vector<16xi32>
            %shift_right_arithmetic3A_1491 = arith.shrsi %get3A_1483, %shift_right_arithmetic3A_1490 : vector<16xi32>
            %and3A_1492 = arith.constant 255 : i32
            %and3A_1493 = vector.broadcast %and3A_1492 : i32 to vector<16xi32>
            %and3A_1494 = arith.andi %shift_right_arithmetic3A_1491, %and3A_1493 : vector<16xi32>
            tpu.vector_store_idx %arg5[%and3A_1494], %broadcast_in_dim3A_1 masked %eq3A_1488 {add = true} : memref<256xi32, #tpu.memory_space<vmem>>[vector<16xi32>], vector<16xi32>, vector<16xi1>
            %mul3A_1495 = arith.constant 128 : i32
            %mul3A_1496 = arith.muli %scan3A_1440, %mul3A_1495 : i32
            %add3A_1497 = arith.constant 48 : i32
            %add3A_1498 = arith.addi %mul3A_1496, %add3A_1497 : i32
            %get3A_1499 = arith.index_cast %scan3A_27 : i32 to index
            %get3A_1500 = arith.index_cast %add3A_1498 : i32 to index
            %get3A_1501 = tpu.vector_load %arg4[%get3A_1499, %get3A_1500] {strides = array<i32>} : memref<16x1536xi32, #tpu.memory_space<vmem>>, vector<16xi32>,
            %shift_right_arithmetic3A_1502 = arith.constant 24 : i32
            %shift_right_arithmetic3A_1503 = vector.broadcast %shift_right_arithmetic3A_1502 : i32 to vector<16xi32>
            %shift_right_arithmetic3A_1504 = arith.shrsi %get3A_1501, %shift_right_arithmetic3A_1503 : vector<16xi32>
            %eq3A_1505 = vector.broadcast %sub3A_379 : i32 to vector<16xi32>
            %eq3A_1506 = arith.cmpi eq, %shift_right_arithmetic3A_1504, %eq3A_1505 : vector<16xi32>
            %shift_right_arithmetic3A_1507 = arith.constant 16 : i32
            %shift_right_arithmetic3A_1508 = vector.broadcast %shift_right_arithmetic3A_1507 : i32 to vector<16xi32>
            %shift_right_arithmetic3A_1509 = arith.shrsi %get3A_1501, %shift_right_arithmetic3A_1508 : vector<16xi32>
            %and3A_1510 = arith.constant 255 : i32
            %and3A_1511 = vector.broadcast %and3A_1510 : i32 to vector<16xi32>
            %and3A_1512 = arith.andi %shift_right_arithmetic3A_1509, %and3A_1511 : vector<16xi32>
            tpu.vector_store_idx %arg5[%and3A_1512], %broadcast_in_dim3A_1 masked %eq3A_1506 {add = true} : memref<256xi32, #tpu.memory_space<vmem>>[vector<16xi32>], vector<16xi32>, vector<16xi1>
            %mul3A_1513 = arith.constant 128 : i32
            %mul3A_1514 = arith.muli %scan3A_1440, %mul3A_1513 : i32
            %add3A_1515 = arith.constant 64 : i32
            %add3A_1516 = arith.addi %mul3A_1514, %add3A_1515 : i32
            %get3A_1517 = arith.index_cast %scan3A_27 : i32 to index
            %get3A_1518 = arith.index_cast %add3A_1516 : i32 to index
            %get3A_1519 = tpu.vector_load %arg4[%get3A_1517, %get3A_1518] {strides = array<i32>} : memref<16x1536xi32, #tpu.memory_space<vmem>>, vector<16xi32>,
            %shift_right_arithmetic3A_1520 = arith.constant 24 : i32
            %shift_right_arithmetic3A_1521 = vector.broadcast %shift_right_arithmetic3A_1520 : i32 to vector<16xi32>
            %shift_right_arithmetic3A_1522 = arith.shrsi %get3A_1519, %shift_right_arithmetic3A_1521 : vector<16xi32>
            %eq3A_1523 = vector.broadcast %sub3A_379 : i32 to vector<16xi32>
            %eq3A_1524 = arith.cmpi eq, %shift_right_arithmetic3A_1522, %eq3A_1523 : vector<16xi32>
            %shift_right_arithmetic3A_1525 = arith.constant 16 : i32
            %shift_right_arithmetic3A_1526 = vector.broadcast %shift_right_arithmetic3A_1525 : i32 to vector<16xi32>
            %shift_right_arithmetic3A_1527 = arith.shrsi %get3A_1519, %shift_right_arithmetic3A_1526 : vector<16xi32>
            %and3A_1528 = arith.constant 255 : i32
            %and3A_1529 = vector.broadcast %and3A_1528 : i32 to vector<16xi32>
            %and3A_1530 = arith.andi %shift_right_arithmetic3A_1527, %and3A_1529 : vector<16xi32>
            tpu.vector_store_idx %arg5[%and3A_1530], %broadcast_in_dim3A_1 masked %eq3A_1524 {add = true} : memref<256xi32, #tpu.memory_space<vmem>>[vector<16xi32>], vector<16xi32>, vector<16xi1>
            %mul3A_1531 = arith.constant 128 : i32
            %mul3A_1532 = arith.muli %scan3A_1440, %mul3A_1531 : i32
            %add3A_1533 = arith.constant 80 : i32
            %add3A_1534 = arith.addi %mul3A_1532, %add3A_1533 : i32
            %get3A_1535 = arith.index_cast %scan3A_27 : i32 to index
            %get3A_1536 = arith.index_cast %add3A_1534 : i32 to index
            %get3A_1537 = tpu.vector_load %arg4[%get3A_1535, %get3A_1536] {strides = array<i32>} : memref<16x1536xi32, #tpu.memory_space<vmem>>, vector<16xi32>,
            %shift_right_arithmetic3A_1538 = arith.constant 24 : i32
            %shift_right_arithmetic3A_1539 = vector.broadcast %shift_right_arithmetic3A_1538 : i32 to vector<16xi32>
            %shift_right_arithmetic3A_1540 = arith.shrsi %get3A_1537, %shift_right_arithmetic3A_1539 : vector<16xi32>
            %eq3A_1541 = vector.broadcast %sub3A_379 : i32 to vector<16xi32>
            %eq3A_1542 = arith.cmpi eq, %shift_right_arithmetic3A_1540, %eq3A_1541 : vector<16xi32>
            %shift_right_arithmetic3A_1543 = arith.constant 16 : i32
            %shift_right_arithmetic3A_1544 = vector.broadcast %shift_right_arithmetic3A_1543 : i32 to vector<16xi32>
            %shift_right_arithmetic3A_1545 = arith.shrsi %get3A_1537, %shift_right_arithmetic3A_1544 : vector<16xi32>
            %and3A_1546 = arith.constant 255 : i32
            %and3A_1547 = vector.broadcast %and3A_1546 : i32 to vector<16xi32>
            %and3A_1548 = arith.andi %shift_right_arithmetic3A_1545, %and3A_1547 : vector<16xi32>
            tpu.vector_store_idx %arg5[%and3A_1548], %broadcast_in_dim3A_1 masked %eq3A_1542 {add = true} : memref<256xi32, #tpu.memory_space<vmem>>[vector<16xi32>], vector<16xi32>, vector<16xi1>
            %mul3A_1549 = arith.constant 128 : i32
            %mul3A_1550 = arith.muli %scan3A_1440, %mul3A_1549 : i32
            %add3A_1551 = arith.constant 96 : i32
            %add3A_1552 = arith.addi %mul3A_1550, %add3A_1551 : i32
            %get3A_1553 = arith.index_cast %scan3A_27 : i32 to index
            %get3A_1554 = arith.index_cast %add3A_1552 : i32 to index
            %get3A_1555 = tpu.vector_load %arg4[%get3A_1553, %get3A_1554] {strides = array<i32>} : memref<16x1536xi32, #tpu.memory_space<vmem>>, vector<16xi32>,
            %shift_right_arithmetic3A_1556 = arith.constant 24 : i32
            %shift_right_arithmetic3A_1557 = vector.broadcast %shift_right_arithmetic3A_1556 : i32 to vector<16xi32>
            %shift_right_arithmetic3A_1558 = arith.shrsi %get3A_1555, %shift_right_arithmetic3A_1557 : vector<16xi32>
            %eq3A_1559 = vector.broadcast %sub3A_379 : i32 to vector<16xi32>
            %eq3A_1560 = arith.cmpi eq, %shift_right_arithmetic3A_1558, %eq3A_1559 : vector<16xi32>
            %shift_right_arithmetic3A_1561 = arith.constant 16 : i32
            %shift_right_arithmetic3A_1562 = vector.broadcast %shift_right_arithmetic3A_1561 : i32 to vector<16xi32>
            %shift_right_arithmetic3A_1563 = arith.shrsi %get3A_1555, %shift_right_arithmetic3A_1562 : vector<16xi32>
            %and3A_1564 = arith.constant 255 : i32
            %and3A_1565 = vector.broadcast %and3A_1564 : i32 to vector<16xi32>
            %and3A_1566 = arith.andi %shift_right_arithmetic3A_1563, %and3A_1565 : vector<16xi32>
            tpu.vector_store_idx %arg5[%and3A_1566], %broadcast_in_dim3A_1 masked %eq3A_1560 {add = true} : memref<256xi32, #tpu.memory_space<vmem>>[vector<16xi32>], vector<16xi32>, vector<16xi1>
            %mul3A_1567 = arith.constant 128 : i32
            %mul3A_1568 = arith.muli %scan3A_1440, %mul3A_1567 : i32
            %add3A_1569 = arith.constant 112 : i32
            %add3A_1570 = arith.addi %mul3A_1568, %add3A_1569 : i32
            %get3A_1571 = arith.index_cast %scan3A_27 : i32 to index
            %get3A_1572 = arith.index_cast %add3A_1570 : i32 to index
            %get3A_1573 = tpu.vector_load %arg4[%get3A_1571, %get3A_1572] {strides = array<i32>} : memref<16x1536xi32, #tpu.memory_space<vmem>>, vector<16xi32>,
            %shift_right_arithmetic3A_1574 = arith.constant 24 : i32
            %shift_right_arithmetic3A_1575 = vector.broadcast %shift_right_arithmetic3A_1574 : i32 to vector<16xi32>
            %shift_right_arithmetic3A_1576 = arith.shrsi %get3A_1573, %shift_right_arithmetic3A_1575 : vector<16xi32>
            %eq3A_1577 = vector.broadcast %sub3A_379 : i32 to vector<16xi32>
            %eq3A_1578 = arith.cmpi eq, %shift_right_arithmetic3A_1576, %eq3A_1577 : vector<16xi32>
            %shift_right_arithmetic3A_1579 = arith.constant 16 : i32
            %shift_right_arithmetic3A_1580 = vector.broadcast %shift_right_arithmetic3A_1579 : i32 to vector<16xi32>
            %shift_right_arithmetic3A_1581 = arith.shrsi %get3A_1573, %shift_right_arithmetic3A_1580 : vector<16xi32>
            %and3A_1582 = arith.constant 255 : i32
            %and3A_1583 = vector.broadcast %and3A_1582 : i32 to vector<16xi32>
            %and3A_1584 = arith.andi %shift_right_arithmetic3A_1581, %and3A_1583 : vector<16xi32>
            tpu.vector_store_idx %arg5[%and3A_1584], %broadcast_in_dim3A_1 masked %eq3A_1578 {add = true} : memref<256xi32, #tpu.memory_space<vmem>>[vector<16xi32>], vector<16xi32>, vector<16xi1>
            %scan3A_1585 = arith.constant 0 : i32
            scf.yield %scan3A_1585 : i32
          }
          %scan3A_420 = arith.constant 12 : i32
          %get3A_421 = arith.constant 0 : index
          %get3A_422 = tpu.vector_load %arg5[%get3A_421] {strides = array<i32>} : memref<256xi32, #tpu.memory_space<vmem>>, vector<16xi32>,
          %reduce_sum3A_423 = arith.constant true
          %reduce_sum3A_424 = vector.broadcast %reduce_sum3A_423 : i1 to vector<16xi1>
          %reduce_sum3A_425 = tpu.scan <sum>, %get3A_422 masked %reduce_sum3A_424 : vector<16xi32>, vector<16xi1> -> vector<16xi32>
          %reduce_sum3A_426 = vector.extract %reduce_sum3A_425[15] : i32 from vector<16xi32>
          %get3A_427 = arith.constant 16 : index
          %get3A_428 = tpu.vector_load %arg5[%get3A_427] {strides = array<i32>} : memref<256xi32, #tpu.memory_space<vmem>>, vector<16xi32>,
          %reduce_sum3A_429 = arith.constant true
          %reduce_sum3A_430 = vector.broadcast %reduce_sum3A_429 : i1 to vector<16xi1>
          %reduce_sum3A_431 = tpu.scan <sum>, %get3A_428 masked %reduce_sum3A_430 : vector<16xi32>, vector<16xi1> -> vector<16xi32>
          %reduce_sum3A_432 = vector.extract %reduce_sum3A_431[15] : i32 from vector<16xi32>
          %get3A_433 = arith.constant 32 : index
          %get3A_434 = tpu.vector_load %arg5[%get3A_433] {strides = array<i32>} : memref<256xi32, #tpu.memory_space<vmem>>, vector<16xi32>,
          %reduce_sum3A_435 = arith.constant true
          %reduce_sum3A_436 = vector.broadcast %reduce_sum3A_435 : i1 to vector<16xi1>
          %reduce_sum3A_437 = tpu.scan <sum>, %get3A_434 masked %reduce_sum3A_436 : vector<16xi32>, vector<16xi1> -> vector<16xi32>
          %reduce_sum3A_438 = vector.extract %reduce_sum3A_437[15] : i32 from vector<16xi32>
          %get3A_439 = arith.constant 48 : index
          %get3A_440 = tpu.vector_load %arg5[%get3A_439] {strides = array<i32>} : memref<256xi32, #tpu.memory_space<vmem>>, vector<16xi32>,
          %reduce_sum3A_441 = arith.constant true
          %reduce_sum3A_442 = vector.broadcast %reduce_sum3A_441 : i1 to vector<16xi1>
          %reduce_sum3A_443 = tpu.scan <sum>, %get3A_440 masked %reduce_sum3A_442 : vector<16xi32>, vector<16xi1> -> vector<16xi32>
          %reduce_sum3A_444 = vector.extract %reduce_sum3A_443[15] : i32 from vector<16xi32>
          %get3A_445 = arith.constant 64 : index
          %get3A_446 = tpu.vector_load %arg5[%get3A_445] {strides = array<i32>} : memref<256xi32, #tpu.memory_space<vmem>>, vector<16xi32>,
          %reduce_sum3A_447 = arith.constant true
          %reduce_sum3A_448 = vector.broadcast %reduce_sum3A_447 : i1 to vector<16xi1>
          %reduce_sum3A_449 = tpu.scan <sum>, %get3A_446 masked %reduce_sum3A_448 : vector<16xi32>, vector<16xi1> -> vector<16xi32>
          %reduce_sum3A_450 = vector.extract %reduce_sum3A_449[15] : i32 from vector<16xi32>
          %get3A_451 = arith.constant 80 : index
          %get3A_452 = tpu.vector_load %arg5[%get3A_451] {strides = array<i32>} : memref<256xi32, #tpu.memory_space<vmem>>, vector<16xi32>,
          %reduce_sum3A_453 = arith.constant true
          %reduce_sum3A_454 = vector.broadcast %reduce_sum3A_453 : i1 to vector<16xi1>
          %reduce_sum3A_455 = tpu.scan <sum>, %get3A_452 masked %reduce_sum3A_454 : vector<16xi32>, vector<16xi1> -> vector<16xi32>
          %reduce_sum3A_456 = vector.extract %reduce_sum3A_455[15] : i32 from vector<16xi32>
          %get3A_457 = arith.constant 96 : index
          %get3A_458 = tpu.vector_load %arg5[%get3A_457] {strides = array<i32>} : memref<256xi32, #tpu.memory_space<vmem>>, vector<16xi32>,
          %reduce_sum3A_459 = arith.constant true
          %reduce_sum3A_460 = vector.broadcast %reduce_sum3A_459 : i1 to vector<16xi1>
          %reduce_sum3A_461 = tpu.scan <sum>, %get3A_458 masked %reduce_sum3A_460 : vector<16xi32>, vector<16xi1> -> vector<16xi32>
          %reduce_sum3A_462 = vector.extract %reduce_sum3A_461[15] : i32 from vector<16xi32>
          %get3A_463 = arith.constant 112 : index
          %get3A_464 = tpu.vector_load %arg5[%get3A_463] {strides = array<i32>} : memref<256xi32, #tpu.memory_space<vmem>>, vector<16xi32>,
          %reduce_sum3A_465 = arith.constant true
          %reduce_sum3A_466 = vector.broadcast %reduce_sum3A_465 : i1 to vector<16xi1>
          %reduce_sum3A_467 = tpu.scan <sum>, %get3A_464 masked %reduce_sum3A_466 : vector<16xi32>, vector<16xi1> -> vector<16xi32>
          %reduce_sum3A_468 = vector.extract %reduce_sum3A_467[15] : i32 from vector<16xi32>
          %get3A_469 = arith.constant 128 : index
          %get3A_470 = tpu.vector_load %arg5[%get3A_469] {strides = array<i32>} : memref<256xi32, #tpu.memory_space<vmem>>, vector<16xi32>,
          %reduce_sum3A_471 = arith.constant true
          %reduce_sum3A_472 = vector.broadcast %reduce_sum3A_471 : i1 to vector<16xi1>
          %reduce_sum3A_473 = tpu.scan <sum>, %get3A_470 masked %reduce_sum3A_472 : vector<16xi32>, vector<16xi1> -> vector<16xi32>
          %reduce_sum3A_474 = vector.extract %reduce_sum3A_473[15] : i32 from vector<16xi32>
          %get3A_475 = arith.constant 144 : index
          %get3A_476 = tpu.vector_load %arg5[%get3A_475] {strides = array<i32>} : memref<256xi32, #tpu.memory_space<vmem>>, vector<16xi32>,
          %reduce_sum3A_477 = arith.constant true
          %reduce_sum3A_478 = vector.broadcast %reduce_sum3A_477 : i1 to vector<16xi1>
          %reduce_sum3A_479 = tpu.scan <sum>, %get3A_476 masked %reduce_sum3A_478 : vector<16xi32>, vector<16xi1> -> vector<16xi32>
          %reduce_sum3A_480 = vector.extract %reduce_sum3A_479[15] : i32 from vector<16xi32>
          %get3A_481 = arith.constant 160 : index
          %get3A_482 = tpu.vector_load %arg5[%get3A_481] {strides = array<i32>} : memref<256xi32, #tpu.memory_space<vmem>>, vector<16xi32>,
          %reduce_sum3A_483 = arith.constant true
          %reduce_sum3A_484 = vector.broadcast %reduce_sum3A_483 : i1 to vector<16xi1>
          %reduce_sum3A_485 = tpu.scan <sum>, %get3A_482 masked %reduce_sum3A_484 : vector<16xi32>, vector<16xi1> -> vector<16xi32>
          %reduce_sum3A_486 = vector.extract %reduce_sum3A_485[15] : i32 from vector<16xi32>
          %get3A_487 = arith.constant 176 : index
          %get3A_488 = tpu.vector_load %arg5[%get3A_487] {strides = array<i32>} : memref<256xi32, #tpu.memory_space<vmem>>, vector<16xi32>,
          %reduce_sum3A_489 = arith.constant true
          %reduce_sum3A_490 = vector.broadcast %reduce_sum3A_489 : i1 to vector<16xi1>
          %reduce_sum3A_491 = tpu.scan <sum>, %get3A_488 masked %reduce_sum3A_490 : vector<16xi32>, vector<16xi1> -> vector<16xi32>
          %reduce_sum3A_492 = vector.extract %reduce_sum3A_491[15] : i32 from vector<16xi32>
          %get3A_493 = arith.constant 192 : index
          %get3A_494 = tpu.vector_load %arg5[%get3A_493] {strides = array<i32>} : memref<256xi32, #tpu.memory_space<vmem>>, vector<16xi32>,
          %reduce_sum3A_495 = arith.constant true
          %reduce_sum3A_496 = vector.broadcast %reduce_sum3A_495 : i1 to vector<16xi1>
          %reduce_sum3A_497 = tpu.scan <sum>, %get3A_494 masked %reduce_sum3A_496 : vector<16xi32>, vector<16xi1> -> vector<16xi32>
          %reduce_sum3A_498 = vector.extract %reduce_sum3A_497[15] : i32 from vector<16xi32>
          %get3A_499 = arith.constant 208 : index
          %get3A_500 = tpu.vector_load %arg5[%get3A_499] {strides = array<i32>} : memref<256xi32, #tpu.memory_space<vmem>>, vector<16xi32>,
          %reduce_sum3A_501 = arith.constant true
          %reduce_sum3A_502 = vector.broadcast %reduce_sum3A_501 : i1 to vector<16xi1>
          %reduce_sum3A_503 = tpu.scan <sum>, %get3A_500 masked %reduce_sum3A_502 : vector<16xi32>, vector<16xi1> -> vector<16xi32>
          %reduce_sum3A_504 = vector.extract %reduce_sum3A_503[15] : i32 from vector<16xi32>
          %get3A_505 = arith.constant 224 : index
          %get3A_506 = tpu.vector_load %arg5[%get3A_505] {strides = array<i32>} : memref<256xi32, #tpu.memory_space<vmem>>, vector<16xi32>,
          %reduce_sum3A_507 = arith.constant true
          %reduce_sum3A_508 = vector.broadcast %reduce_sum3A_507 : i1 to vector<16xi1>
          %reduce_sum3A_509 = tpu.scan <sum>, %get3A_506 masked %reduce_sum3A_508 : vector<16xi32>, vector<16xi1> -> vector<16xi32>
          %reduce_sum3A_510 = vector.extract %reduce_sum3A_509[15] : i32 from vector<16xi32>
          %get3A_511 = arith.constant 240 : index
          %get3A_512 = tpu.vector_load %arg5[%get3A_511] {strides = array<i32>} : memref<256xi32, #tpu.memory_space<vmem>>, vector<16xi32>,
          %reduce_sum3A_513 = arith.constant true
          %reduce_sum3A_514 = vector.broadcast %reduce_sum3A_513 : i1 to vector<16xi1>
          %reduce_sum3A_515 = tpu.scan <sum>, %get3A_512 masked %reduce_sum3A_514 : vector<16xi32>, vector<16xi1> -> vector<16xi32>
          %reduce_sum3A_516 = vector.extract %reduce_sum3A_515[15] : i32 from vector<16xi32>
          %not3A_517 = arith.constant false
          %not3A_518 = arith.constant true
          %not3A_519 = arith.xori %not3A_517, %not3A_518 : i1
          %add3A_520 = arith.constant 0 : i32
          %add3A_521 = arith.addi %add3A_520, %reduce_sum3A_516 : i32
          %ge3A_522 = arith.cmpi sge, %add3A_521, %sub3A_381 : i32
          %and3A_523 = arith.andi %not3A_519, %ge3A_522 : i1
          %jit3A_524 = arith.constant 15 : i32
          %jit3A_525 = arith.constant 0 : i32
          %select_n3A_526 = arith.select %and3A_523, %jit3A_524, %jit3A_525 : i32
          %jit3A_527 = arith.constant 0 : i32
          %jit3A_528 = arith.constant 0 : i32
          %select_n3A_529 = arith.select %and3A_523, %jit3A_527, %jit3A_528 : i32
          %or3A_530 = arith.constant false
          %or3A_531 = arith.ori %or3A_530, %and3A_523 : i1
          %add3A_532 = arith.constant 0 : i32
          %add3A_533 = arith.addi %add3A_532, %reduce_sum3A_516 : i32
          %not3A_534 = arith.constant true
          %not3A_535 = arith.xori %or3A_531, %not3A_534 : i1
          %add3A_536 = arith.addi %add3A_533, %reduce_sum3A_510 : i32
          %ge3A_537 = arith.cmpi sge, %add3A_536, %sub3A_381 : i32
          %and3A_538 = arith.andi %not3A_535, %ge3A_537 : i1
          %jit3A_539 = arith.constant 14 : i32
          %select_n3A_540 = arith.select %and3A_538, %jit3A_539, %select_n3A_526 : i32
          %select_n3A_541 = arith.select %and3A_538, %add3A_533, %select_n3A_529 : i32
          %or3A_542 = arith.ori %or3A_531, %and3A_538 : i1
          %add3A_543 = arith.addi %add3A_533, %reduce_sum3A_510 : i32
          %not3A_544 = arith.constant true
          %not3A_545 = arith.xori %or3A_542, %not3A_544 : i1
          %add3A_546 = arith.addi %add3A_543, %reduce_sum3A_504 : i32
          %ge3A_547 = arith.cmpi sge, %add3A_546, %sub3A_381 : i32
          %and3A_548 = arith.andi %not3A_545, %ge3A_547 : i1
          %jit3A_549 = arith.constant 13 : i32
          %select_n3A_550 = arith.select %and3A_548, %jit3A_549, %select_n3A_540 : i32
          %select_n3A_551 = arith.select %and3A_548, %add3A_543, %select_n3A_541 : i32
          %or3A_552 = arith.ori %or3A_542, %and3A_548 : i1
          %add3A_553 = arith.addi %add3A_543, %reduce_sum3A_504 : i32
          %not3A_554 = arith.constant true
          %not3A_555 = arith.xori %or3A_552, %not3A_554 : i1
          %add3A_556 = arith.addi %add3A_553, %reduce_sum3A_498 : i32
          %ge3A_557 = arith.cmpi sge, %add3A_556, %sub3A_381 : i32
          %and3A_558 = arith.andi %not3A_555, %ge3A_557 : i1
          %jit3A_559 = arith.constant 12 : i32
          %select_n3A_560 = arith.select %and3A_558, %jit3A_559, %select_n3A_550 : i32
          %select_n3A_561 = arith.select %and3A_558, %add3A_553, %select_n3A_551 : i32
          %or3A_562 = arith.ori %or3A_552, %and3A_558 : i1
          %add3A_563 = arith.addi %add3A_553, %reduce_sum3A_498 : i32
          %not3A_564 = arith.constant true
          %not3A_565 = arith.xori %or3A_562, %not3A_564 : i1
          %add3A_566 = arith.addi %add3A_563, %reduce_sum3A_492 : i32
          %ge3A_567 = arith.cmpi sge, %add3A_566, %sub3A_381 : i32
          %and3A_568 = arith.andi %not3A_565, %ge3A_567 : i1
          %jit3A_569 = arith.constant 11 : i32
          %select_n3A_570 = arith.select %and3A_568, %jit3A_569, %select_n3A_560 : i32
          %select_n3A_571 = arith.select %and3A_568, %add3A_563, %select_n3A_561 : i32
          %or3A_572 = arith.ori %or3A_562, %and3A_568 : i1
          %add3A_573 = arith.addi %add3A_563, %reduce_sum3A_492 : i32
          %not3A_574 = arith.constant true
          %not3A_575 = arith.xori %or3A_572, %not3A_574 : i1
          %add3A_576 = arith.addi %add3A_573, %reduce_sum3A_486 : i32
          %ge3A_577 = arith.cmpi sge, %add3A_576, %sub3A_381 : i32
          %and3A_578 = arith.andi %not3A_575, %ge3A_577 : i1
          %jit3A_579 = arith.constant 10 : i32
          %select_n3A_580 = arith.select %and3A_578, %jit3A_579, %select_n3A_570 : i32
          %select_n3A_581 = arith.select %and3A_578, %add3A_573, %select_n3A_571 : i32
          %or3A_582 = arith.ori %or3A_572, %and3A_578 : i1
          %add3A_583 = arith.addi %add3A_573, %reduce_sum3A_486 : i32
          %not3A_584 = arith.constant true
          %not3A_585 = arith.xori %or3A_582, %not3A_584 : i1
          %add3A_586 = arith.addi %add3A_583, %reduce_sum3A_480 : i32
          %ge3A_587 = arith.cmpi sge, %add3A_586, %sub3A_381 : i32
          %and3A_588 = arith.andi %not3A_585, %ge3A_587 : i1
          %jit3A_589 = arith.constant 9 : i32
          %select_n3A_590 = arith.select %and3A_588, %jit3A_589, %select_n3A_580 : i32
          %select_n3A_591 = arith.select %and3A_588, %add3A_583, %select_n3A_581 : i32
          %or3A_592 = arith.ori %or3A_582, %and3A_588 : i1
          %add3A_593 = arith.addi %add3A_583, %reduce_sum3A_480 : i32
          %not3A_594 = arith.constant true
          %not3A_595 = arith.xori %or3A_592, %not3A_594 : i1
          %add3A_596 = arith.addi %add3A_593, %reduce_sum3A_474 : i32
          %ge3A_597 = arith.cmpi sge, %add3A_596, %sub3A_381 : i32
          %and3A_598 = arith.andi %not3A_595, %ge3A_597 : i1
          %jit3A_599 = arith.constant 8 : i32
          %select_n3A_600 = arith.select %and3A_598, %jit3A_599, %select_n3A_590 : i32
          %select_n3A_601 = arith.select %and3A_598, %add3A_593, %select_n3A_591 : i32
          %or3A_602 = arith.ori %or3A_592, %and3A_598 : i1
          %add3A_603 = arith.addi %add3A_593, %reduce_sum3A_474 : i32
          %not3A_604 = arith.constant true
          %not3A_605 = arith.xori %or3A_602, %not3A_604 : i1
          %add3A_606 = arith.addi %add3A_603, %reduce_sum3A_468 : i32
          %ge3A_607 = arith.cmpi sge, %add3A_606, %sub3A_381 : i32
          %and3A_608 = arith.andi %not3A_605, %ge3A_607 : i1
          %jit3A_609 = arith.constant 7 : i32
          %select_n3A_610 = arith.select %and3A_608, %jit3A_609, %select_n3A_600 : i32
          %select_n3A_611 = arith.select %and3A_608, %add3A_603, %select_n3A_601 : i32
          %or3A_612 = arith.ori %or3A_602, %and3A_608 : i1
          %add3A_613 = arith.addi %add3A_603, %reduce_sum3A_468 : i32
          %not3A_614 = arith.constant true
          %not3A_615 = arith.xori %or3A_612, %not3A_614 : i1
          %add3A_616 = arith.addi %add3A_613, %reduce_sum3A_462 : i32
          %ge3A_617 = arith.cmpi sge, %add3A_616, %sub3A_381 : i32
          %and3A_618 = arith.andi %not3A_615, %ge3A_617 : i1
          %jit3A_619 = arith.constant 6 : i32
          %select_n3A_620 = arith.select %and3A_618, %jit3A_619, %select_n3A_610 : i32
          %select_n3A_621 = arith.select %and3A_618, %add3A_613, %select_n3A_611 : i32
          %or3A_622 = arith.ori %or3A_612, %and3A_618 : i1
          %add3A_623 = arith.addi %add3A_613, %reduce_sum3A_462 : i32
          %not3A_624 = arith.constant true
          %not3A_625 = arith.xori %or3A_622, %not3A_624 : i1
          %add3A_626 = arith.addi %add3A_623, %reduce_sum3A_456 : i32
          %ge3A_627 = arith.cmpi sge, %add3A_626, %sub3A_381 : i32
          %and3A_628 = arith.andi %not3A_625, %ge3A_627 : i1
          %jit3A_629 = arith.constant 5 : i32
          %select_n3A_630 = arith.select %and3A_628, %jit3A_629, %select_n3A_620 : i32
          %select_n3A_631 = arith.select %and3A_628, %add3A_623, %select_n3A_621 : i32
          %or3A_632 = arith.ori %or3A_622, %and3A_628 : i1
          %add3A_633 = arith.addi %add3A_623, %reduce_sum3A_456 : i32
          %not3A_634 = arith.constant true
          %not3A_635 = arith.xori %or3A_632, %not3A_634 : i1
          %add3A_636 = arith.addi %add3A_633, %reduce_sum3A_450 : i32
          %ge3A_637 = arith.cmpi sge, %add3A_636, %sub3A_381 : i32
          %and3A_638 = arith.andi %not3A_635, %ge3A_637 : i1
          %jit3A_639 = arith.constant 4 : i32
          %select_n3A_640 = arith.select %and3A_638, %jit3A_639, %select_n3A_630 : i32
          %select_n3A_641 = arith.select %and3A_638, %add3A_633, %select_n3A_631 : i32
          %or3A_642 = arith.ori %or3A_632, %and3A_638 : i1
          %add3A_643 = arith.addi %add3A_633, %reduce_sum3A_450 : i32
          %not3A_644 = arith.constant true
          %not3A_645 = arith.xori %or3A_642, %not3A_644 : i1
          %add3A_646 = arith.addi %add3A_643, %reduce_sum3A_444 : i32
          %ge3A_647 = arith.cmpi sge, %add3A_646, %sub3A_381 : i32
          %and3A_648 = arith.andi %not3A_645, %ge3A_647 : i1
          %jit3A_649 = arith.constant 3 : i32
          %select_n3A_650 = arith.select %and3A_648, %jit3A_649, %select_n3A_640 : i32
          %select_n3A_651 = arith.select %and3A_648, %add3A_643, %select_n3A_641 : i32
          %or3A_652 = arith.ori %or3A_642, %and3A_648 : i1
          %add3A_653 = arith.addi %add3A_643, %reduce_sum3A_444 : i32
          %not3A_654 = arith.constant true
          %not3A_655 = arith.xori %or3A_652, %not3A_654 : i1
          %add3A_656 = arith.addi %add3A_653, %reduce_sum3A_438 : i32
          %ge3A_657 = arith.cmpi sge, %add3A_656, %sub3A_381 : i32
          %and3A_658 = arith.andi %not3A_655, %ge3A_657 : i1
          %jit3A_659 = arith.constant 2 : i32
          %select_n3A_660 = arith.select %and3A_658, %jit3A_659, %select_n3A_650 : i32
          %select_n3A_661 = arith.select %and3A_658, %add3A_653, %select_n3A_651 : i32
          %or3A_662 = arith.ori %or3A_652, %and3A_658 : i1
          %add3A_663 = arith.addi %add3A_653, %reduce_sum3A_438 : i32
          %not3A_664 = arith.constant true
          %not3A_665 = arith.xori %or3A_662, %not3A_664 : i1
          %add3A_666 = arith.addi %add3A_663, %reduce_sum3A_432 : i32
          %ge3A_667 = arith.cmpi sge, %add3A_666, %sub3A_381 : i32
          %and3A_668 = arith.andi %not3A_665, %ge3A_667 : i1
          %jit3A_669 = arith.constant 1 : i32
          %select_n3A_670 = arith.select %and3A_668, %jit3A_669, %select_n3A_660 : i32
          %select_n3A_671 = arith.select %and3A_668, %add3A_663, %select_n3A_661 : i32
          %or3A_672 = arith.ori %or3A_662, %and3A_668 : i1
          %add3A_673 = arith.addi %add3A_663, %reduce_sum3A_432 : i32
          %not3A_674 = arith.constant true
          %not3A_675 = arith.xori %or3A_672, %not3A_674 : i1
          %add3A_676 = arith.addi %add3A_673, %reduce_sum3A_426 : i32
          %ge3A_677 = arith.cmpi sge, %add3A_676, %sub3A_381 : i32
          %and3A_678 = arith.andi %not3A_675, %ge3A_677 : i1
          %jit3A_679 = arith.constant 0 : i32
          %select_n3A_680 = arith.select %and3A_678, %jit3A_679, %select_n3A_670 : i32
          %select_n3A_681 = arith.select %and3A_678, %add3A_673, %select_n3A_671 : i32
          %or3A_682 = arith.ori %or3A_672, %and3A_678 : i1
          %add3A_683 = arith.addi %add3A_673, %reduce_sum3A_426 : i32
          %mul3A_684 = arith.constant 16 : i32
          %mul3A_685 = arith.muli %select_n3A_680, %mul3A_684 : i32
          %get3A_686 = arith.index_cast %mul3A_685 : i32 to index
          %get3A_687 = tpu.vector_load %arg5[%get3A_686] {strides = array<i32>} : memref<256xi32, #tpu.memory_space<vmem>>, vector<16xi32>,
          %rev3A_688 = arith.constant 15 : i32
          %rev3A_689 = vector.broadcast %rev3A_688 : i32 to vector<16xi32>
          %rev3A_690 = tpu.iota {dimensions = array<i32: 0>} : vector<16xi32>
          %rev3A_691 = arith.subi %rev3A_689, %rev3A_690 : vector<16xi32>
          %rev3A_692 = tpu.dynamic_gather %get3A_687[%rev3A_691] in [0] : vector<16xi32>, vector<16xi32> -> vector<16xi32>
          %broadcast_in_dim3A_693 = arith.constant true
          %broadcast_in_dim3A_694 = vector.broadcast %broadcast_in_dim3A_693 : i1 to vector<16xi1>
          %masked_cumsum3A_695 = tpu.scan <sum>, %rev3A_692 masked %broadcast_in_dim3A_694 : vector<16xi32>, vector<16xi1> -> vector<16xi32>
          %add3A_696 = vector.broadcast %select_n3A_681 : i32 to vector<16xi32>
          %add3A_697 = arith.addi %add3A_696, %masked_cumsum3A_695 : vector<16xi32>
          %ge3A_698 = vector.broadcast %sub3A_381 : i32 to vector<16xi32>
          %ge3A_699 = arith.cmpi sge, %add3A_697, %ge3A_698 : vector<16xi32>
          %all_reduce_ffs3A_700 = tpu.all_reduce %ge3A_699 {dim = 0 : i64, kind = #tpu.reduction_kind<find_first_set>} : vector<16xi1> -> vector<16xi32>
          %sub3A_701 = arith.constant 1 : i32
          %sub3A_702 = vector.broadcast %sub3A_701 : i32 to vector<16xi32>
          %sub3A_703 = arith.subi %all_reduce_ffs3A_700, %sub3A_702 : vector<16xi32>
          %eq3A_704 = arith.cmpi eq, %iota3A, %sub3A_703 : vector<16xi32>
          %jit3A_705 = arith.constant 0 : i32
          %broadcast_in_dim3A_706 = vector.broadcast %jit3A_705 : i32 to vector<16xi32>
          %select_n3A_707 = arith.select %eq3A_704, %masked_cumsum3A_695, %broadcast_in_dim3A_706 : vector<16xi1>, vector<16xi32>
          %reduce_sum3A_708 = arith.constant true
          %reduce_sum3A_709 = vector.broadcast %reduce_sum3A_708 : i1 to vector<16xi1>
          %reduce_sum3A_710 = tpu.scan <sum>, %select_n3A_707 masked %reduce_sum3A_709 : vector<16xi32>, vector<16xi1> -> vector<16xi32>
          %reduce_sum3A_711 = vector.extract %reduce_sum3A_710[15] : i32 from vector<16xi32>
          %mul3A_712 = arith.constant 16 : i32
          %mul3A_713 = arith.muli %select_n3A_680, %mul3A_712 : i32
          %add3A_714 = arith.constant 15 : i32
          %add3A_715 = arith.addi %mul3A_713, %add3A_714 : i32
          %eq3A_716 = arith.constant 0 : i32
          %eq3A_717 = vector.broadcast %eq3A_716 : i32 to vector<16xi32>
          %eq3A_718 = arith.cmpi eq, %iota3A, %eq3A_717 : vector<16xi32>
          %jit3A_719 = arith.constant 0 : i32
          %broadcast_in_dim3A_720 = vector.broadcast %jit3A_719 : i32 to vector<16xi32>
          %select_n3A_721 = arith.select %eq3A_718, %all_reduce_ffs3A_700, %broadcast_in_dim3A_720 : vector<16xi1>, vector<16xi32>
          %reduce_sum3A_722 = arith.constant true
          %reduce_sum3A_723 = vector.broadcast %reduce_sum3A_722 : i1 to vector<16xi1>
          %reduce_sum3A_724 = tpu.scan <sum>, %select_n3A_721 masked %reduce_sum3A_723 : vector<16xi32>, vector<16xi1> -> vector<16xi32>
          %reduce_sum3A_725 = vector.extract %reduce_sum3A_724[15] : i32 from vector<16xi32>
          %sub3A_726 = arith.subi %add3A_715, %reduce_sum3A_725 : i32
          %add3A_727 = arith.addi %select_n3A_681, %reduce_sum3A_711 : i32
          %mul3A_728 = arith.constant 256 : i32
          %mul3A_729 = arith.muli %sub3A_379, %mul3A_728 : i32
          %add3A_730 = arith.addi %mul3A_729, %sub3A_726 : i32
          %sub3A_731 = arith.subi %sub3A_381, %add3A_727 : i32
          %swap3A_732 = arith.constant 0 : index
          %swap3A_733 = tpu.vector_load %arg5[%swap3A_732] {strides = array<i32>} : memref<256xi32, #tpu.memory_space<vmem>>, vector<16xi32>,
          tpu.vector_store %arg5[%swap3A_732], %broadcast_in_dim3A_3 {strides = array<i32>} : memref<256xi32, #tpu.memory_space<vmem>>, vector<16xi32>,
          %swap3A_734 = arith.constant 16 : index
          %swap3A_735 = tpu.vector_load %arg5[%swap3A_734] {strides = array<i32>} : memref<256xi32, #tpu.memory_space<vmem>>, vector<16xi32>,
          tpu.vector_store %arg5[%swap3A_734], %broadcast_in_dim3A_3 {strides = array<i32>} : memref<256xi32, #tpu.memory_space<vmem>>, vector<16xi32>,
          %swap3A_736 = arith.constant 32 : index
          %swap3A_737 = tpu.vector_load %arg5[%swap3A_736] {strides = array<i32>} : memref<256xi32, #tpu.memory_space<vmem>>, vector<16xi32>,
          tpu.vector_store %arg5[%swap3A_736], %broadcast_in_dim3A_3 {strides = array<i32>} : memref<256xi32, #tpu.memory_space<vmem>>, vector<16xi32>,
          %swap3A_738 = arith.constant 48 : index
          %swap3A_739 = tpu.vector_load %arg5[%swap3A_738] {strides = array<i32>} : memref<256xi32, #tpu.memory_space<vmem>>, vector<16xi32>,
          tpu.vector_store %arg5[%swap3A_738], %broadcast_in_dim3A_3 {strides = array<i32>} : memref<256xi32, #tpu.memory_space<vmem>>, vector<16xi32>,
          %swap3A_740 = arith.constant 64 : index
          %swap3A_741 = tpu.vector_load %arg5[%swap3A_740] {strides = array<i32>} : memref<256xi32, #tpu.memory_space<vmem>>, vector<16xi32>,
          tpu.vector_store %arg5[%swap3A_740], %broadcast_in_dim3A_3 {strides = array<i32>} : memref<256xi32, #tpu.memory_space<vmem>>, vector<16xi32>,
          %swap3A_742 = arith.constant 80 : index
          %swap3A_743 = tpu.vector_load %arg5[%swap3A_742] {strides = array<i32>} : memref<256xi32, #tpu.memory_space<vmem>>, vector<16xi32>,
          tpu.vector_store %arg5[%swap3A_742], %broadcast_in_dim3A_3 {strides = array<i32>} : memref<256xi32, #tpu.memory_space<vmem>>, vector<16xi32>,
          %swap3A_744 = arith.constant 96 : index
          %swap3A_745 = tpu.vector_load %arg5[%swap3A_744] {strides = array<i32>} : memref<256xi32, #tpu.memory_space<vmem>>, vector<16xi32>,
          tpu.vector_store %arg5[%swap3A_744], %broadcast_in_dim3A_3 {strides = array<i32>} : memref<256xi32, #tpu.memory_space<vmem>>, vector<16xi32>,
          %swap3A_746 = arith.constant 112 : index
          %swap3A_747 = tpu.vector_load %arg5[%swap3A_746] {strides = array<i32>} : memref<256xi32, #tpu.memory_space<vmem>>, vector<16xi32>,
          tpu.vector_store %arg5[%swap3A_746], %broadcast_in_dim3A_3 {strides = array<i32>} : memref<256xi32, #tpu.memory_space<vmem>>, vector<16xi32>,
          %swap3A_748 = arith.constant 128 : index
          %swap3A_749 = tpu.vector_load %arg5[%swap3A_748] {strides = array<i32>} : memref<256xi32, #tpu.memory_space<vmem>>, vector<16xi32>,
          tpu.vector_store %arg5[%swap3A_748], %broadcast_in_dim3A_3 {strides = array<i32>} : memref<256xi32, #tpu.memory_space<vmem>>, vector<16xi32>,
          %swap3A_750 = arith.constant 144 : index
          %swap3A_751 = tpu.vector_load %arg5[%swap3A_750] {strides = array<i32>} : memref<256xi32, #tpu.memory_space<vmem>>, vector<16xi32>,
          tpu.vector_store %arg5[%swap3A_750], %broadcast_in_dim3A_3 {strides = array<i32>} : memref<256xi32, #tpu.memory_space<vmem>>, vector<16xi32>,
          %swap3A_752 = arith.constant 160 : index
          %swap3A_753 = tpu.vector_load %arg5[%swap3A_752] {strides = array<i32>} : memref<256xi32, #tpu.memory_space<vmem>>, vector<16xi32>,
          tpu.vector_store %arg5[%swap3A_752], %broadcast_in_dim3A_3 {strides = array<i32>} : memref<256xi32, #tpu.memory_space<vmem>>, vector<16xi32>,
          %swap3A_754 = arith.constant 176 : index
          %swap3A_755 = tpu.vector_load %arg5[%swap3A_754] {strides = array<i32>} : memref<256xi32, #tpu.memory_space<vmem>>, vector<16xi32>,
          tpu.vector_store %arg5[%swap3A_754], %broadcast_in_dim3A_3 {strides = array<i32>} : memref<256xi32, #tpu.memory_space<vmem>>, vector<16xi32>,
          %swap3A_756 = arith.constant 192 : index
          %swap3A_757 = tpu.vector_load %arg5[%swap3A_756] {strides = array<i32>} : memref<256xi32, #tpu.memory_space<vmem>>, vector<16xi32>,
          tpu.vector_store %arg5[%swap3A_756], %broadcast_in_dim3A_3 {strides = array<i32>} : memref<256xi32, #tpu.memory_space<vmem>>, vector<16xi32>,
          %swap3A_758 = arith.constant 208 : index
          %swap3A_759 = tpu.vector_load %arg5[%swap3A_758] {strides = array<i32>} : memref<256xi32, #tpu.memory_space<vmem>>, vector<16xi32>,
          tpu.vector_store %arg5[%swap3A_758], %broadcast_in_dim3A_3 {strides = array<i32>} : memref<256xi32, #tpu.memory_space<vmem>>, vector<16xi32>,
          %swap3A_760 = arith.constant 224 : index
          %swap3A_761 = tpu.vector_load %arg5[%swap3A_760] {strides = array<i32>} : memref<256xi32, #tpu.memory_space<vmem>>, vector<16xi32>,
          tpu.vector_store %arg5[%swap3A_760], %broadcast_in_dim3A_3 {strides = array<i32>} : memref<256xi32, #tpu.memory_space<vmem>>, vector<16xi32>,
          %swap3A_762 = arith.constant 240 : index
          %swap3A_763 = tpu.vector_load %arg5[%swap3A_762] {strides = array<i32>} : memref<256xi32, #tpu.memory_space<vmem>>, vector<16xi32>,
          tpu.vector_store %arg5[%swap3A_762], %broadcast_in_dim3A_3 {strides = array<i32>} : memref<256xi32, #tpu.memory_space<vmem>>, vector<16xi32>,
          %scan3A_764 = arith.constant 0 : i32
          %scan3A_765 = arith.constant 0 : i32
          %scan3A_766 = arith.constant 12 : i32
          %scan3A_767 = arith.addi %scan3A_765, %scan3A_766 : i32
          %scan3A_768 = arith.constant 1 : i32
          %scan3A_769 = scf.for %scan3A_1440 = %scan3A_765 to %scan3A_767 step %scan3A_768 iter_args(%scan3A_1441 = %scan3A_764) -> (i32)  : i32 {
            %mul3A_1442 = arith.constant 128 : i32
            %mul3A_1443 = arith.muli %scan3A_1440, %mul3A_1442 : i32
            %add3A_1444 = arith.constant 0 : i32
            %add3A_1445 = arith.addi %mul3A_1443, %add3A_1444 : i32
            %get3A_1446 = arith.index_cast %scan3A_27 : i32 to index
            %get3A_1447 = arith.index_cast %add3A_1445 : i32 to index
            %get3A_1448 = tpu.vector_load %arg4[%get3A_1446, %get3A_1447] {strides = array<i32>} : memref<16x1536xi32, #tpu.memory_space<vmem>>, vector<16xi32>,
            %shift_right_arithmetic3A = arith.constant 16 : i32
            %shift_right_arithmetic3A_1449 = vector.broadcast %shift_right_arithmetic3A : i32 to vector<16xi32>
            %shift_right_arithmetic3A_1450 = arith.shrsi %get3A_1448, %shift_right_arithmetic3A_1449 : vector<16xi32>
            %eq3A_1451 = vector.broadcast %add3A_730 : i32 to vector<16xi32>
            %eq3A_1452 = arith.cmpi eq, %shift_right_arithmetic3A_1450, %eq3A_1451 : vector<16xi32>
            %shift_right_arithmetic3A_1453 = arith.constant 8 : i32
            %shift_right_arithmetic3A_1454 = vector.broadcast %shift_right_arithmetic3A_1453 : i32 to vector<16xi32>
            %shift_right_arithmetic3A_1455 = arith.shrsi %get3A_1448, %shift_right_arithmetic3A_1454 : vector<16xi32>
            %and3A_1456 = arith.constant 255 : i32
            %and3A_1457 = vector.broadcast %and3A_1456 : i32 to vector<16xi32>
            %and3A_1458 = arith.andi %shift_right_arithmetic3A_1455, %and3A_1457 : vector<16xi32>
            tpu.vector_store_idx %arg5[%and3A_1458], %broadcast_in_dim3A_1 masked %eq3A_1452 {add = true} : memref<256xi32, #tpu.memory_space<vmem>>[vector<16xi32>], vector<16xi32>, vector<16xi1>
            %mul3A_1459 = arith.constant 128 : i32
            %mul3A_1460 = arith.muli %scan3A_1440, %mul3A_1459 : i32
            %add3A_1461 = arith.constant 16 : i32
            %add3A_1462 = arith.addi %mul3A_1460, %add3A_1461 : i32
            %get3A_1463 = arith.index_cast %scan3A_27 : i32 to index
            %get3A_1464 = arith.index_cast %add3A_1462 : i32 to index
            %get3A_1465 = tpu.vector_load %arg4[%get3A_1463, %get3A_1464] {strides = array<i32>} : memref<16x1536xi32, #tpu.memory_space<vmem>>, vector<16xi32>,
            %shift_right_arithmetic3A_1466 = arith.constant 16 : i32
            %shift_right_arithmetic3A_1467 = vector.broadcast %shift_right_arithmetic3A_1466 : i32 to vector<16xi32>
            %shift_right_arithmetic3A_1468 = arith.shrsi %get3A_1465, %shift_right_arithmetic3A_1467 : vector<16xi32>
            %eq3A_1469 = vector.broadcast %add3A_730 : i32 to vector<16xi32>
            %eq3A_1470 = arith.cmpi eq, %shift_right_arithmetic3A_1468, %eq3A_1469 : vector<16xi32>
            %shift_right_arithmetic3A_1471 = arith.constant 8 : i32
            %shift_right_arithmetic3A_1472 = vector.broadcast %shift_right_arithmetic3A_1471 : i32 to vector<16xi32>
            %shift_right_arithmetic3A_1473 = arith.shrsi %get3A_1465, %shift_right_arithmetic3A_1472 : vector<16xi32>
            %and3A_1474 = arith.constant 255 : i32
            %and3A_1475 = vector.broadcast %and3A_1474 : i32 to vector<16xi32>
            %and3A_1476 = arith.andi %shift_right_arithmetic3A_1473, %and3A_1475 : vector<16xi32>
            tpu.vector_store_idx %arg5[%and3A_1476], %broadcast_in_dim3A_1 masked %eq3A_1470 {add = true} : memref<256xi32, #tpu.memory_space<vmem>>[vector<16xi32>], vector<16xi32>, vector<16xi1>
            %mul3A_1477 = arith.constant 128 : i32
            %mul3A_1478 = arith.muli %scan3A_1440, %mul3A_1477 : i32
            %add3A_1479 = arith.constant 32 : i32
            %add3A_1480 = arith.addi %mul3A_1478, %add3A_1479 : i32
            %get3A_1481 = arith.index_cast %scan3A_27 : i32 to index
            %get3A_1482 = arith.index_cast %add3A_1480 : i32 to index
            %get3A_1483 = tpu.vector_load %arg4[%get3A_1481, %get3A_1482] {strides = array<i32>} : memref<16x1536xi32, #tpu.memory_space<vmem>>, vector<16xi32>,
            %shift_right_arithmetic3A_1484 = arith.constant 16 : i32
            %shift_right_arithmetic3A_1485 = vector.broadcast %shift_right_arithmetic3A_1484 : i32 to vector<16xi32>
            %shift_right_arithmetic3A_1486 = arith.shrsi %get3A_1483, %shift_right_arithmetic3A_1485 : vector<16xi32>
            %eq3A_1487 = vector.broadcast %add3A_730 : i32 to vector<16xi32>
            %eq3A_1488 = arith.cmpi eq, %shift_right_arithmetic3A_1486, %eq3A_1487 : vector<16xi32>
            %shift_right_arithmetic3A_1489 = arith.constant 8 : i32
            %shift_right_arithmetic3A_1490 = vector.broadcast %shift_right_arithmetic3A_1489 : i32 to vector<16xi32>
            %shift_right_arithmetic3A_1491 = arith.shrsi %get3A_1483, %shift_right_arithmetic3A_1490 : vector<16xi32>
            %and3A_1492 = arith.constant 255 : i32
            %and3A_1493 = vector.broadcast %and3A_1492 : i32 to vector<16xi32>
            %and3A_1494 = arith.andi %shift_right_arithmetic3A_1491, %and3A_1493 : vector<16xi32>
            tpu.vector_store_idx %arg5[%and3A_1494], %broadcast_in_dim3A_1 masked %eq3A_1488 {add = true} : memref<256xi32, #tpu.memory_space<vmem>>[vector<16xi32>], vector<16xi32>, vector<16xi1>
            %mul3A_1495 = arith.constant 128 : i32
            %mul3A_1496 = arith.muli %scan3A_1440, %mul3A_1495 : i32
            %add3A_1497 = arith.constant 48 : i32
            %add3A_1498 = arith.addi %mul3A_1496, %add3A_1497 : i32
            %get3A_1499 = arith.index_cast %scan3A_27 : i32 to index
            %get3A_1500 = arith.index_cast %add3A_1498 : i32 to index
            %get3A_1501 = tpu.vector_load %arg4[%get3A_1499, %get3A_1500] {strides = array<i32>} : memref<16x1536xi32, #tpu.memory_space<vmem>>, vector<16xi32>,
            %shift_right_arithmetic3A_1502 = arith.constant 16 : i32
            %shift_right_arithmetic3A_1503 = vector.broadcast %shift_right_arithmetic3A_1502 : i32 to vector<16xi32>
            %shift_right_arithmetic3A_1504 = arith.shrsi %get3A_1501, %shift_right_arithmetic3A_1503 : vector<16xi32>
            %eq3A_1505 = vector.broadcast %add3A_730 : i32 to vector<16xi32>
            %eq3A_1506 = arith.cmpi eq, %shift_right_arithmetic3A_1504, %eq3A_1505 : vector<16xi32>
            %shift_right_arithmetic3A_1507 = arith.constant 8 : i32
            %shift_right_arithmetic3A_1508 = vector.broadcast %shift_right_arithmetic3A_1507 : i32 to vector<16xi32>
            %shift_right_arithmetic3A_1509 = arith.shrsi %get3A_1501, %shift_right_arithmetic3A_1508 : vector<16xi32>
            %and3A_1510 = arith.constant 255 : i32
            %and3A_1511 = vector.broadcast %and3A_1510 : i32 to vector<16xi32>
            %and3A_1512 = arith.andi %shift_right_arithmetic3A_1509, %and3A_1511 : vector<16xi32>
            tpu.vector_store_idx %arg5[%and3A_1512], %broadcast_in_dim3A_1 masked %eq3A_1506 {add = true} : memref<256xi32, #tpu.memory_space<vmem>>[vector<16xi32>], vector<16xi32>, vector<16xi1>
            %mul3A_1513 = arith.constant 128 : i32
            %mul3A_1514 = arith.muli %scan3A_1440, %mul3A_1513 : i32
            %add3A_1515 = arith.constant 64 : i32
            %add3A_1516 = arith.addi %mul3A_1514, %add3A_1515 : i32
            %get3A_1517 = arith.index_cast %scan3A_27 : i32 to index
            %get3A_1518 = arith.index_cast %add3A_1516 : i32 to index
            %get3A_1519 = tpu.vector_load %arg4[%get3A_1517, %get3A_1518] {strides = array<i32>} : memref<16x1536xi32, #tpu.memory_space<vmem>>, vector<16xi32>,
            %shift_right_arithmetic3A_1520 = arith.constant 16 : i32
            %shift_right_arithmetic3A_1521 = vector.broadcast %shift_right_arithmetic3A_1520 : i32 to vector<16xi32>
            %shift_right_arithmetic3A_1522 = arith.shrsi %get3A_1519, %shift_right_arithmetic3A_1521 : vector<16xi32>
            %eq3A_1523 = vector.broadcast %add3A_730 : i32 to vector<16xi32>
            %eq3A_1524 = arith.cmpi eq, %shift_right_arithmetic3A_1522, %eq3A_1523 : vector<16xi32>
            %shift_right_arithmetic3A_1525 = arith.constant 8 : i32
            %shift_right_arithmetic3A_1526 = vector.broadcast %shift_right_arithmetic3A_1525 : i32 to vector<16xi32>
            %shift_right_arithmetic3A_1527 = arith.shrsi %get3A_1519, %shift_right_arithmetic3A_1526 : vector<16xi32>
            %and3A_1528 = arith.constant 255 : i32
            %and3A_1529 = vector.broadcast %and3A_1528 : i32 to vector<16xi32>
            %and3A_1530 = arith.andi %shift_right_arithmetic3A_1527, %and3A_1529 : vector<16xi32>
            tpu.vector_store_idx %arg5[%and3A_1530], %broadcast_in_dim3A_1 masked %eq3A_1524 {add = true} : memref<256xi32, #tpu.memory_space<vmem>>[vector<16xi32>], vector<16xi32>, vector<16xi1>
            %mul3A_1531 = arith.constant 128 : i32
            %mul3A_1532 = arith.muli %scan3A_1440, %mul3A_1531 : i32
            %add3A_1533 = arith.constant 80 : i32
            %add3A_1534 = arith.addi %mul3A_1532, %add3A_1533 : i32
            %get3A_1535 = arith.index_cast %scan3A_27 : i32 to index
            %get3A_1536 = arith.index_cast %add3A_1534 : i32 to index
            %get3A_1537 = tpu.vector_load %arg4[%get3A_1535, %get3A_1536] {strides = array<i32>} : memref<16x1536xi32, #tpu.memory_space<vmem>>, vector<16xi32>,
            %shift_right_arithmetic3A_1538 = arith.constant 16 : i32
            %shift_right_arithmetic3A_1539 = vector.broadcast %shift_right_arithmetic3A_1538 : i32 to vector<16xi32>
            %shift_right_arithmetic3A_1540 = arith.shrsi %get3A_1537, %shift_right_arithmetic3A_1539 : vector<16xi32>
            %eq3A_1541 = vector.broadcast %add3A_730 : i32 to vector<16xi32>
            %eq3A_1542 = arith.cmpi eq, %shift_right_arithmetic3A_1540, %eq3A_1541 : vector<16xi32>
            %shift_right_arithmetic3A_1543 = arith.constant 8 : i32
            %shift_right_arithmetic3A_1544 = vector.broadcast %shift_right_arithmetic3A_1543 : i32 to vector<16xi32>
            %shift_right_arithmetic3A_1545 = arith.shrsi %get3A_1537, %shift_right_arithmetic3A_1544 : vector<16xi32>
            %and3A_1546 = arith.constant 255 : i32
            %and3A_1547 = vector.broadcast %and3A_1546 : i32 to vector<16xi32>
            %and3A_1548 = arith.andi %shift_right_arithmetic3A_1545, %and3A_1547 : vector<16xi32>
            tpu.vector_store_idx %arg5[%and3A_1548], %broadcast_in_dim3A_1 masked %eq3A_1542 {add = true} : memref<256xi32, #tpu.memory_space<vmem>>[vector<16xi32>], vector<16xi32>, vector<16xi1>
            %mul3A_1549 = arith.constant 128 : i32
            %mul3A_1550 = arith.muli %scan3A_1440, %mul3A_1549 : i32
            %add3A_1551 = arith.constant 96 : i32
            %add3A_1552 = arith.addi %mul3A_1550, %add3A_1551 : i32
            %get3A_1553 = arith.index_cast %scan3A_27 : i32 to index
            %get3A_1554 = arith.index_cast %add3A_1552 : i32 to index
            %get3A_1555 = tpu.vector_load %arg4[%get3A_1553, %get3A_1554] {strides = array<i32>} : memref<16x1536xi32, #tpu.memory_space<vmem>>, vector<16xi32>,
            %shift_right_arithmetic3A_1556 = arith.constant 16 : i32
            %shift_right_arithmetic3A_1557 = vector.broadcast %shift_right_arithmetic3A_1556 : i32 to vector<16xi32>
            %shift_right_arithmetic3A_1558 = arith.shrsi %get3A_1555, %shift_right_arithmetic3A_1557 : vector<16xi32>
            %eq3A_1559 = vector.broadcast %add3A_730 : i32 to vector<16xi32>
            %eq3A_1560 = arith.cmpi eq, %shift_right_arithmetic3A_1558, %eq3A_1559 : vector<16xi32>
            %shift_right_arithmetic3A_1561 = arith.constant 8 : i32
            %shift_right_arithmetic3A_1562 = vector.broadcast %shift_right_arithmetic3A_1561 : i32 to vector<16xi32>
            %shift_right_arithmetic3A_1563 = arith.shrsi %get3A_1555, %shift_right_arithmetic3A_1562 : vector<16xi32>
            %and3A_1564 = arith.constant 255 : i32
            %and3A_1565 = vector.broadcast %and3A_1564 : i32 to vector<16xi32>
            %and3A_1566 = arith.andi %shift_right_arithmetic3A_1563, %and3A_1565 : vector<16xi32>
            tpu.vector_store_idx %arg5[%and3A_1566], %broadcast_in_dim3A_1 masked %eq3A_1560 {add = true} : memref<256xi32, #tpu.memory_space<vmem>>[vector<16xi32>], vector<16xi32>, vector<16xi1>
            %mul3A_1567 = arith.constant 128 : i32
            %mul3A_1568 = arith.muli %scan3A_1440, %mul3A_1567 : i32
            %add3A_1569 = arith.constant 112 : i32
            %add3A_1570 = arith.addi %mul3A_1568, %add3A_1569 : i32
            %get3A_1571 = arith.index_cast %scan3A_27 : i32 to index
            %get3A_1572 = arith.index_cast %add3A_1570 : i32 to index
            %get3A_1573 = tpu.vector_load %arg4[%get3A_1571, %get3A_1572] {strides = array<i32>} : memref<16x1536xi32, #tpu.memory_space<vmem>>, vector<16xi32>,
            %shift_right_arithmetic3A_1574 = arith.constant 16 : i32
            %shift_right_arithmetic3A_1575 = vector.broadcast %shift_right_arithmetic3A_1574 : i32 to vector<16xi32>
            %shift_right_arithmetic3A_1576 = arith.shrsi %get3A_1573, %shift_right_arithmetic3A_1575 : vector<16xi32>
            %eq3A_1577 = vector.broadcast %add3A_730 : i32 to vector<16xi32>
            %eq3A_1578 = arith.cmpi eq, %shift_right_arithmetic3A_1576, %eq3A_1577 : vector<16xi32>
            %shift_right_arithmetic3A_1579 = arith.constant 8 : i32
            %shift_right_arithmetic3A_1580 = vector.broadcast %shift_right_arithmetic3A_1579 : i32 to vector<16xi32>
            %shift_right_arithmetic3A_1581 = arith.shrsi %get3A_1573, %shift_right_arithmetic3A_1580 : vector<16xi32>
            %and3A_1582 = arith.constant 255 : i32
            %and3A_1583 = vector.broadcast %and3A_1582 : i32 to vector<16xi32>
            %and3A_1584 = arith.andi %shift_right_arithmetic3A_1581, %and3A_1583 : vector<16xi32>
            tpu.vector_store_idx %arg5[%and3A_1584], %broadcast_in_dim3A_1 masked %eq3A_1578 {add = true} : memref<256xi32, #tpu.memory_space<vmem>>[vector<16xi32>], vector<16xi32>, vector<16xi1>
            %scan3A_1585 = arith.constant 0 : i32
            scf.yield %scan3A_1585 : i32
          }
          %scan3A_770 = arith.constant 12 : i32
          %get3A_771 = arith.constant 0 : index
          %get3A_772 = tpu.vector_load %arg5[%get3A_771] {strides = array<i32>} : memref<256xi32, #tpu.memory_space<vmem>>, vector<16xi32>,
          %reduce_sum3A_773 = arith.constant true
          %reduce_sum3A_774 = vector.broadcast %reduce_sum3A_773 : i1 to vector<16xi1>
          %reduce_sum3A_775 = tpu.scan <sum>, %get3A_772 masked %reduce_sum3A_774 : vector<16xi32>, vector<16xi1> -> vector<16xi32>
          %reduce_sum3A_776 = vector.extract %reduce_sum3A_775[15] : i32 from vector<16xi32>
          %get3A_777 = arith.constant 16 : index
          %get3A_778 = tpu.vector_load %arg5[%get3A_777] {strides = array<i32>} : memref<256xi32, #tpu.memory_space<vmem>>, vector<16xi32>,
          %reduce_sum3A_779 = arith.constant true
          %reduce_sum3A_780 = vector.broadcast %reduce_sum3A_779 : i1 to vector<16xi1>
          %reduce_sum3A_781 = tpu.scan <sum>, %get3A_778 masked %reduce_sum3A_780 : vector<16xi32>, vector<16xi1> -> vector<16xi32>
          %reduce_sum3A_782 = vector.extract %reduce_sum3A_781[15] : i32 from vector<16xi32>
          %get3A_783 = arith.constant 32 : index
          %get3A_784 = tpu.vector_load %arg5[%get3A_783] {strides = array<i32>} : memref<256xi32, #tpu.memory_space<vmem>>, vector<16xi32>,
          %reduce_sum3A_785 = arith.constant true
          %reduce_sum3A_786 = vector.broadcast %reduce_sum3A_785 : i1 to vector<16xi1>
          %reduce_sum3A_787 = tpu.scan <sum>, %get3A_784 masked %reduce_sum3A_786 : vector<16xi32>, vector<16xi1> -> vector<16xi32>
          %reduce_sum3A_788 = vector.extract %reduce_sum3A_787[15] : i32 from vector<16xi32>
          %get3A_789 = arith.constant 48 : index
          %get3A_790 = tpu.vector_load %arg5[%get3A_789] {strides = array<i32>} : memref<256xi32, #tpu.memory_space<vmem>>, vector<16xi32>,
          %reduce_sum3A_791 = arith.constant true
          %reduce_sum3A_792 = vector.broadcast %reduce_sum3A_791 : i1 to vector<16xi1>
          %reduce_sum3A_793 = tpu.scan <sum>, %get3A_790 masked %reduce_sum3A_792 : vector<16xi32>, vector<16xi1> -> vector<16xi32>
          %reduce_sum3A_794 = vector.extract %reduce_sum3A_793[15] : i32 from vector<16xi32>
          %get3A_795 = arith.constant 64 : index
          %get3A_796 = tpu.vector_load %arg5[%get3A_795] {strides = array<i32>} : memref<256xi32, #tpu.memory_space<vmem>>, vector<16xi32>,
          %reduce_sum3A_797 = arith.constant true
          %reduce_sum3A_798 = vector.broadcast %reduce_sum3A_797 : i1 to vector<16xi1>
          %reduce_sum3A_799 = tpu.scan <sum>, %get3A_796 masked %reduce_sum3A_798 : vector<16xi32>, vector<16xi1> -> vector<16xi32>
          %reduce_sum3A_800 = vector.extract %reduce_sum3A_799[15] : i32 from vector<16xi32>
          %get3A_801 = arith.constant 80 : index
          %get3A_802 = tpu.vector_load %arg5[%get3A_801] {strides = array<i32>} : memref<256xi32, #tpu.memory_space<vmem>>, vector<16xi32>,
          %reduce_sum3A_803 = arith.constant true
          %reduce_sum3A_804 = vector.broadcast %reduce_sum3A_803 : i1 to vector<16xi1>
          %reduce_sum3A_805 = tpu.scan <sum>, %get3A_802 masked %reduce_sum3A_804 : vector<16xi32>, vector<16xi1> -> vector<16xi32>
          %reduce_sum3A_806 = vector.extract %reduce_sum3A_805[15] : i32 from vector<16xi32>
          %get3A_807 = arith.constant 96 : index
          %get3A_808 = tpu.vector_load %arg5[%get3A_807] {strides = array<i32>} : memref<256xi32, #tpu.memory_space<vmem>>, vector<16xi32>,
          %reduce_sum3A_809 = arith.constant true
          %reduce_sum3A_810 = vector.broadcast %reduce_sum3A_809 : i1 to vector<16xi1>
          %reduce_sum3A_811 = tpu.scan <sum>, %get3A_808 masked %reduce_sum3A_810 : vector<16xi32>, vector<16xi1> -> vector<16xi32>
          %reduce_sum3A_812 = vector.extract %reduce_sum3A_811[15] : i32 from vector<16xi32>
          %get3A_813 = arith.constant 112 : index
          %get3A_814 = tpu.vector_load %arg5[%get3A_813] {strides = array<i32>} : memref<256xi32, #tpu.memory_space<vmem>>, vector<16xi32>,
          %reduce_sum3A_815 = arith.constant true
          %reduce_sum3A_816 = vector.broadcast %reduce_sum3A_815 : i1 to vector<16xi1>
          %reduce_sum3A_817 = tpu.scan <sum>, %get3A_814 masked %reduce_sum3A_816 : vector<16xi32>, vector<16xi1> -> vector<16xi32>
          %reduce_sum3A_818 = vector.extract %reduce_sum3A_817[15] : i32 from vector<16xi32>
          %get3A_819 = arith.constant 128 : index
          %get3A_820 = tpu.vector_load %arg5[%get3A_819] {strides = array<i32>} : memref<256xi32, #tpu.memory_space<vmem>>, vector<16xi32>,
          %reduce_sum3A_821 = arith.constant true
          %reduce_sum3A_822 = vector.broadcast %reduce_sum3A_821 : i1 to vector<16xi1>
          %reduce_sum3A_823 = tpu.scan <sum>, %get3A_820 masked %reduce_sum3A_822 : vector<16xi32>, vector<16xi1> -> vector<16xi32>
          %reduce_sum3A_824 = vector.extract %reduce_sum3A_823[15] : i32 from vector<16xi32>
          %get3A_825 = arith.constant 144 : index
          %get3A_826 = tpu.vector_load %arg5[%get3A_825] {strides = array<i32>} : memref<256xi32, #tpu.memory_space<vmem>>, vector<16xi32>,
          %reduce_sum3A_827 = arith.constant true
          %reduce_sum3A_828 = vector.broadcast %reduce_sum3A_827 : i1 to vector<16xi1>
          %reduce_sum3A_829 = tpu.scan <sum>, %get3A_826 masked %reduce_sum3A_828 : vector<16xi32>, vector<16xi1> -> vector<16xi32>
          %reduce_sum3A_830 = vector.extract %reduce_sum3A_829[15] : i32 from vector<16xi32>
          %get3A_831 = arith.constant 160 : index
          %get3A_832 = tpu.vector_load %arg5[%get3A_831] {strides = array<i32>} : memref<256xi32, #tpu.memory_space<vmem>>, vector<16xi32>,
          %reduce_sum3A_833 = arith.constant true
          %reduce_sum3A_834 = vector.broadcast %reduce_sum3A_833 : i1 to vector<16xi1>
          %reduce_sum3A_835 = tpu.scan <sum>, %get3A_832 masked %reduce_sum3A_834 : vector<16xi32>, vector<16xi1> -> vector<16xi32>
          %reduce_sum3A_836 = vector.extract %reduce_sum3A_835[15] : i32 from vector<16xi32>
          %get3A_837 = arith.constant 176 : index
          %get3A_838 = tpu.vector_load %arg5[%get3A_837] {strides = array<i32>} : memref<256xi32, #tpu.memory_space<vmem>>, vector<16xi32>,
          %reduce_sum3A_839 = arith.constant true
          %reduce_sum3A_840 = vector.broadcast %reduce_sum3A_839 : i1 to vector<16xi1>
          %reduce_sum3A_841 = tpu.scan <sum>, %get3A_838 masked %reduce_sum3A_840 : vector<16xi32>, vector<16xi1> -> vector<16xi32>
          %reduce_sum3A_842 = vector.extract %reduce_sum3A_841[15] : i32 from vector<16xi32>
          %get3A_843 = arith.constant 192 : index
          %get3A_844 = tpu.vector_load %arg5[%get3A_843] {strides = array<i32>} : memref<256xi32, #tpu.memory_space<vmem>>, vector<16xi32>,
          %reduce_sum3A_845 = arith.constant true
          %reduce_sum3A_846 = vector.broadcast %reduce_sum3A_845 : i1 to vector<16xi1>
          %reduce_sum3A_847 = tpu.scan <sum>, %get3A_844 masked %reduce_sum3A_846 : vector<16xi32>, vector<16xi1> -> vector<16xi32>
          %reduce_sum3A_848 = vector.extract %reduce_sum3A_847[15] : i32 from vector<16xi32>
          %get3A_849 = arith.constant 208 : index
          %get3A_850 = tpu.vector_load %arg5[%get3A_849] {strides = array<i32>} : memref<256xi32, #tpu.memory_space<vmem>>, vector<16xi32>,
          %reduce_sum3A_851 = arith.constant true
          %reduce_sum3A_852 = vector.broadcast %reduce_sum3A_851 : i1 to vector<16xi1>
          %reduce_sum3A_853 = tpu.scan <sum>, %get3A_850 masked %reduce_sum3A_852 : vector<16xi32>, vector<16xi1> -> vector<16xi32>
          %reduce_sum3A_854 = vector.extract %reduce_sum3A_853[15] : i32 from vector<16xi32>
          %get3A_855 = arith.constant 224 : index
          %get3A_856 = tpu.vector_load %arg5[%get3A_855] {strides = array<i32>} : memref<256xi32, #tpu.memory_space<vmem>>, vector<16xi32>,
          %reduce_sum3A_857 = arith.constant true
          %reduce_sum3A_858 = vector.broadcast %reduce_sum3A_857 : i1 to vector<16xi1>
          %reduce_sum3A_859 = tpu.scan <sum>, %get3A_856 masked %reduce_sum3A_858 : vector<16xi32>, vector<16xi1> -> vector<16xi32>
          %reduce_sum3A_860 = vector.extract %reduce_sum3A_859[15] : i32 from vector<16xi32>
          %get3A_861 = arith.constant 240 : index
          %get3A_862 = tpu.vector_load %arg5[%get3A_861] {strides = array<i32>} : memref<256xi32, #tpu.memory_space<vmem>>, vector<16xi32>,
          %reduce_sum3A_863 = arith.constant true
          %reduce_sum3A_864 = vector.broadcast %reduce_sum3A_863 : i1 to vector<16xi1>
          %reduce_sum3A_865 = tpu.scan <sum>, %get3A_862 masked %reduce_sum3A_864 : vector<16xi32>, vector<16xi1> -> vector<16xi32>
          %reduce_sum3A_866 = vector.extract %reduce_sum3A_865[15] : i32 from vector<16xi32>
          %not3A_867 = arith.constant false
          %not3A_868 = arith.constant true
          %not3A_869 = arith.xori %not3A_867, %not3A_868 : i1
          %add3A_870 = arith.constant 0 : i32
          %add3A_871 = arith.addi %add3A_870, %reduce_sum3A_866 : i32
          %ge3A_872 = arith.cmpi sge, %add3A_871, %sub3A_731 : i32
          %and3A_873 = arith.andi %not3A_869, %ge3A_872 : i1
          %jit3A_874 = arith.constant 15 : i32
          %jit3A_875 = arith.constant 0 : i32
          %select_n3A_876 = arith.select %and3A_873, %jit3A_874, %jit3A_875 : i32
          %jit3A_877 = arith.constant 0 : i32
          %jit3A_878 = arith.constant 0 : i32
          %select_n3A_879 = arith.select %and3A_873, %jit3A_877, %jit3A_878 : i32
          %or3A_880 = arith.constant false
          %or3A_881 = arith.ori %or3A_880, %and3A_873 : i1
          %add3A_882 = arith.constant 0 : i32
          %add3A_883 = arith.addi %add3A_882, %reduce_sum3A_866 : i32
          %not3A_884 = arith.constant true
          %not3A_885 = arith.xori %or3A_881, %not3A_884 : i1
          %add3A_886 = arith.addi %add3A_883, %reduce_sum3A_860 : i32
          %ge3A_887 = arith.cmpi sge, %add3A_886, %sub3A_731 : i32
          %and3A_888 = arith.andi %not3A_885, %ge3A_887 : i1
          %jit3A_889 = arith.constant 14 : i32
          %select_n3A_890 = arith.select %and3A_888, %jit3A_889, %select_n3A_876 : i32
          %select_n3A_891 = arith.select %and3A_888, %add3A_883, %select_n3A_879 : i32
          %or3A_892 = arith.ori %or3A_881, %and3A_888 : i1
          %add3A_893 = arith.addi %add3A_883, %reduce_sum3A_860 : i32
          %not3A_894 = arith.constant true
          %not3A_895 = arith.xori %or3A_892, %not3A_894 : i1
          %add3A_896 = arith.addi %add3A_893, %reduce_sum3A_854 : i32
          %ge3A_897 = arith.cmpi sge, %add3A_896, %sub3A_731 : i32
          %and3A_898 = arith.andi %not3A_895, %ge3A_897 : i1
          %jit3A_899 = arith.constant 13 : i32
          %select_n3A_900 = arith.select %and3A_898, %jit3A_899, %select_n3A_890 : i32
          %select_n3A_901 = arith.select %and3A_898, %add3A_893, %select_n3A_891 : i32
          %or3A_902 = arith.ori %or3A_892, %and3A_898 : i1
          %add3A_903 = arith.addi %add3A_893, %reduce_sum3A_854 : i32
          %not3A_904 = arith.constant true
          %not3A_905 = arith.xori %or3A_902, %not3A_904 : i1
          %add3A_906 = arith.addi %add3A_903, %reduce_sum3A_848 : i32
          %ge3A_907 = arith.cmpi sge, %add3A_906, %sub3A_731 : i32
          %and3A_908 = arith.andi %not3A_905, %ge3A_907 : i1
          %jit3A_909 = arith.constant 12 : i32
          %select_n3A_910 = arith.select %and3A_908, %jit3A_909, %select_n3A_900 : i32
          %select_n3A_911 = arith.select %and3A_908, %add3A_903, %select_n3A_901 : i32
          %or3A_912 = arith.ori %or3A_902, %and3A_908 : i1
          %add3A_913 = arith.addi %add3A_903, %reduce_sum3A_848 : i32
          %not3A_914 = arith.constant true
          %not3A_915 = arith.xori %or3A_912, %not3A_914 : i1
          %add3A_916 = arith.addi %add3A_913, %reduce_sum3A_842 : i32
          %ge3A_917 = arith.cmpi sge, %add3A_916, %sub3A_731 : i32
          %and3A_918 = arith.andi %not3A_915, %ge3A_917 : i1
          %jit3A_919 = arith.constant 11 : i32
          %select_n3A_920 = arith.select %and3A_918, %jit3A_919, %select_n3A_910 : i32
          %select_n3A_921 = arith.select %and3A_918, %add3A_913, %select_n3A_911 : i32
          %or3A_922 = arith.ori %or3A_912, %and3A_918 : i1
          %add3A_923 = arith.addi %add3A_913, %reduce_sum3A_842 : i32
          %not3A_924 = arith.constant true
          %not3A_925 = arith.xori %or3A_922, %not3A_924 : i1
          %add3A_926 = arith.addi %add3A_923, %reduce_sum3A_836 : i32
          %ge3A_927 = arith.cmpi sge, %add3A_926, %sub3A_731 : i32
          %and3A_928 = arith.andi %not3A_925, %ge3A_927 : i1
          %jit3A_929 = arith.constant 10 : i32
          %select_n3A_930 = arith.select %and3A_928, %jit3A_929, %select_n3A_920 : i32
          %select_n3A_931 = arith.select %and3A_928, %add3A_923, %select_n3A_921 : i32
          %or3A_932 = arith.ori %or3A_922, %and3A_928 : i1
          %add3A_933 = arith.addi %add3A_923, %reduce_sum3A_836 : i32
          %not3A_934 = arith.constant true
          %not3A_935 = arith.xori %or3A_932, %not3A_934 : i1
          %add3A_936 = arith.addi %add3A_933, %reduce_sum3A_830 : i32
          %ge3A_937 = arith.cmpi sge, %add3A_936, %sub3A_731 : i32
          %and3A_938 = arith.andi %not3A_935, %ge3A_937 : i1
          %jit3A_939 = arith.constant 9 : i32
          %select_n3A_940 = arith.select %and3A_938, %jit3A_939, %select_n3A_930 : i32
          %select_n3A_941 = arith.select %and3A_938, %add3A_933, %select_n3A_931 : i32
          %or3A_942 = arith.ori %or3A_932, %and3A_938 : i1
          %add3A_943 = arith.addi %add3A_933, %reduce_sum3A_830 : i32
          %not3A_944 = arith.constant true
          %not3A_945 = arith.xori %or3A_942, %not3A_944 : i1
          %add3A_946 = arith.addi %add3A_943, %reduce_sum3A_824 : i32
          %ge3A_947 = arith.cmpi sge, %add3A_946, %sub3A_731 : i32
          %and3A_948 = arith.andi %not3A_945, %ge3A_947 : i1
          %jit3A_949 = arith.constant 8 : i32
          %select_n3A_950 = arith.select %and3A_948, %jit3A_949, %select_n3A_940 : i32
          %select_n3A_951 = arith.select %and3A_948, %add3A_943, %select_n3A_941 : i32
          %or3A_952 = arith.ori %or3A_942, %and3A_948 : i1
          %add3A_953 = arith.addi %add3A_943, %reduce_sum3A_824 : i32
          %not3A_954 = arith.constant true
          %not3A_955 = arith.xori %or3A_952, %not3A_954 : i1
          %add3A_956 = arith.addi %add3A_953, %reduce_sum3A_818 : i32
          %ge3A_957 = arith.cmpi sge, %add3A_956, %sub3A_731 : i32
          %and3A_958 = arith.andi %not3A_955, %ge3A_957 : i1
          %jit3A_959 = arith.constant 7 : i32
          %select_n3A_960 = arith.select %and3A_958, %jit3A_959, %select_n3A_950 : i32
          %select_n3A_961 = arith.select %and3A_958, %add3A_953, %select_n3A_951 : i32
          %or3A_962 = arith.ori %or3A_952, %and3A_958 : i1
          %add3A_963 = arith.addi %add3A_953, %reduce_sum3A_818 : i32
          %not3A_964 = arith.constant true
          %not3A_965 = arith.xori %or3A_962, %not3A_964 : i1
          %add3A_966 = arith.addi %add3A_963, %reduce_sum3A_812 : i32
          %ge3A_967 = arith.cmpi sge, %add3A_966, %sub3A_731 : i32
          %and3A_968 = arith.andi %not3A_965, %ge3A_967 : i1
          %jit3A_969 = arith.constant 6 : i32
          %select_n3A_970 = arith.select %and3A_968, %jit3A_969, %select_n3A_960 : i32
          %select_n3A_971 = arith.select %and3A_968, %add3A_963, %select_n3A_961 : i32
          %or3A_972 = arith.ori %or3A_962, %and3A_968 : i1
          %add3A_973 = arith.addi %add3A_963, %reduce_sum3A_812 : i32
          %not3A_974 = arith.constant true
          %not3A_975 = arith.xori %or3A_972, %not3A_974 : i1
          %add3A_976 = arith.addi %add3A_973, %reduce_sum3A_806 : i32
          %ge3A_977 = arith.cmpi sge, %add3A_976, %sub3A_731 : i32
          %and3A_978 = arith.andi %not3A_975, %ge3A_977 : i1
          %jit3A_979 = arith.constant 5 : i32
          %select_n3A_980 = arith.select %and3A_978, %jit3A_979, %select_n3A_970 : i32
          %select_n3A_981 = arith.select %and3A_978, %add3A_973, %select_n3A_971 : i32
          %or3A_982 = arith.ori %or3A_972, %and3A_978 : i1
          %add3A_983 = arith.addi %add3A_973, %reduce_sum3A_806 : i32
          %not3A_984 = arith.constant true
          %not3A_985 = arith.xori %or3A_982, %not3A_984 : i1
          %add3A_986 = arith.addi %add3A_983, %reduce_sum3A_800 : i32
          %ge3A_987 = arith.cmpi sge, %add3A_986, %sub3A_731 : i32
          %and3A_988 = arith.andi %not3A_985, %ge3A_987 : i1
          %jit3A_989 = arith.constant 4 : i32
          %select_n3A_990 = arith.select %and3A_988, %jit3A_989, %select_n3A_980 : i32
          %select_n3A_991 = arith.select %and3A_988, %add3A_983, %select_n3A_981 : i32
          %or3A_992 = arith.ori %or3A_982, %and3A_988 : i1
          %add3A_993 = arith.addi %add3A_983, %reduce_sum3A_800 : i32
          %not3A_994 = arith.constant true
          %not3A_995 = arith.xori %or3A_992, %not3A_994 : i1
          %add3A_996 = arith.addi %add3A_993, %reduce_sum3A_794 : i32
          %ge3A_997 = arith.cmpi sge, %add3A_996, %sub3A_731 : i32
          %and3A_998 = arith.andi %not3A_995, %ge3A_997 : i1
          %jit3A_999 = arith.constant 3 : i32
          %select_n3A_1000 = arith.select %and3A_998, %jit3A_999, %select_n3A_990 : i32
          %select_n3A_1001 = arith.select %and3A_998, %add3A_993, %select_n3A_991 : i32
          %or3A_1002 = arith.ori %or3A_992, %and3A_998 : i1
          %add3A_1003 = arith.addi %add3A_993, %reduce_sum3A_794 : i32
          %not3A_1004 = arith.constant true
          %not3A_1005 = arith.xori %or3A_1002, %not3A_1004 : i1
          %add3A_1006 = arith.addi %add3A_1003, %reduce_sum3A_788 : i32
          %ge3A_1007 = arith.cmpi sge, %add3A_1006, %sub3A_731 : i32
          %and3A_1008 = arith.andi %not3A_1005, %ge3A_1007 : i1
          %jit3A_1009 = arith.constant 2 : i32
          %select_n3A_1010 = arith.select %and3A_1008, %jit3A_1009, %select_n3A_1000 : i32
          %select_n3A_1011 = arith.select %and3A_1008, %add3A_1003, %select_n3A_1001 : i32
          %or3A_1012 = arith.ori %or3A_1002, %and3A_1008 : i1
          %add3A_1013 = arith.addi %add3A_1003, %reduce_sum3A_788 : i32
          %not3A_1014 = arith.constant true
          %not3A_1015 = arith.xori %or3A_1012, %not3A_1014 : i1
          %add3A_1016 = arith.addi %add3A_1013, %reduce_sum3A_782 : i32
          %ge3A_1017 = arith.cmpi sge, %add3A_1016, %sub3A_731 : i32
          %and3A_1018 = arith.andi %not3A_1015, %ge3A_1017 : i1
          %jit3A_1019 = arith.constant 1 : i32
          %select_n3A_1020 = arith.select %and3A_1018, %jit3A_1019, %select_n3A_1010 : i32
          %select_n3A_1021 = arith.select %and3A_1018, %add3A_1013, %select_n3A_1011 : i32
          %or3A_1022 = arith.ori %or3A_1012, %and3A_1018 : i1
          %add3A_1023 = arith.addi %add3A_1013, %reduce_sum3A_782 : i32
          %not3A_1024 = arith.constant true
          %not3A_1025 = arith.xori %or3A_1022, %not3A_1024 : i1
          %add3A_1026 = arith.addi %add3A_1023, %reduce_sum3A_776 : i32
          %ge3A_1027 = arith.cmpi sge, %add3A_1026, %sub3A_731 : i32
          %and3A_1028 = arith.andi %not3A_1025, %ge3A_1027 : i1
          %jit3A_1029 = arith.constant 0 : i32
          %select_n3A_1030 = arith.select %and3A_1028, %jit3A_1029, %select_n3A_1020 : i32
          %select_n3A_1031 = arith.select %and3A_1028, %add3A_1023, %select_n3A_1021 : i32
          %or3A_1032 = arith.ori %or3A_1022, %and3A_1028 : i1
          %add3A_1033 = arith.addi %add3A_1023, %reduce_sum3A_776 : i32
          %mul3A_1034 = arith.constant 16 : i32
          %mul3A_1035 = arith.muli %select_n3A_1030, %mul3A_1034 : i32
          %get3A_1036 = arith.index_cast %mul3A_1035 : i32 to index
          %get3A_1037 = tpu.vector_load %arg5[%get3A_1036] {strides = array<i32>} : memref<256xi32, #tpu.memory_space<vmem>>, vector<16xi32>,
          %rev3A_1038 = arith.constant 15 : i32
          %rev3A_1039 = vector.broadcast %rev3A_1038 : i32 to vector<16xi32>
          %rev3A_1040 = tpu.iota {dimensions = array<i32: 0>} : vector<16xi32>
          %rev3A_1041 = arith.subi %rev3A_1039, %rev3A_1040 : vector<16xi32>
          %rev3A_1042 = tpu.dynamic_gather %get3A_1037[%rev3A_1041] in [0] : vector<16xi32>, vector<16xi32> -> vector<16xi32>
          %broadcast_in_dim3A_1043 = arith.constant true
          %broadcast_in_dim3A_1044 = vector.broadcast %broadcast_in_dim3A_1043 : i1 to vector<16xi1>
          %masked_cumsum3A_1045 = tpu.scan <sum>, %rev3A_1042 masked %broadcast_in_dim3A_1044 : vector<16xi32>, vector<16xi1> -> vector<16xi32>
          %add3A_1046 = vector.broadcast %select_n3A_1031 : i32 to vector<16xi32>
          %add3A_1047 = arith.addi %add3A_1046, %masked_cumsum3A_1045 : vector<16xi32>
          %ge3A_1048 = vector.broadcast %sub3A_731 : i32 to vector<16xi32>
          %ge3A_1049 = arith.cmpi sge, %add3A_1047, %ge3A_1048 : vector<16xi32>
          %all_reduce_ffs3A_1050 = tpu.all_reduce %ge3A_1049 {dim = 0 : i64, kind = #tpu.reduction_kind<find_first_set>} : vector<16xi1> -> vector<16xi32>
          %sub3A_1051 = arith.constant 1 : i32
          %sub3A_1052 = vector.broadcast %sub3A_1051 : i32 to vector<16xi32>
          %sub3A_1053 = arith.subi %all_reduce_ffs3A_1050, %sub3A_1052 : vector<16xi32>
          %eq3A_1054 = arith.cmpi eq, %iota3A, %sub3A_1053 : vector<16xi32>
          %jit3A_1055 = arith.constant 0 : i32
          %broadcast_in_dim3A_1056 = vector.broadcast %jit3A_1055 : i32 to vector<16xi32>
          %select_n3A_1057 = arith.select %eq3A_1054, %masked_cumsum3A_1045, %broadcast_in_dim3A_1056 : vector<16xi1>, vector<16xi32>
          %reduce_sum3A_1058 = arith.constant true
          %reduce_sum3A_1059 = vector.broadcast %reduce_sum3A_1058 : i1 to vector<16xi1>
          %reduce_sum3A_1060 = tpu.scan <sum>, %select_n3A_1057 masked %reduce_sum3A_1059 : vector<16xi32>, vector<16xi1> -> vector<16xi32>
          %reduce_sum3A_1061 = vector.extract %reduce_sum3A_1060[15] : i32 from vector<16xi32>
          %mul3A_1062 = arith.constant 16 : i32
          %mul3A_1063 = arith.muli %select_n3A_1030, %mul3A_1062 : i32
          %add3A_1064 = arith.constant 15 : i32
          %add3A_1065 = arith.addi %mul3A_1063, %add3A_1064 : i32
          %eq3A_1066 = arith.constant 0 : i32
          %eq3A_1067 = vector.broadcast %eq3A_1066 : i32 to vector<16xi32>
          %eq3A_1068 = arith.cmpi eq, %iota3A, %eq3A_1067 : vector<16xi32>
          %jit3A_1069 = arith.constant 0 : i32
          %broadcast_in_dim3A_1070 = vector.broadcast %jit3A_1069 : i32 to vector<16xi32>
          %select_n3A_1071 = arith.select %eq3A_1068, %all_reduce_ffs3A_1050, %broadcast_in_dim3A_1070 : vector<16xi1>, vector<16xi32>
          %reduce_sum3A_1072 = arith.constant true
          %reduce_sum3A_1073 = vector.broadcast %reduce_sum3A_1072 : i1 to vector<16xi1>
          %reduce_sum3A_1074 = tpu.scan <sum>, %select_n3A_1071 masked %reduce_sum3A_1073 : vector<16xi32>, vector<16xi1> -> vector<16xi32>
          %reduce_sum3A_1075 = vector.extract %reduce_sum3A_1074[15] : i32 from vector<16xi32>
          %sub3A_1076 = arith.subi %add3A_1065, %reduce_sum3A_1075 : i32
          %add3A_1077 = arith.addi %select_n3A_1031, %reduce_sum3A_1061 : i32
          %mul3A_1078 = arith.constant 256 : i32
          %mul3A_1079 = arith.muli %add3A_730, %mul3A_1078 : i32
          %add3A_1080 = arith.addi %mul3A_1079, %sub3A_1076 : i32
          %sub3A_1081 = arith.subi %sub3A_731, %add3A_1077 : i32
          %swap3A_1082 = arith.constant 0 : index
          %swap3A_1083 = tpu.vector_load %arg5[%swap3A_1082] {strides = array<i32>} : memref<256xi32, #tpu.memory_space<vmem>>, vector<16xi32>,
          tpu.vector_store %arg5[%swap3A_1082], %broadcast_in_dim3A_3 {strides = array<i32>} : memref<256xi32, #tpu.memory_space<vmem>>, vector<16xi32>,
          %swap3A_1084 = arith.constant 16 : index
          %swap3A_1085 = tpu.vector_load %arg5[%swap3A_1084] {strides = array<i32>} : memref<256xi32, #tpu.memory_space<vmem>>, vector<16xi32>,
          tpu.vector_store %arg5[%swap3A_1084], %broadcast_in_dim3A_3 {strides = array<i32>} : memref<256xi32, #tpu.memory_space<vmem>>, vector<16xi32>,
          %swap3A_1086 = arith.constant 32 : index
          %swap3A_1087 = tpu.vector_load %arg5[%swap3A_1086] {strides = array<i32>} : memref<256xi32, #tpu.memory_space<vmem>>, vector<16xi32>,
          tpu.vector_store %arg5[%swap3A_1086], %broadcast_in_dim3A_3 {strides = array<i32>} : memref<256xi32, #tpu.memory_space<vmem>>, vector<16xi32>,
          %swap3A_1088 = arith.constant 48 : index
          %swap3A_1089 = tpu.vector_load %arg5[%swap3A_1088] {strides = array<i32>} : memref<256xi32, #tpu.memory_space<vmem>>, vector<16xi32>,
          tpu.vector_store %arg5[%swap3A_1088], %broadcast_in_dim3A_3 {strides = array<i32>} : memref<256xi32, #tpu.memory_space<vmem>>, vector<16xi32>,
          %swap3A_1090 = arith.constant 64 : index
          %swap3A_1091 = tpu.vector_load %arg5[%swap3A_1090] {strides = array<i32>} : memref<256xi32, #tpu.memory_space<vmem>>, vector<16xi32>,
          tpu.vector_store %arg5[%swap3A_1090], %broadcast_in_dim3A_3 {strides = array<i32>} : memref<256xi32, #tpu.memory_space<vmem>>, vector<16xi32>,
          %swap3A_1092 = arith.constant 80 : index
          %swap3A_1093 = tpu.vector_load %arg5[%swap3A_1092] {strides = array<i32>} : memref<256xi32, #tpu.memory_space<vmem>>, vector<16xi32>,
          tpu.vector_store %arg5[%swap3A_1092], %broadcast_in_dim3A_3 {strides = array<i32>} : memref<256xi32, #tpu.memory_space<vmem>>, vector<16xi32>,
          %swap3A_1094 = arith.constant 96 : index
          %swap3A_1095 = tpu.vector_load %arg5[%swap3A_1094] {strides = array<i32>} : memref<256xi32, #tpu.memory_space<vmem>>, vector<16xi32>,
          tpu.vector_store %arg5[%swap3A_1094], %broadcast_in_dim3A_3 {strides = array<i32>} : memref<256xi32, #tpu.memory_space<vmem>>, vector<16xi32>,
          %swap3A_1096 = arith.constant 112 : index
          %swap3A_1097 = tpu.vector_load %arg5[%swap3A_1096] {strides = array<i32>} : memref<256xi32, #tpu.memory_space<vmem>>, vector<16xi32>,
          tpu.vector_store %arg5[%swap3A_1096], %broadcast_in_dim3A_3 {strides = array<i32>} : memref<256xi32, #tpu.memory_space<vmem>>, vector<16xi32>,
          %swap3A_1098 = arith.constant 128 : index
          %swap3A_1099 = tpu.vector_load %arg5[%swap3A_1098] {strides = array<i32>} : memref<256xi32, #tpu.memory_space<vmem>>, vector<16xi32>,
          tpu.vector_store %arg5[%swap3A_1098], %broadcast_in_dim3A_3 {strides = array<i32>} : memref<256xi32, #tpu.memory_space<vmem>>, vector<16xi32>,
          %swap3A_1100 = arith.constant 144 : index
          %swap3A_1101 = tpu.vector_load %arg5[%swap3A_1100] {strides = array<i32>} : memref<256xi32, #tpu.memory_space<vmem>>, vector<16xi32>,
          tpu.vector_store %arg5[%swap3A_1100], %broadcast_in_dim3A_3 {strides = array<i32>} : memref<256xi32, #tpu.memory_space<vmem>>, vector<16xi32>,
          %swap3A_1102 = arith.constant 160 : index
          %swap3A_1103 = tpu.vector_load %arg5[%swap3A_1102] {strides = array<i32>} : memref<256xi32, #tpu.memory_space<vmem>>, vector<16xi32>,
          tpu.vector_store %arg5[%swap3A_1102], %broadcast_in_dim3A_3 {strides = array<i32>} : memref<256xi32, #tpu.memory_space<vmem>>, vector<16xi32>,
          %swap3A_1104 = arith.constant 176 : index
          %swap3A_1105 = tpu.vector_load %arg5[%swap3A_1104] {strides = array<i32>} : memref<256xi32, #tpu.memory_space<vmem>>, vector<16xi32>,
          tpu.vector_store %arg5[%swap3A_1104], %broadcast_in_dim3A_3 {strides = array<i32>} : memref<256xi32, #tpu.memory_space<vmem>>, vector<16xi32>,
          %swap3A_1106 = arith.constant 192 : index
          %swap3A_1107 = tpu.vector_load %arg5[%swap3A_1106] {strides = array<i32>} : memref<256xi32, #tpu.memory_space<vmem>>, vector<16xi32>,
          tpu.vector_store %arg5[%swap3A_1106], %broadcast_in_dim3A_3 {strides = array<i32>} : memref<256xi32, #tpu.memory_space<vmem>>, vector<16xi32>,
          %swap3A_1108 = arith.constant 208 : index
          %swap3A_1109 = tpu.vector_load %arg5[%swap3A_1108] {strides = array<i32>} : memref<256xi32, #tpu.memory_space<vmem>>, vector<16xi32>,
          tpu.vector_store %arg5[%swap3A_1108], %broadcast_in_dim3A_3 {strides = array<i32>} : memref<256xi32, #tpu.memory_space<vmem>>, vector<16xi32>,
          %swap3A_1110 = arith.constant 224 : index
          %swap3A_1111 = tpu.vector_load %arg5[%swap3A_1110] {strides = array<i32>} : memref<256xi32, #tpu.memory_space<vmem>>, vector<16xi32>,
          tpu.vector_store %arg5[%swap3A_1110], %broadcast_in_dim3A_3 {strides = array<i32>} : memref<256xi32, #tpu.memory_space<vmem>>, vector<16xi32>,
          %swap3A_1112 = arith.constant 240 : index
          %swap3A_1113 = tpu.vector_load %arg5[%swap3A_1112] {strides = array<i32>} : memref<256xi32, #tpu.memory_space<vmem>>, vector<16xi32>,
          tpu.vector_store %arg5[%swap3A_1112], %broadcast_in_dim3A_3 {strides = array<i32>} : memref<256xi32, #tpu.memory_space<vmem>>, vector<16xi32>,
          %scan3A_1114 = arith.constant 0 : i32
          %scan3A_1115 = arith.constant 0 : i32
          %scan3A_1116 = arith.constant 12 : i32
          %scan3A_1117 = arith.addi %scan3A_1115, %scan3A_1116 : i32
          %scan3A_1118 = arith.constant 1 : i32
          %scan3A_1119 = scf.for %scan3A_1440 = %scan3A_1115 to %scan3A_1117 step %scan3A_1118 iter_args(%scan3A_1441 = %scan3A_1114) -> (i32)  : i32 {
            %mul3A_1442 = arith.constant 128 : i32
            %mul3A_1443 = arith.muli %scan3A_1440, %mul3A_1442 : i32
            %add3A_1444 = arith.constant 0 : i32
            %add3A_1445 = arith.addi %mul3A_1443, %add3A_1444 : i32
            %get3A_1446 = arith.index_cast %scan3A_27 : i32 to index
            %get3A_1447 = arith.index_cast %add3A_1445 : i32 to index
            %get3A_1448 = tpu.vector_load %arg4[%get3A_1446, %get3A_1447] {strides = array<i32>} : memref<16x1536xi32, #tpu.memory_space<vmem>>, vector<16xi32>,
            %shift_right_arithmetic3A = arith.constant 8 : i32
            %shift_right_arithmetic3A_1449 = vector.broadcast %shift_right_arithmetic3A : i32 to vector<16xi32>
            %shift_right_arithmetic3A_1450 = arith.shrsi %get3A_1448, %shift_right_arithmetic3A_1449 : vector<16xi32>
            %eq3A_1451 = vector.broadcast %add3A_1080 : i32 to vector<16xi32>
            %eq3A_1452 = arith.cmpi eq, %shift_right_arithmetic3A_1450, %eq3A_1451 : vector<16xi32>
            %shift_right_arithmetic3A_1453 = arith.constant 0 : i32
            %shift_right_arithmetic3A_1454 = vector.broadcast %shift_right_arithmetic3A_1453 : i32 to vector<16xi32>
            %shift_right_arithmetic3A_1455 = arith.shrsi %get3A_1448, %shift_right_arithmetic3A_1454 : vector<16xi32>
            %and3A_1456 = arith.constant 255 : i32
            %and3A_1457 = vector.broadcast %and3A_1456 : i32 to vector<16xi32>
            %and3A_1458 = arith.andi %shift_right_arithmetic3A_1455, %and3A_1457 : vector<16xi32>
            tpu.vector_store_idx %arg5[%and3A_1458], %broadcast_in_dim3A_1 masked %eq3A_1452 {add = true} : memref<256xi32, #tpu.memory_space<vmem>>[vector<16xi32>], vector<16xi32>, vector<16xi1>
            %mul3A_1459 = arith.constant 128 : i32
            %mul3A_1460 = arith.muli %scan3A_1440, %mul3A_1459 : i32
            %add3A_1461 = arith.constant 16 : i32
            %add3A_1462 = arith.addi %mul3A_1460, %add3A_1461 : i32
            %get3A_1463 = arith.index_cast %scan3A_27 : i32 to index
            %get3A_1464 = arith.index_cast %add3A_1462 : i32 to index
            %get3A_1465 = tpu.vector_load %arg4[%get3A_1463, %get3A_1464] {strides = array<i32>} : memref<16x1536xi32, #tpu.memory_space<vmem>>, vector<16xi32>,
            %shift_right_arithmetic3A_1466 = arith.constant 8 : i32
            %shift_right_arithmetic3A_1467 = vector.broadcast %shift_right_arithmetic3A_1466 : i32 to vector<16xi32>
            %shift_right_arithmetic3A_1468 = arith.shrsi %get3A_1465, %shift_right_arithmetic3A_1467 : vector<16xi32>
            %eq3A_1469 = vector.broadcast %add3A_1080 : i32 to vector<16xi32>
            %eq3A_1470 = arith.cmpi eq, %shift_right_arithmetic3A_1468, %eq3A_1469 : vector<16xi32>
            %shift_right_arithmetic3A_1471 = arith.constant 0 : i32
            %shift_right_arithmetic3A_1472 = vector.broadcast %shift_right_arithmetic3A_1471 : i32 to vector<16xi32>
            %shift_right_arithmetic3A_1473 = arith.shrsi %get3A_1465, %shift_right_arithmetic3A_1472 : vector<16xi32>
            %and3A_1474 = arith.constant 255 : i32
            %and3A_1475 = vector.broadcast %and3A_1474 : i32 to vector<16xi32>
            %and3A_1476 = arith.andi %shift_right_arithmetic3A_1473, %and3A_1475 : vector<16xi32>
            tpu.vector_store_idx %arg5[%and3A_1476], %broadcast_in_dim3A_1 masked %eq3A_1470 {add = true} : memref<256xi32, #tpu.memory_space<vmem>>[vector<16xi32>], vector<16xi32>, vector<16xi1>
            %mul3A_1477 = arith.constant 128 : i32
            %mul3A_1478 = arith.muli %scan3A_1440, %mul3A_1477 : i32
            %add3A_1479 = arith.constant 32 : i32
            %add3A_1480 = arith.addi %mul3A_1478, %add3A_1479 : i32
            %get3A_1481 = arith.index_cast %scan3A_27 : i32 to index
            %get3A_1482 = arith.index_cast %add3A_1480 : i32 to index
            %get3A_1483 = tpu.vector_load %arg4[%get3A_1481, %get3A_1482] {strides = array<i32>} : memref<16x1536xi32, #tpu.memory_space<vmem>>, vector<16xi32>,
            %shift_right_arithmetic3A_1484 = arith.constant 8 : i32
            %shift_right_arithmetic3A_1485 = vector.broadcast %shift_right_arithmetic3A_1484 : i32 to vector<16xi32>
            %shift_right_arithmetic3A_1486 = arith.shrsi %get3A_1483, %shift_right_arithmetic3A_1485 : vector<16xi32>
            %eq3A_1487 = vector.broadcast %add3A_1080 : i32 to vector<16xi32>
            %eq3A_1488 = arith.cmpi eq, %shift_right_arithmetic3A_1486, %eq3A_1487 : vector<16xi32>
            %shift_right_arithmetic3A_1489 = arith.constant 0 : i32
            %shift_right_arithmetic3A_1490 = vector.broadcast %shift_right_arithmetic3A_1489 : i32 to vector<16xi32>
            %shift_right_arithmetic3A_1491 = arith.shrsi %get3A_1483, %shift_right_arithmetic3A_1490 : vector<16xi32>
            %and3A_1492 = arith.constant 255 : i32
            %and3A_1493 = vector.broadcast %and3A_1492 : i32 to vector<16xi32>
            %and3A_1494 = arith.andi %shift_right_arithmetic3A_1491, %and3A_1493 : vector<16xi32>
            tpu.vector_store_idx %arg5[%and3A_1494], %broadcast_in_dim3A_1 masked %eq3A_1488 {add = true} : memref<256xi32, #tpu.memory_space<vmem>>[vector<16xi32>], vector<16xi32>, vector<16xi1>
            %mul3A_1495 = arith.constant 128 : i32
            %mul3A_1496 = arith.muli %scan3A_1440, %mul3A_1495 : i32
            %add3A_1497 = arith.constant 48 : i32
            %add3A_1498 = arith.addi %mul3A_1496, %add3A_1497 : i32
            %get3A_1499 = arith.index_cast %scan3A_27 : i32 to index
            %get3A_1500 = arith.index_cast %add3A_1498 : i32 to index
            %get3A_1501 = tpu.vector_load %arg4[%get3A_1499, %get3A_1500] {strides = array<i32>} : memref<16x1536xi32, #tpu.memory_space<vmem>>, vector<16xi32>,
            %shift_right_arithmetic3A_1502 = arith.constant 8 : i32
            %shift_right_arithmetic3A_1503 = vector.broadcast %shift_right_arithmetic3A_1502 : i32 to vector<16xi32>
            %shift_right_arithmetic3A_1504 = arith.shrsi %get3A_1501, %shift_right_arithmetic3A_1503 : vector<16xi32>
            %eq3A_1505 = vector.broadcast %add3A_1080 : i32 to vector<16xi32>
            %eq3A_1506 = arith.cmpi eq, %shift_right_arithmetic3A_1504, %eq3A_1505 : vector<16xi32>
            %shift_right_arithmetic3A_1507 = arith.constant 0 : i32
            %shift_right_arithmetic3A_1508 = vector.broadcast %shift_right_arithmetic3A_1507 : i32 to vector<16xi32>
            %shift_right_arithmetic3A_1509 = arith.shrsi %get3A_1501, %shift_right_arithmetic3A_1508 : vector<16xi32>
            %and3A_1510 = arith.constant 255 : i32
            %and3A_1511 = vector.broadcast %and3A_1510 : i32 to vector<16xi32>
            %and3A_1512 = arith.andi %shift_right_arithmetic3A_1509, %and3A_1511 : vector<16xi32>
            tpu.vector_store_idx %arg5[%and3A_1512], %broadcast_in_dim3A_1 masked %eq3A_1506 {add = true} : memref<256xi32, #tpu.memory_space<vmem>>[vector<16xi32>], vector<16xi32>, vector<16xi1>
            %mul3A_1513 = arith.constant 128 : i32
            %mul3A_1514 = arith.muli %scan3A_1440, %mul3A_1513 : i32
            %add3A_1515 = arith.constant 64 : i32
            %add3A_1516 = arith.addi %mul3A_1514, %add3A_1515 : i32
            %get3A_1517 = arith.index_cast %scan3A_27 : i32 to index
            %get3A_1518 = arith.index_cast %add3A_1516 : i32 to index
            %get3A_1519 = tpu.vector_load %arg4[%get3A_1517, %get3A_1518] {strides = array<i32>} : memref<16x1536xi32, #tpu.memory_space<vmem>>, vector<16xi32>,
            %shift_right_arithmetic3A_1520 = arith.constant 8 : i32
            %shift_right_arithmetic3A_1521 = vector.broadcast %shift_right_arithmetic3A_1520 : i32 to vector<16xi32>
            %shift_right_arithmetic3A_1522 = arith.shrsi %get3A_1519, %shift_right_arithmetic3A_1521 : vector<16xi32>
            %eq3A_1523 = vector.broadcast %add3A_1080 : i32 to vector<16xi32>
            %eq3A_1524 = arith.cmpi eq, %shift_right_arithmetic3A_1522, %eq3A_1523 : vector<16xi32>
            %shift_right_arithmetic3A_1525 = arith.constant 0 : i32
            %shift_right_arithmetic3A_1526 = vector.broadcast %shift_right_arithmetic3A_1525 : i32 to vector<16xi32>
            %shift_right_arithmetic3A_1527 = arith.shrsi %get3A_1519, %shift_right_arithmetic3A_1526 : vector<16xi32>
            %and3A_1528 = arith.constant 255 : i32
            %and3A_1529 = vector.broadcast %and3A_1528 : i32 to vector<16xi32>
            %and3A_1530 = arith.andi %shift_right_arithmetic3A_1527, %and3A_1529 : vector<16xi32>
            tpu.vector_store_idx %arg5[%and3A_1530], %broadcast_in_dim3A_1 masked %eq3A_1524 {add = true} : memref<256xi32, #tpu.memory_space<vmem>>[vector<16xi32>], vector<16xi32>, vector<16xi1>
            %mul3A_1531 = arith.constant 128 : i32
            %mul3A_1532 = arith.muli %scan3A_1440, %mul3A_1531 : i32
            %add3A_1533 = arith.constant 80 : i32
            %add3A_1534 = arith.addi %mul3A_1532, %add3A_1533 : i32
            %get3A_1535 = arith.index_cast %scan3A_27 : i32 to index
            %get3A_1536 = arith.index_cast %add3A_1534 : i32 to index
            %get3A_1537 = tpu.vector_load %arg4[%get3A_1535, %get3A_1536] {strides = array<i32>} : memref<16x1536xi32, #tpu.memory_space<vmem>>, vector<16xi32>,
            %shift_right_arithmetic3A_1538 = arith.constant 8 : i32
            %shift_right_arithmetic3A_1539 = vector.broadcast %shift_right_arithmetic3A_1538 : i32 to vector<16xi32>
            %shift_right_arithmetic3A_1540 = arith.shrsi %get3A_1537, %shift_right_arithmetic3A_1539 : vector<16xi32>
            %eq3A_1541 = vector.broadcast %add3A_1080 : i32 to vector<16xi32>
            %eq3A_1542 = arith.cmpi eq, %shift_right_arithmetic3A_1540, %eq3A_1541 : vector<16xi32>
            %shift_right_arithmetic3A_1543 = arith.constant 0 : i32
            %shift_right_arithmetic3A_1544 = vector.broadcast %shift_right_arithmetic3A_1543 : i32 to vector<16xi32>
            %shift_right_arithmetic3A_1545 = arith.shrsi %get3A_1537, %shift_right_arithmetic3A_1544 : vector<16xi32>
            %and3A_1546 = arith.constant 255 : i32
            %and3A_1547 = vector.broadcast %and3A_1546 : i32 to vector<16xi32>
            %and3A_1548 = arith.andi %shift_right_arithmetic3A_1545, %and3A_1547 : vector<16xi32>
            tpu.vector_store_idx %arg5[%and3A_1548], %broadcast_in_dim3A_1 masked %eq3A_1542 {add = true} : memref<256xi32, #tpu.memory_space<vmem>>[vector<16xi32>], vector<16xi32>, vector<16xi1>
            %mul3A_1549 = arith.constant 128 : i32
            %mul3A_1550 = arith.muli %scan3A_1440, %mul3A_1549 : i32
            %add3A_1551 = arith.constant 96 : i32
            %add3A_1552 = arith.addi %mul3A_1550, %add3A_1551 : i32
            %get3A_1553 = arith.index_cast %scan3A_27 : i32 to index
            %get3A_1554 = arith.index_cast %add3A_1552 : i32 to index
            %get3A_1555 = tpu.vector_load %arg4[%get3A_1553, %get3A_1554] {strides = array<i32>} : memref<16x1536xi32, #tpu.memory_space<vmem>>, vector<16xi32>,
            %shift_right_arithmetic3A_1556 = arith.constant 8 : i32
            %shift_right_arithmetic3A_1557 = vector.broadcast %shift_right_arithmetic3A_1556 : i32 to vector<16xi32>
            %shift_right_arithmetic3A_1558 = arith.shrsi %get3A_1555, %shift_right_arithmetic3A_1557 : vector<16xi32>
            %eq3A_1559 = vector.broadcast %add3A_1080 : i32 to vector<16xi32>
            %eq3A_1560 = arith.cmpi eq, %shift_right_arithmetic3A_1558, %eq3A_1559 : vector<16xi32>
            %shift_right_arithmetic3A_1561 = arith.constant 0 : i32
            %shift_right_arithmetic3A_1562 = vector.broadcast %shift_right_arithmetic3A_1561 : i32 to vector<16xi32>
            %shift_right_arithmetic3A_1563 = arith.shrsi %get3A_1555, %shift_right_arithmetic3A_1562 : vector<16xi32>
            %and3A_1564 = arith.constant 255 : i32
            %and3A_1565 = vector.broadcast %and3A_1564 : i32 to vector<16xi32>
            %and3A_1566 = arith.andi %shift_right_arithmetic3A_1563, %and3A_1565 : vector<16xi32>
            tpu.vector_store_idx %arg5[%and3A_1566], %broadcast_in_dim3A_1 masked %eq3A_1560 {add = true} : memref<256xi32, #tpu.memory_space<vmem>>[vector<16xi32>], vector<16xi32>, vector<16xi1>
            %mul3A_1567 = arith.constant 128 : i32
            %mul3A_1568 = arith.muli %scan3A_1440, %mul3A_1567 : i32
            %add3A_1569 = arith.constant 112 : i32
            %add3A_1570 = arith.addi %mul3A_1568, %add3A_1569 : i32
            %get3A_1571 = arith.index_cast %scan3A_27 : i32 to index
            %get3A_1572 = arith.index_cast %add3A_1570 : i32 to index
            %get3A_1573 = tpu.vector_load %arg4[%get3A_1571, %get3A_1572] {strides = array<i32>} : memref<16x1536xi32, #tpu.memory_space<vmem>>, vector<16xi32>,
            %shift_right_arithmetic3A_1574 = arith.constant 8 : i32
            %shift_right_arithmetic3A_1575 = vector.broadcast %shift_right_arithmetic3A_1574 : i32 to vector<16xi32>
            %shift_right_arithmetic3A_1576 = arith.shrsi %get3A_1573, %shift_right_arithmetic3A_1575 : vector<16xi32>
            %eq3A_1577 = vector.broadcast %add3A_1080 : i32 to vector<16xi32>
            %eq3A_1578 = arith.cmpi eq, %shift_right_arithmetic3A_1576, %eq3A_1577 : vector<16xi32>
            %shift_right_arithmetic3A_1579 = arith.constant 0 : i32
            %shift_right_arithmetic3A_1580 = vector.broadcast %shift_right_arithmetic3A_1579 : i32 to vector<16xi32>
            %shift_right_arithmetic3A_1581 = arith.shrsi %get3A_1573, %shift_right_arithmetic3A_1580 : vector<16xi32>
            %and3A_1582 = arith.constant 255 : i32
            %and3A_1583 = vector.broadcast %and3A_1582 : i32 to vector<16xi32>
            %and3A_1584 = arith.andi %shift_right_arithmetic3A_1581, %and3A_1583 : vector<16xi32>
            tpu.vector_store_idx %arg5[%and3A_1584], %broadcast_in_dim3A_1 masked %eq3A_1578 {add = true} : memref<256xi32, #tpu.memory_space<vmem>>[vector<16xi32>], vector<16xi32>, vector<16xi1>
            %scan3A_1585 = arith.constant 0 : i32
            scf.yield %scan3A_1585 : i32
          }
          %scan3A_1120 = arith.constant 12 : i32
          %get3A_1121 = arith.constant 0 : index
          %get3A_1122 = tpu.vector_load %arg5[%get3A_1121] {strides = array<i32>} : memref<256xi32, #tpu.memory_space<vmem>>, vector<16xi32>,
          %reduce_sum3A_1123 = arith.constant true
          %reduce_sum3A_1124 = vector.broadcast %reduce_sum3A_1123 : i1 to vector<16xi1>
          %reduce_sum3A_1125 = tpu.scan <sum>, %get3A_1122 masked %reduce_sum3A_1124 : vector<16xi32>, vector<16xi1> -> vector<16xi32>
          %reduce_sum3A_1126 = vector.extract %reduce_sum3A_1125[15] : i32 from vector<16xi32>
          %get3A_1127 = arith.constant 16 : index
          %get3A_1128 = tpu.vector_load %arg5[%get3A_1127] {strides = array<i32>} : memref<256xi32, #tpu.memory_space<vmem>>, vector<16xi32>,
          %reduce_sum3A_1129 = arith.constant true
          %reduce_sum3A_1130 = vector.broadcast %reduce_sum3A_1129 : i1 to vector<16xi1>
          %reduce_sum3A_1131 = tpu.scan <sum>, %get3A_1128 masked %reduce_sum3A_1130 : vector<16xi32>, vector<16xi1> -> vector<16xi32>
          %reduce_sum3A_1132 = vector.extract %reduce_sum3A_1131[15] : i32 from vector<16xi32>
          %get3A_1133 = arith.constant 32 : index
          %get3A_1134 = tpu.vector_load %arg5[%get3A_1133] {strides = array<i32>} : memref<256xi32, #tpu.memory_space<vmem>>, vector<16xi32>,
          %reduce_sum3A_1135 = arith.constant true
          %reduce_sum3A_1136 = vector.broadcast %reduce_sum3A_1135 : i1 to vector<16xi1>
          %reduce_sum3A_1137 = tpu.scan <sum>, %get3A_1134 masked %reduce_sum3A_1136 : vector<16xi32>, vector<16xi1> -> vector<16xi32>
          %reduce_sum3A_1138 = vector.extract %reduce_sum3A_1137[15] : i32 from vector<16xi32>
          %get3A_1139 = arith.constant 48 : index
          %get3A_1140 = tpu.vector_load %arg5[%get3A_1139] {strides = array<i32>} : memref<256xi32, #tpu.memory_space<vmem>>, vector<16xi32>,
          %reduce_sum3A_1141 = arith.constant true
          %reduce_sum3A_1142 = vector.broadcast %reduce_sum3A_1141 : i1 to vector<16xi1>
          %reduce_sum3A_1143 = tpu.scan <sum>, %get3A_1140 masked %reduce_sum3A_1142 : vector<16xi32>, vector<16xi1> -> vector<16xi32>
          %reduce_sum3A_1144 = vector.extract %reduce_sum3A_1143[15] : i32 from vector<16xi32>
          %get3A_1145 = arith.constant 64 : index
          %get3A_1146 = tpu.vector_load %arg5[%get3A_1145] {strides = array<i32>} : memref<256xi32, #tpu.memory_space<vmem>>, vector<16xi32>,
          %reduce_sum3A_1147 = arith.constant true
          %reduce_sum3A_1148 = vector.broadcast %reduce_sum3A_1147 : i1 to vector<16xi1>
          %reduce_sum3A_1149 = tpu.scan <sum>, %get3A_1146 masked %reduce_sum3A_1148 : vector<16xi32>, vector<16xi1> -> vector<16xi32>
          %reduce_sum3A_1150 = vector.extract %reduce_sum3A_1149[15] : i32 from vector<16xi32>
          %get3A_1151 = arith.constant 80 : index
          %get3A_1152 = tpu.vector_load %arg5[%get3A_1151] {strides = array<i32>} : memref<256xi32, #tpu.memory_space<vmem>>, vector<16xi32>,
          %reduce_sum3A_1153 = arith.constant true
          %reduce_sum3A_1154 = vector.broadcast %reduce_sum3A_1153 : i1 to vector<16xi1>
          %reduce_sum3A_1155 = tpu.scan <sum>, %get3A_1152 masked %reduce_sum3A_1154 : vector<16xi32>, vector<16xi1> -> vector<16xi32>
          %reduce_sum3A_1156 = vector.extract %reduce_sum3A_1155[15] : i32 from vector<16xi32>
          %get3A_1157 = arith.constant 96 : index
          %get3A_1158 = tpu.vector_load %arg5[%get3A_1157] {strides = array<i32>} : memref<256xi32, #tpu.memory_space<vmem>>, vector<16xi32>,
          %reduce_sum3A_1159 = arith.constant true
          %reduce_sum3A_1160 = vector.broadcast %reduce_sum3A_1159 : i1 to vector<16xi1>
          %reduce_sum3A_1161 = tpu.scan <sum>, %get3A_1158 masked %reduce_sum3A_1160 : vector<16xi32>, vector<16xi1> -> vector<16xi32>
          %reduce_sum3A_1162 = vector.extract %reduce_sum3A_1161[15] : i32 from vector<16xi32>
          %get3A_1163 = arith.constant 112 : index
          %get3A_1164 = tpu.vector_load %arg5[%get3A_1163] {strides = array<i32>} : memref<256xi32, #tpu.memory_space<vmem>>, vector<16xi32>,
          %reduce_sum3A_1165 = arith.constant true
          %reduce_sum3A_1166 = vector.broadcast %reduce_sum3A_1165 : i1 to vector<16xi1>
          %reduce_sum3A_1167 = tpu.scan <sum>, %get3A_1164 masked %reduce_sum3A_1166 : vector<16xi32>, vector<16xi1> -> vector<16xi32>
          %reduce_sum3A_1168 = vector.extract %reduce_sum3A_1167[15] : i32 from vector<16xi32>
          %get3A_1169 = arith.constant 128 : index
          %get3A_1170 = tpu.vector_load %arg5[%get3A_1169] {strides = array<i32>} : memref<256xi32, #tpu.memory_space<vmem>>, vector<16xi32>,
          %reduce_sum3A_1171 = arith.constant true
          %reduce_sum3A_1172 = vector.broadcast %reduce_sum3A_1171 : i1 to vector<16xi1>
          %reduce_sum3A_1173 = tpu.scan <sum>, %get3A_1170 masked %reduce_sum3A_1172 : vector<16xi32>, vector<16xi1> -> vector<16xi32>
          %reduce_sum3A_1174 = vector.extract %reduce_sum3A_1173[15] : i32 from vector<16xi32>
          %get3A_1175 = arith.constant 144 : index
          %get3A_1176 = tpu.vector_load %arg5[%get3A_1175] {strides = array<i32>} : memref<256xi32, #tpu.memory_space<vmem>>, vector<16xi32>,
          %reduce_sum3A_1177 = arith.constant true
          %reduce_sum3A_1178 = vector.broadcast %reduce_sum3A_1177 : i1 to vector<16xi1>
          %reduce_sum3A_1179 = tpu.scan <sum>, %get3A_1176 masked %reduce_sum3A_1178 : vector<16xi32>, vector<16xi1> -> vector<16xi32>
          %reduce_sum3A_1180 = vector.extract %reduce_sum3A_1179[15] : i32 from vector<16xi32>
          %get3A_1181 = arith.constant 160 : index
          %get3A_1182 = tpu.vector_load %arg5[%get3A_1181] {strides = array<i32>} : memref<256xi32, #tpu.memory_space<vmem>>, vector<16xi32>,
          %reduce_sum3A_1183 = arith.constant true
          %reduce_sum3A_1184 = vector.broadcast %reduce_sum3A_1183 : i1 to vector<16xi1>
          %reduce_sum3A_1185 = tpu.scan <sum>, %get3A_1182 masked %reduce_sum3A_1184 : vector<16xi32>, vector<16xi1> -> vector<16xi32>
          %reduce_sum3A_1186 = vector.extract %reduce_sum3A_1185[15] : i32 from vector<16xi32>
          %get3A_1187 = arith.constant 176 : index
          %get3A_1188 = tpu.vector_load %arg5[%get3A_1187] {strides = array<i32>} : memref<256xi32, #tpu.memory_space<vmem>>, vector<16xi32>,
          %reduce_sum3A_1189 = arith.constant true
          %reduce_sum3A_1190 = vector.broadcast %reduce_sum3A_1189 : i1 to vector<16xi1>
          %reduce_sum3A_1191 = tpu.scan <sum>, %get3A_1188 masked %reduce_sum3A_1190 : vector<16xi32>, vector<16xi1> -> vector<16xi32>
          %reduce_sum3A_1192 = vector.extract %reduce_sum3A_1191[15] : i32 from vector<16xi32>
          %get3A_1193 = arith.constant 192 : index
          %get3A_1194 = tpu.vector_load %arg5[%get3A_1193] {strides = array<i32>} : memref<256xi32, #tpu.memory_space<vmem>>, vector<16xi32>,
          %reduce_sum3A_1195 = arith.constant true
          %reduce_sum3A_1196 = vector.broadcast %reduce_sum3A_1195 : i1 to vector<16xi1>
          %reduce_sum3A_1197 = tpu.scan <sum>, %get3A_1194 masked %reduce_sum3A_1196 : vector<16xi32>, vector<16xi1> -> vector<16xi32>
          %reduce_sum3A_1198 = vector.extract %reduce_sum3A_1197[15] : i32 from vector<16xi32>
          %get3A_1199 = arith.constant 208 : index
          %get3A_1200 = tpu.vector_load %arg5[%get3A_1199] {strides = array<i32>} : memref<256xi32, #tpu.memory_space<vmem>>, vector<16xi32>,
          %reduce_sum3A_1201 = arith.constant true
          %reduce_sum3A_1202 = vector.broadcast %reduce_sum3A_1201 : i1 to vector<16xi1>
          %reduce_sum3A_1203 = tpu.scan <sum>, %get3A_1200 masked %reduce_sum3A_1202 : vector<16xi32>, vector<16xi1> -> vector<16xi32>
          %reduce_sum3A_1204 = vector.extract %reduce_sum3A_1203[15] : i32 from vector<16xi32>
          %get3A_1205 = arith.constant 224 : index
          %get3A_1206 = tpu.vector_load %arg5[%get3A_1205] {strides = array<i32>} : memref<256xi32, #tpu.memory_space<vmem>>, vector<16xi32>,
          %reduce_sum3A_1207 = arith.constant true
          %reduce_sum3A_1208 = vector.broadcast %reduce_sum3A_1207 : i1 to vector<16xi1>
          %reduce_sum3A_1209 = tpu.scan <sum>, %get3A_1206 masked %reduce_sum3A_1208 : vector<16xi32>, vector<16xi1> -> vector<16xi32>
          %reduce_sum3A_1210 = vector.extract %reduce_sum3A_1209[15] : i32 from vector<16xi32>
          %get3A_1211 = arith.constant 240 : index
          %get3A_1212 = tpu.vector_load %arg5[%get3A_1211] {strides = array<i32>} : memref<256xi32, #tpu.memory_space<vmem>>, vector<16xi32>,
          %reduce_sum3A_1213 = arith.constant true
          %reduce_sum3A_1214 = vector.broadcast %reduce_sum3A_1213 : i1 to vector<16xi1>
          %reduce_sum3A_1215 = tpu.scan <sum>, %get3A_1212 masked %reduce_sum3A_1214 : vector<16xi32>, vector<16xi1> -> vector<16xi32>
          %reduce_sum3A_1216 = vector.extract %reduce_sum3A_1215[15] : i32 from vector<16xi32>
          %not3A_1217 = arith.constant false
          %not3A_1218 = arith.constant true
          %not3A_1219 = arith.xori %not3A_1217, %not3A_1218 : i1
          %add3A_1220 = arith.constant 0 : i32
          %add3A_1221 = arith.addi %add3A_1220, %reduce_sum3A_1216 : i32
          %ge3A_1222 = arith.cmpi sge, %add3A_1221, %sub3A_1081 : i32
          %and3A_1223 = arith.andi %not3A_1219, %ge3A_1222 : i1
          %jit3A_1224 = arith.constant 15 : i32
          %jit3A_1225 = arith.constant 0 : i32
          %select_n3A_1226 = arith.select %and3A_1223, %jit3A_1224, %jit3A_1225 : i32
          %jit3A_1227 = arith.constant 0 : i32
          %jit3A_1228 = arith.constant 0 : i32
          %select_n3A_1229 = arith.select %and3A_1223, %jit3A_1227, %jit3A_1228 : i32
          %or3A_1230 = arith.constant false
          %or3A_1231 = arith.ori %or3A_1230, %and3A_1223 : i1
          %add3A_1232 = arith.constant 0 : i32
          %add3A_1233 = arith.addi %add3A_1232, %reduce_sum3A_1216 : i32
          %not3A_1234 = arith.constant true
          %not3A_1235 = arith.xori %or3A_1231, %not3A_1234 : i1
          %add3A_1236 = arith.addi %add3A_1233, %reduce_sum3A_1210 : i32
          %ge3A_1237 = arith.cmpi sge, %add3A_1236, %sub3A_1081 : i32
          %and3A_1238 = arith.andi %not3A_1235, %ge3A_1237 : i1
          %jit3A_1239 = arith.constant 14 : i32
          %select_n3A_1240 = arith.select %and3A_1238, %jit3A_1239, %select_n3A_1226 : i32
          %select_n3A_1241 = arith.select %and3A_1238, %add3A_1233, %select_n3A_1229 : i32
          %or3A_1242 = arith.ori %or3A_1231, %and3A_1238 : i1
          %add3A_1243 = arith.addi %add3A_1233, %reduce_sum3A_1210 : i32
          %not3A_1244 = arith.constant true
          %not3A_1245 = arith.xori %or3A_1242, %not3A_1244 : i1
          %add3A_1246 = arith.addi %add3A_1243, %reduce_sum3A_1204 : i32
          %ge3A_1247 = arith.cmpi sge, %add3A_1246, %sub3A_1081 : i32
          %and3A_1248 = arith.andi %not3A_1245, %ge3A_1247 : i1
          %jit3A_1249 = arith.constant 13 : i32
          %select_n3A_1250 = arith.select %and3A_1248, %jit3A_1249, %select_n3A_1240 : i32
          %select_n3A_1251 = arith.select %and3A_1248, %add3A_1243, %select_n3A_1241 : i32
          %or3A_1252 = arith.ori %or3A_1242, %and3A_1248 : i1
          %add3A_1253 = arith.addi %add3A_1243, %reduce_sum3A_1204 : i32
          %not3A_1254 = arith.constant true
          %not3A_1255 = arith.xori %or3A_1252, %not3A_1254 : i1
          %add3A_1256 = arith.addi %add3A_1253, %reduce_sum3A_1198 : i32
          %ge3A_1257 = arith.cmpi sge, %add3A_1256, %sub3A_1081 : i32
          %and3A_1258 = arith.andi %not3A_1255, %ge3A_1257 : i1
          %jit3A_1259 = arith.constant 12 : i32
          %select_n3A_1260 = arith.select %and3A_1258, %jit3A_1259, %select_n3A_1250 : i32
          %select_n3A_1261 = arith.select %and3A_1258, %add3A_1253, %select_n3A_1251 : i32
          %or3A_1262 = arith.ori %or3A_1252, %and3A_1258 : i1
          %add3A_1263 = arith.addi %add3A_1253, %reduce_sum3A_1198 : i32
          %not3A_1264 = arith.constant true
          %not3A_1265 = arith.xori %or3A_1262, %not3A_1264 : i1
          %add3A_1266 = arith.addi %add3A_1263, %reduce_sum3A_1192 : i32
          %ge3A_1267 = arith.cmpi sge, %add3A_1266, %sub3A_1081 : i32
          %and3A_1268 = arith.andi %not3A_1265, %ge3A_1267 : i1
          %jit3A_1269 = arith.constant 11 : i32
          %select_n3A_1270 = arith.select %and3A_1268, %jit3A_1269, %select_n3A_1260 : i32
          %select_n3A_1271 = arith.select %and3A_1268, %add3A_1263, %select_n3A_1261 : i32
          %or3A_1272 = arith.ori %or3A_1262, %and3A_1268 : i1
          %add3A_1273 = arith.addi %add3A_1263, %reduce_sum3A_1192 : i32
          %not3A_1274 = arith.constant true
          %not3A_1275 = arith.xori %or3A_1272, %not3A_1274 : i1
          %add3A_1276 = arith.addi %add3A_1273, %reduce_sum3A_1186 : i32
          %ge3A_1277 = arith.cmpi sge, %add3A_1276, %sub3A_1081 : i32
          %and3A_1278 = arith.andi %not3A_1275, %ge3A_1277 : i1
          %jit3A_1279 = arith.constant 10 : i32
          %select_n3A_1280 = arith.select %and3A_1278, %jit3A_1279, %select_n3A_1270 : i32
          %select_n3A_1281 = arith.select %and3A_1278, %add3A_1273, %select_n3A_1271 : i32
          %or3A_1282 = arith.ori %or3A_1272, %and3A_1278 : i1
          %add3A_1283 = arith.addi %add3A_1273, %reduce_sum3A_1186 : i32
          %not3A_1284 = arith.constant true
          %not3A_1285 = arith.xori %or3A_1282, %not3A_1284 : i1
          %add3A_1286 = arith.addi %add3A_1283, %reduce_sum3A_1180 : i32
          %ge3A_1287 = arith.cmpi sge, %add3A_1286, %sub3A_1081 : i32
          %and3A_1288 = arith.andi %not3A_1285, %ge3A_1287 : i1
          %jit3A_1289 = arith.constant 9 : i32
          %select_n3A_1290 = arith.select %and3A_1288, %jit3A_1289, %select_n3A_1280 : i32
          %select_n3A_1291 = arith.select %and3A_1288, %add3A_1283, %select_n3A_1281 : i32
          %or3A_1292 = arith.ori %or3A_1282, %and3A_1288 : i1
          %add3A_1293 = arith.addi %add3A_1283, %reduce_sum3A_1180 : i32
          %not3A_1294 = arith.constant true
          %not3A_1295 = arith.xori %or3A_1292, %not3A_1294 : i1
          %add3A_1296 = arith.addi %add3A_1293, %reduce_sum3A_1174 : i32
          %ge3A_1297 = arith.cmpi sge, %add3A_1296, %sub3A_1081 : i32
          %and3A_1298 = arith.andi %not3A_1295, %ge3A_1297 : i1
          %jit3A_1299 = arith.constant 8 : i32
          %select_n3A_1300 = arith.select %and3A_1298, %jit3A_1299, %select_n3A_1290 : i32
          %select_n3A_1301 = arith.select %and3A_1298, %add3A_1293, %select_n3A_1291 : i32
          %or3A_1302 = arith.ori %or3A_1292, %and3A_1298 : i1
          %add3A_1303 = arith.addi %add3A_1293, %reduce_sum3A_1174 : i32
          %not3A_1304 = arith.constant true
          %not3A_1305 = arith.xori %or3A_1302, %not3A_1304 : i1
          %add3A_1306 = arith.addi %add3A_1303, %reduce_sum3A_1168 : i32
          %ge3A_1307 = arith.cmpi sge, %add3A_1306, %sub3A_1081 : i32
          %and3A_1308 = arith.andi %not3A_1305, %ge3A_1307 : i1
          %jit3A_1309 = arith.constant 7 : i32
          %select_n3A_1310 = arith.select %and3A_1308, %jit3A_1309, %select_n3A_1300 : i32
          %select_n3A_1311 = arith.select %and3A_1308, %add3A_1303, %select_n3A_1301 : i32
          %or3A_1312 = arith.ori %or3A_1302, %and3A_1308 : i1
          %add3A_1313 = arith.addi %add3A_1303, %reduce_sum3A_1168 : i32
          %not3A_1314 = arith.constant true
          %not3A_1315 = arith.xori %or3A_1312, %not3A_1314 : i1
          %add3A_1316 = arith.addi %add3A_1313, %reduce_sum3A_1162 : i32
          %ge3A_1317 = arith.cmpi sge, %add3A_1316, %sub3A_1081 : i32
          %and3A_1318 = arith.andi %not3A_1315, %ge3A_1317 : i1
          %jit3A_1319 = arith.constant 6 : i32
          %select_n3A_1320 = arith.select %and3A_1318, %jit3A_1319, %select_n3A_1310 : i32
          %select_n3A_1321 = arith.select %and3A_1318, %add3A_1313, %select_n3A_1311 : i32
          %or3A_1322 = arith.ori %or3A_1312, %and3A_1318 : i1
          %add3A_1323 = arith.addi %add3A_1313, %reduce_sum3A_1162 : i32
          %not3A_1324 = arith.constant true
          %not3A_1325 = arith.xori %or3A_1322, %not3A_1324 : i1
          %add3A_1326 = arith.addi %add3A_1323, %reduce_sum3A_1156 : i32
          %ge3A_1327 = arith.cmpi sge, %add3A_1326, %sub3A_1081 : i32
          %and3A_1328 = arith.andi %not3A_1325, %ge3A_1327 : i1
          %jit3A_1329 = arith.constant 5 : i32
          %select_n3A_1330 = arith.select %and3A_1328, %jit3A_1329, %select_n3A_1320 : i32
          %select_n3A_1331 = arith.select %and3A_1328, %add3A_1323, %select_n3A_1321 : i32
          %or3A_1332 = arith.ori %or3A_1322, %and3A_1328 : i1
          %add3A_1333 = arith.addi %add3A_1323, %reduce_sum3A_1156 : i32
          %not3A_1334 = arith.constant true
          %not3A_1335 = arith.xori %or3A_1332, %not3A_1334 : i1
          %add3A_1336 = arith.addi %add3A_1333, %reduce_sum3A_1150 : i32
          %ge3A_1337 = arith.cmpi sge, %add3A_1336, %sub3A_1081 : i32
          %and3A_1338 = arith.andi %not3A_1335, %ge3A_1337 : i1
          %jit3A_1339 = arith.constant 4 : i32
          %select_n3A_1340 = arith.select %and3A_1338, %jit3A_1339, %select_n3A_1330 : i32
          %select_n3A_1341 = arith.select %and3A_1338, %add3A_1333, %select_n3A_1331 : i32
          %or3A_1342 = arith.ori %or3A_1332, %and3A_1338 : i1
          %add3A_1343 = arith.addi %add3A_1333, %reduce_sum3A_1150 : i32
          %not3A_1344 = arith.constant true
          %not3A_1345 = arith.xori %or3A_1342, %not3A_1344 : i1
          %add3A_1346 = arith.addi %add3A_1343, %reduce_sum3A_1144 : i32
          %ge3A_1347 = arith.cmpi sge, %add3A_1346, %sub3A_1081 : i32
          %and3A_1348 = arith.andi %not3A_1345, %ge3A_1347 : i1
          %jit3A_1349 = arith.constant 3 : i32
          %select_n3A_1350 = arith.select %and3A_1348, %jit3A_1349, %select_n3A_1340 : i32
          %select_n3A_1351 = arith.select %and3A_1348, %add3A_1343, %select_n3A_1341 : i32
          %or3A_1352 = arith.ori %or3A_1342, %and3A_1348 : i1
          %add3A_1353 = arith.addi %add3A_1343, %reduce_sum3A_1144 : i32
          %not3A_1354 = arith.constant true
          %not3A_1355 = arith.xori %or3A_1352, %not3A_1354 : i1
          %add3A_1356 = arith.addi %add3A_1353, %reduce_sum3A_1138 : i32
          %ge3A_1357 = arith.cmpi sge, %add3A_1356, %sub3A_1081 : i32
          %and3A_1358 = arith.andi %not3A_1355, %ge3A_1357 : i1
          %jit3A_1359 = arith.constant 2 : i32
          %select_n3A_1360 = arith.select %and3A_1358, %jit3A_1359, %select_n3A_1350 : i32
          %select_n3A_1361 = arith.select %and3A_1358, %add3A_1353, %select_n3A_1351 : i32
          %or3A_1362 = arith.ori %or3A_1352, %and3A_1358 : i1
          %add3A_1363 = arith.addi %add3A_1353, %reduce_sum3A_1138 : i32
          %not3A_1364 = arith.constant true
          %not3A_1365 = arith.xori %or3A_1362, %not3A_1364 : i1
          %add3A_1366 = arith.addi %add3A_1363, %reduce_sum3A_1132 : i32
          %ge3A_1367 = arith.cmpi sge, %add3A_1366, %sub3A_1081 : i32
          %and3A_1368 = arith.andi %not3A_1365, %ge3A_1367 : i1
          %jit3A_1369 = arith.constant 1 : i32
          %select_n3A_1370 = arith.select %and3A_1368, %jit3A_1369, %select_n3A_1360 : i32
          %select_n3A_1371 = arith.select %and3A_1368, %add3A_1363, %select_n3A_1361 : i32
          %or3A_1372 = arith.ori %or3A_1362, %and3A_1368 : i1
          %add3A_1373 = arith.addi %add3A_1363, %reduce_sum3A_1132 : i32
          %not3A_1374 = arith.constant true
          %not3A_1375 = arith.xori %or3A_1372, %not3A_1374 : i1
          %add3A_1376 = arith.addi %add3A_1373, %reduce_sum3A_1126 : i32
          %ge3A_1377 = arith.cmpi sge, %add3A_1376, %sub3A_1081 : i32
          %and3A_1378 = arith.andi %not3A_1375, %ge3A_1377 : i1
          %jit3A_1379 = arith.constant 0 : i32
          %select_n3A_1380 = arith.select %and3A_1378, %jit3A_1379, %select_n3A_1370 : i32
          %select_n3A_1381 = arith.select %and3A_1378, %add3A_1373, %select_n3A_1371 : i32
          %or3A_1382 = arith.ori %or3A_1372, %and3A_1378 : i1
          %add3A_1383 = arith.addi %add3A_1373, %reduce_sum3A_1126 : i32
          %mul3A_1384 = arith.constant 16 : i32
          %mul3A_1385 = arith.muli %select_n3A_1380, %mul3A_1384 : i32
          %get3A_1386 = arith.index_cast %mul3A_1385 : i32 to index
          %get3A_1387 = tpu.vector_load %arg5[%get3A_1386] {strides = array<i32>} : memref<256xi32, #tpu.memory_space<vmem>>, vector<16xi32>,
          %rev3A_1388 = arith.constant 15 : i32
          %rev3A_1389 = vector.broadcast %rev3A_1388 : i32 to vector<16xi32>
          %rev3A_1390 = tpu.iota {dimensions = array<i32: 0>} : vector<16xi32>
          %rev3A_1391 = arith.subi %rev3A_1389, %rev3A_1390 : vector<16xi32>
          %rev3A_1392 = tpu.dynamic_gather %get3A_1387[%rev3A_1391] in [0] : vector<16xi32>, vector<16xi32> -> vector<16xi32>
          %broadcast_in_dim3A_1393 = arith.constant true
          %broadcast_in_dim3A_1394 = vector.broadcast %broadcast_in_dim3A_1393 : i1 to vector<16xi1>
          %masked_cumsum3A_1395 = tpu.scan <sum>, %rev3A_1392 masked %broadcast_in_dim3A_1394 : vector<16xi32>, vector<16xi1> -> vector<16xi32>
          %add3A_1396 = vector.broadcast %select_n3A_1381 : i32 to vector<16xi32>
          %add3A_1397 = arith.addi %add3A_1396, %masked_cumsum3A_1395 : vector<16xi32>
          %ge3A_1398 = vector.broadcast %sub3A_1081 : i32 to vector<16xi32>
          %ge3A_1399 = arith.cmpi sge, %add3A_1397, %ge3A_1398 : vector<16xi32>
          %all_reduce_ffs3A_1400 = tpu.all_reduce %ge3A_1399 {dim = 0 : i64, kind = #tpu.reduction_kind<find_first_set>} : vector<16xi1> -> vector<16xi32>
          %sub3A_1401 = arith.constant 1 : i32
          %sub3A_1402 = vector.broadcast %sub3A_1401 : i32 to vector<16xi32>
          %sub3A_1403 = arith.subi %all_reduce_ffs3A_1400, %sub3A_1402 : vector<16xi32>
          %eq3A_1404 = arith.cmpi eq, %iota3A, %sub3A_1403 : vector<16xi32>
          %jit3A_1405 = arith.constant 0 : i32
          %broadcast_in_dim3A_1406 = vector.broadcast %jit3A_1405 : i32 to vector<16xi32>
          %select_n3A_1407 = arith.select %eq3A_1404, %masked_cumsum3A_1395, %broadcast_in_dim3A_1406 : vector<16xi1>, vector<16xi32>
          %reduce_sum3A_1408 = arith.constant true
          %reduce_sum3A_1409 = vector.broadcast %reduce_sum3A_1408 : i1 to vector<16xi1>
          %reduce_sum3A_1410 = tpu.scan <sum>, %select_n3A_1407 masked %reduce_sum3A_1409 : vector<16xi32>, vector<16xi1> -> vector<16xi32>
          %reduce_sum3A_1411 = vector.extract %reduce_sum3A_1410[15] : i32 from vector<16xi32>
          %mul3A_1412 = arith.constant 16 : i32
          %mul3A_1413 = arith.muli %select_n3A_1380, %mul3A_1412 : i32
          %add3A_1414 = arith.constant 15 : i32
          %add3A_1415 = arith.addi %mul3A_1413, %add3A_1414 : i32
          %eq3A_1416 = arith.constant 0 : i32
          %eq3A_1417 = vector.broadcast %eq3A_1416 : i32 to vector<16xi32>
          %eq3A_1418 = arith.cmpi eq, %iota3A, %eq3A_1417 : vector<16xi32>
          %jit3A_1419 = arith.constant 0 : i32
          %broadcast_in_dim3A_1420 = vector.broadcast %jit3A_1419 : i32 to vector<16xi32>
          %select_n3A_1421 = arith.select %eq3A_1418, %all_reduce_ffs3A_1400, %broadcast_in_dim3A_1420 : vector<16xi1>, vector<16xi32>
          %reduce_sum3A_1422 = arith.constant true
          %reduce_sum3A_1423 = vector.broadcast %reduce_sum3A_1422 : i1 to vector<16xi1>
          %reduce_sum3A_1424 = tpu.scan <sum>, %select_n3A_1421 masked %reduce_sum3A_1423 : vector<16xi32>, vector<16xi1> -> vector<16xi32>
          %reduce_sum3A_1425 = vector.extract %reduce_sum3A_1424[15] : i32 from vector<16xi32>
          %sub3A_1426 = arith.subi %add3A_1415, %reduce_sum3A_1425 : i32
          %add3A_1427 = arith.addi %select_n3A_1381, %reduce_sum3A_1411 : i32
          %mul3A_1428 = arith.constant 256 : i32
          %mul3A_1429 = arith.muli %add3A_1080, %mul3A_1428 : i32
          %add3A_1430 = arith.addi %mul3A_1429, %sub3A_1426 : i32
          %sub3A_1431 = arith.subi %sub3A_1081, %add3A_1427 : i32
          %add3A_1432 = vector.broadcast %scan3A_27 : i32 to vector<16xi32>
          %add3A_1433 = arith.addi %broadcast_in_dim3A_3, %add3A_1432 : vector<16xi32>
          %add3A_1434 = vector.broadcast %add3A_1430 : i32 to vector<16xi32>
          %add3A_1435 = arith.addi %broadcast_in_dim3A_3, %add3A_1434 : vector<16xi32>
          %eq3A_1436 = arith.constant 0 : i32
          %eq3A_1437 = vector.broadcast %eq3A_1436 : i32 to vector<16xi32>
          %eq3A_1438 = arith.cmpi eq, %iota3A, %eq3A_1437 : vector<16xi32>
          tpu.vector_store_idx %arg6[%add3A_1433], %add3A_1435 masked %eq3A_1438 : memref<16xi32, #tpu.memory_space<vmem>>[vector<16xi32>], vector<16xi32>, vector<16xi1>
          %scan3A_1439 = arith.constant 0 : i32
          scf.yield %scan3A_1439 : i32
        }
        %scan3A_26 = arith.constant 16 : i32
        "tpu.region"() ({
          %run_scoped3A = tpu.sem_alloc : memref<!tpu.dma_semaphore, #tpu.memory_space<semaphore_mem>>
          %dma_start3A = arith.constant 0 : i32
          %dma_start3A_27 = tpu.memref_slice %arg3[%add3A_14, %dma_start3A] : memref<1250x16xi32, #tpu.memory_space<hbm>> -> memref<1x16xi32, #tpu.memory_space<hbm>>
          %dma_start3A_28 = tpu.memref_squeeze %dma_start3A_27 : memref<1x16xi32, #tpu.memory_space<hbm>> -> memref<16xi32, #tpu.memory_space<hbm>>
          %dma_start3A_29 = arith.constant 0 : i32
          %dma_start3A_30 = tpu.memref_slice %arg3[%add3A_14, %dma_start3A_29] : memref<1250x16xi32, #tpu.memory_space<hbm>> -> memref<1x16xi32, #tpu.memory_space<hbm>>
          %dma_start3A_31 = tpu.memref_squeeze %dma_start3A_30 : memref<1x16xi32, #tpu.memory_space<hbm>> -> memref<16xi32, #tpu.memory_space<hbm>>
          tpu.enqueue_dma source(%arg6 : memref<16xi32, #tpu.memory_space<vmem>>) target(%dma_start3A_31 : memref<16xi32, #tpu.memory_space<hbm>>) target_semaphore(%run_scoped3A : memref<!tpu.dma_semaphore, #tpu.memory_space<semaphore_mem>>)
          %dma_wait3A = arith.constant 0 : i32
          %dma_wait3A_32 = tpu.memref_slice %arg3[%add3A_14, %dma_wait3A] : memref<1250x16xi32, #tpu.memory_space<hbm>> -> memref<1x16xi32, #tpu.memory_space<hbm>>
          %dma_wait3A_33 = tpu.memref_squeeze %dma_wait3A_32 : memref<1x16xi32, #tpu.memory_space<hbm>> -> memref<16xi32, #tpu.memory_space<hbm>>
          %dma_wait3A_34 = arith.constant 0 : i32
          %dma_wait3A_35 = tpu.memref_slice %arg3[%add3A_14, %dma_wait3A_34] : memref<1250x16xi32, #tpu.memory_space<hbm>> -> memref<1x16xi32, #tpu.memory_space<hbm>>
          %dma_wait3A_36 = tpu.memref_squeeze %dma_wait3A_35 : memref<1x16xi32, #tpu.memory_space<hbm>> -> memref<16xi32, #tpu.memory_space<hbm>>
          tpu.wait_dma2 semaphore(%run_scoped3A : memref<!tpu.dma_semaphore, #tpu.memory_space<semaphore_mem>>) src(%arg6 : memref<16xi32, #tpu.memory_space<vmem>>) dst(%dma_wait3A_36 : memref<16xi32, #tpu.memory_space<hbm>>)
          tpu.yield
        }) : () -> ()
      } else {
      }
      %scan3A_17 = arith.constant 0 : i32
      scf.yield %scan3A_17 : i32
    }
    %scan3A_9 = arith.constant 40 : i32
    return
  }
}

module attributes {stable_mosaic.version = 14 : i64} {
  func.func @_keys_body(%arg0: i32, %arg1: memref<400x128xf32, #tpu.memory_space<vmem>>, %arg2: memref<128x1500xf32, #tpu.memory_space<vmem>>, %arg3: memref<400x1500xf32, #tpu.memory_space<vmem>>, %arg4: memref<400x1536xi32, #tpu.memory_space<vmem>>) attributes {dimension_semantics = [#tpu.dimension_semantics<arbitrary>], iteration_bounds = array<i64: 50>, scalar_prefetch = 0 : i64, scratch_operands = 0 : i64, tpu.core_type = #tpu.core_type<tc>, window_params = [{transform_indices = @transform_0, window_bounds = array<i64: 400, 128>}, {pipeline_mode = #tpu.pipeline_mode<synchronous>, transform_indices = @transform_1, window_bounds = array<i64: 128, 1500>}, {transform_indices = @transform_2, window_bounds = array<i64: 400, 1500>}, {transform_indices = @transform_3, window_bounds = array<i64: 400, 1536>}]} {
    %get3A = arith.constant 0 : index
    %get3A_0 = arith.constant 0 : index
    %get3A_1 = vector.load %arg1[%get3A, %get3A_0] : memref<400x128xf32, #tpu.memory_space<vmem>>, vector<400x128xf32>
    %convert_element_type3A = arith.truncf %get3A_1 : vector<400x128xf32> to vector<400x128xbf16>
    %get3A_2 = arith.constant 0 : index
    %get3A_3 = arith.constant 0 : index
    %get3A_4 = vector.load %arg2[%get3A_2, %get3A_3] : memref<128x1500xf32, #tpu.memory_space<vmem>>, vector<128x1500xf32>
    %convert_element_type3A_5 = arith.truncf %get3A_4 : vector<128x1500xf32> to vector<128x1500xbf16>
    %dot_general3A = arith.constant dense<0.000000e+00> : vector<400x1500xf32>
    %dot_general3A_6 = tpu.matmul %convert_element_type3A, %convert_element_type3A_5, %dot_general3A {dimension_numbers = #tpu.dot_dimension_numbers<[1], [0], [0], [1], [0, 0, 1, 1], [], []>, transpose_lhs_hint = false} : vector<400x128xbf16>, vector<128x1500xbf16>, vector<400x1500xf32> -> vector<400x1500xf32>
    %div3A = arith.constant 11.3137083 : f32
    %div3A_7 = vector.broadcast %div3A : f32 to vector<400x1500xf32>
    %div3A_8 = arith.divf %dot_general3A_6, %div3A_7 : vector<400x1500xf32>
    %get3A_9 = arith.constant 0 : index
    %get3A_10 = arith.constant 0 : index
    %get3A_11 = vector.load %arg3[%get3A_9, %get3A_10] : memref<400x1500xf32, #tpu.memory_space<vmem>>, vector<400x1500xf32>
    %mul3A = arith.constant 5.000000e-01 : f32
    %mul3A_12 = vector.broadcast %mul3A : f32 to vector<400x1500xf32>
    %mul3A_13 = arith.mulf %mul3A_12, %get3A_11 : vector<400x1500xf32>
    %add3A = arith.addf %div3A_8, %mul3A_13 : vector<400x1500xf32>
    %jit3A = arith.constant -5.000000e+01 : f32
    %jit3A_14 = arith.constant 5.000000e+01 : f32
    %max3A = vector.broadcast %jit3A : f32 to vector<400x1500xf32>
    %max3A_15 = arith.maximumf %max3A, %add3A : vector<400x1500xf32>
    %min3A = vector.broadcast %jit3A_14 : f32 to vector<400x1500xf32>
    %min3A_16 = arith.minimumf %min3A, %max3A_15 : vector<400x1500xf32>
    %bitcast_convert_type3A = tpu.bitcast %min3A_16 : vector<400x1500xf32> -> vector<400x1500xi32>
    %lt3A = arith.constant 0 : i32
    %lt3A_17 = vector.broadcast %lt3A : i32 to vector<400x1500xi32>
    %lt3A_18 = arith.cmpi slt, %bitcast_convert_type3A, %lt3A_17 : vector<400x1500xi32>
    %xor3A = arith.constant 2147483647 : i32
    %xor3A_19 = vector.broadcast %xor3A : i32 to vector<400x1500xi32>
    %xor3A_20 = arith.xori %bitcast_convert_type3A, %xor3A_19 : vector<400x1500xi32>
    %select_n3A = arith.select %lt3A_18, %xor3A_20, %bitcast_convert_type3A : vector<400x1500xi1>, vector<400x1500xi32>
    %broadcast_in_dim3A = arith.constant -2147483648 : i32
    %broadcast_in_dim3A_21 = vector.broadcast %broadcast_in_dim3A : i32 to vector<400x36xi32>
    %concatenate3A = tpu.concatenate %select_n3A, %broadcast_in_dim3A_21 in 1 : vector<400x1500xi32>, vector<400x36xi32> -> vector<400x1536xi32>
    %swap3A = arith.constant 0 : index
    %swap3A_22 = arith.constant 0 : index
    %swap3A_23 = vector.load %arg4[%swap3A, %swap3A_22] : memref<400x1536xi32, #tpu.memory_space<vmem>>, vector<400x1536xi32>
    tpu.vector_store %arg4[%swap3A, %swap3A_22], %concatenate3A {strides = array<i32>} : memref<400x1536xi32, #tpu.memory_space<vmem>>, vector<400x1536xi32>,
    return
  }
  func.func @transform_0(%arg0: i32) -> (i32, i32) {
    %c0_i32 = arith.constant 0 : i32
    %c0_i32_0 = arith.constant 0 : i32
    return %arg0, %c0_i32 : i32, i32
  }
  func.func @transform_1(%arg0: i32) -> (i32, i32) {
    %c0_i32 = arith.constant 0 : i32
    %c0_i32_0 = arith.constant 0 : i32
    %c0_i32_1 = arith.constant 0 : i32
    return %c0_i32, %c0_i32_0 : i32, i32
  }
  func.func @transform_2(%arg0: i32) -> (i32, i32) {
    %c0_i32 = arith.constant 0 : i32
    %c0_i32_0 = arith.constant 0 : i32
    return %arg0, %c0_i32 : i32, i32
  }
  func.func @transform_3(%arg0: i32) -> (i32, i32) {
    %c0_i32 = arith.constant 0 : i32
    %c0_i32_0 = arith.constant 0 : i32
    return %arg0, %c0_i32 : i32, i32
  }
}

module attributes {stable_mosaic.version = 14 : i64} {
  func.func @_finish_body(%arg0: i32, %arg1: memref<1x1xf32, #tpu.memory_space<smem>>, %arg2: memref<400x1536xi32, #tpu.memory_space<vmem>>, %arg3: memref<400x1xi32, #tpu.memory_space<vmem>>, %arg4: memref<128x1500xf32, #tpu.memory_space<vmem>>, %arg5: memref<400x1500xf32, #tpu.memory_space<vmem>>, %arg6: memref<400x128xf32, #tpu.memory_space<vmem>>) attributes {dimension_semantics = [#tpu.dimension_semantics<arbitrary>], iteration_bounds = array<i64: 50>, scalar_prefetch = 0 : i64, scratch_operands = 0 : i64, tpu.core_type = #tpu.core_type<tc>, window_params = [{transform_indices = @transform_0, window_bounds = array<i64: 1, 1>}, {transform_indices = @transform_1, window_bounds = array<i64: 400, 1536>}, {transform_indices = @transform_2, window_bounds = array<i64: 400, 1>}, {pipeline_mode = #tpu.pipeline_mode<synchronous>, transform_indices = @transform_3, window_bounds = array<i64: 128, 1500>}, {transform_indices = @transform_4, window_bounds = array<i64: 400, 1500>}, {transform_indices = @transform_5, window_bounds = array<i64: 400, 128>}]} {
    %get3A = arith.constant 0 : index
    %get3A_0 = arith.constant 0 : index
    %get3A_1 = vector.load %arg2[%get3A, %get3A_0] : memref<400x1536xi32, #tpu.memory_space<vmem>>, vector<400x1536xi32>
    %slice3A = vector.extract_strided_slice %get3A_1 {offsets = [0, 0], sizes = [400, 1500], strides = [1, 1]} : vector<400x1536xi32> to vector<400x1500xi32>
    %lt3A = arith.constant 0 : i32
    %lt3A_2 = vector.broadcast %lt3A : i32 to vector<400x1500xi32>
    %lt3A_3 = arith.cmpi slt, %slice3A, %lt3A_2 : vector<400x1500xi32>
    %xor3A = arith.constant 2147483647 : i32
    %xor3A_4 = vector.broadcast %xor3A : i32 to vector<400x1500xi32>
    %xor3A_5 = arith.xori %slice3A, %xor3A_4 : vector<400x1500xi32>
    %select_n3A = arith.select %lt3A_3, %xor3A_5, %slice3A : vector<400x1500xi1>, vector<400x1500xi32>
    %bitcast_convert_type3A = tpu.bitcast %select_n3A : vector<400x1500xi32> -> vector<400x1500xf32>
    %reduce_max3A = arith.constant dense<0xFF800000> : vector<400xf32>
    %reduce_max3A_6 = vector.multi_reduction <maximumf>, %bitcast_convert_type3A, %reduce_max3A [1] : vector<400x1500xf32> to vector<400xf32>
    %broadcast_in_dim3A = vector.shape_cast %reduce_max3A_6 : vector<400xf32> to vector<400x1xf32>
    %sub3A = vector.broadcast %broadcast_in_dim3A : vector<400x1xf32> to vector<400x1500xf32>
    %sub3A_7 = arith.subf %bitcast_convert_type3A, %sub3A : vector<400x1500xf32>
    %exp3A = math.exp %sub3A_7 : vector<400x1500xf32>
    %reduce_sum3A = arith.constant dense<0.000000e+00> : vector<400xf32>
    %reduce_sum3A_8 = vector.multi_reduction <add>, %exp3A, %reduce_sum3A [1] : vector<400x1500xf32> to vector<400xf32>
    %broadcast_in_dim3A_9 = vector.shape_cast %reduce_sum3A_8 : vector<400xf32> to vector<400x1xf32>
    %get3A_10 = arith.constant 0 : index
    %get3A_11 = arith.constant 0 : index
    %get3A_12 = vector.load %arg3[%get3A_10, %get3A_11] : memref<400x1xi32, #tpu.memory_space<vmem>>, vector<400x1xi32>
    %ge3A = vector.broadcast %get3A_12 : vector<400x1xi32> to vector<400x1500xi32>
    %ge3A_13 = arith.cmpi sge, %slice3A, %ge3A : vector<400x1500xi32>
    %jit3A = arith.constant 0.000000e+00 : f32
    %broadcast_in_dim3A_14 = vector.broadcast %jit3A : f32 to vector<400x1500xf32>
    %select_n3A_15 = arith.select %ge3A_13, %exp3A, %broadcast_in_dim3A_14 : vector<400x1500xi1>, vector<400x1500xf32>
    %reduce_sum3A_16 = arith.constant dense<0.000000e+00> : vector<400xf32>
    %reduce_sum3A_17 = vector.multi_reduction <add>, %select_n3A_15, %reduce_sum3A_16 [1] : vector<400x1500xf32> to vector<400xf32>
    %broadcast_in_dim3A_18 = vector.shape_cast %reduce_sum3A_17 : vector<400xf32> to vector<400x1xf32>
    %mul3A = arith.constant 9.99999993E-9 : f32
    %mul3A_19 = vector.broadcast %mul3A : f32 to vector<400x1xf32>
    %mul3A_20 = arith.mulf %mul3A_19, %broadcast_in_dim3A_9 : vector<400x1xf32>
    %add3A = arith.addf %broadcast_in_dim3A_18, %mul3A_20 : vector<400x1xf32>
    %div3A = vector.broadcast %add3A : vector<400x1xf32> to vector<400x1500xf32>
    %div3A_21 = arith.divf %exp3A, %div3A : vector<400x1500xf32>
    %jit3A_22 = arith.constant 0.000000e+00 : f32
    %broadcast_in_dim3A_23 = vector.broadcast %jit3A_22 : f32 to vector<400x1500xf32>
    %select_n3A_24 = arith.select %ge3A_13, %div3A_21, %broadcast_in_dim3A_23 : vector<400x1500xi1>, vector<400x1500xf32>
    %swap3A = arith.constant 0 : index
    %swap3A_25 = arith.constant 0 : index
    %swap3A_26 = vector.load %arg5[%swap3A, %swap3A_25] : memref<400x1500xf32, #tpu.memory_space<vmem>>, vector<400x1500xf32>
    tpu.vector_store %arg5[%swap3A, %swap3A_25], %select_n3A_24 {strides = array<i32>} : memref<400x1500xf32, #tpu.memory_space<vmem>>, vector<400x1500xf32>,
    %convert_element_type3A = arith.truncf %select_n3A_24 : vector<400x1500xf32> to vector<400x1500xbf16>
    %get3A_27 = arith.constant 0 : index
    %get3A_28 = arith.constant 0 : index
    %get3A_29 = vector.load %arg4[%get3A_27, %get3A_28] : memref<128x1500xf32, #tpu.memory_space<vmem>>, vector<128x1500xf32>
    %convert_element_type3A_30 = arith.truncf %get3A_29 : vector<128x1500xf32> to vector<128x1500xbf16>
    %dot_general3A = arith.constant dense<0.000000e+00> : vector<400x128xf32>
    %dot_general3A_31 = tpu.matmul %convert_element_type3A, %convert_element_type3A_30, %dot_general3A {dimension_numbers = #tpu.dot_dimension_numbers<[1], [1], [0], [0], [0, 0, 1, 0], [], []>, transpose_lhs_hint = false} : vector<400x1500xbf16>, vector<128x1500xbf16>, vector<400x128xf32> -> vector<400x128xf32>
    %get3A_32 = arith.constant 0 : index
    %get3A_33 = arith.constant 0 : index
    %get3A_34 = memref.load %arg1[%get3A_32, %get3A_33] : memref<1x1xf32, #tpu.memory_space<smem>>
    %mul3A_35 = vector.broadcast %get3A_34 : f32 to vector<400x128xf32>
    %mul3A_36 = arith.mulf %mul3A_35, %dot_general3A_31 : vector<400x128xf32>
    %swap3A_37 = arith.constant 0 : index
    %swap3A_38 = arith.constant 0 : index
    %swap3A_39 = vector.load %arg6[%swap3A_37, %swap3A_38] : memref<400x128xf32, #tpu.memory_space<vmem>>, vector<400x128xf32>
    tpu.vector_store %arg6[%swap3A_37, %swap3A_38], %mul3A_36 {strides = array<i32>} : memref<400x128xf32, #tpu.memory_space<vmem>>, vector<400x128xf32>,
    return
  }
  func.func @transform_0(%arg0: i32) -> (i32, i32) {
    %c0_i32 = arith.constant 0 : i32
    %c0_i32_0 = arith.constant 0 : i32
    %c0_i32_1 = arith.constant 0 : i32
    return %c0_i32, %c0_i32_0 : i32, i32
  }
  func.func @transform_1(%arg0: i32) -> (i32, i32) {
    %c0_i32 = arith.constant 0 : i32
    %c0_i32_0 = arith.constant 0 : i32
    return %arg0, %c0_i32 : i32, i32
  }
  func.func @transform_2(%arg0: i32) -> (i32, i32) {
    %c0_i32 = arith.constant 0 : i32
    %c0_i32_0 = arith.constant 0 : i32
    return %arg0, %c0_i32 : i32, i32
  }
  func.func @transform_3(%arg0: i32) -> (i32, i32) {
    %c0_i32 = arith.constant 0 : i32
    %c0_i32_0 = arith.constant 0 : i32
    %c0_i32_1 = arith.constant 0 : i32
    return %c0_i32, %c0_i32_0 : i32, i32
  }
  func.func @transform_4(%arg0: i32) -> (i32, i32) {
    %c0_i32 = arith.constant 0 : i32
    %c0_i32_0 = arith.constant 0 : i32
    return %arg0, %c0_i32 : i32, i32
  }
  func.func @transform_5(%arg0: i32) -> (i32, i32) {
    %c0_i32 = arith.constant 0 : i32
    %c0_i32_0 = arith.constant 0 : i32
    return %arg0, %c0_i32 : i32, i32
  }
}

</mosaic_0001>

<sc_bundles>
// kernel: kernel.5.cloned.1.call-start
scs
__scs_entry_jumppad:
0x0: {  	(pc) =	sbr.rel $0x88, $3  }
0x1: {  	(tag) =	ssettag $0x0;
	lr =	simm.s32 $0x1  }
0x2: {  	[smem:$0x3F9C] =	sst lr;
	_ =	strace $0xD0000000  }
0x3: {  	_ = 	snop  }
0x4: {  	_ = 	snop  }
0x5: {  	_ = 	snop  }
0x6: {  	_ = 	snop  }
0x7: {  	_ = 	snop  }
__scs_overlays_trampoline_lowered:
0x8: {  	[smem:$0x3FAB] =	sst s0  }
0x9: {  	[smem:$0x3FAC] =	sst s1  }
0xa: {  	[smem:$0x3FAD] =	sst s2  }
0xb: {  	[smem:$0x3FAE] =	sst s3  }
0xc: {  	[smem:$0x3FAF] =	sst s4  }
0xd: {  	[smem:$0x3FB0] =	sst s5  }
0xe: {  	[smem:$0x3FB1] =	sst s6  }
0xf: {  	[smem:$0x3FB2] =	sst s7  }
0x10: {  	[smem:$0x3FB3] =	sst s8  }
0x11: {  	[smem:$0x3FB4] =	sst s9;
	s0 =	simm.s32 @!p0 $0x0  }
0x12: {  	s1 =	sld [smem:$0x3F9A];
	s0 =	simm.s32 @p0 $0x1  }
0x13: {  	[smem:$0x3FB5] =	sst s0;
	s0 =	simm.s32 @!p1 $0x0  }
0x14: {  	s2 =	sld [smem:$0x3F99];
	s0 =	simm.s32 @p1 $0x1  }
0x15: {  	[smem:$0x3FB6] =	sst s0;
	s0 =	simm.s32 @!p2 $0x0  }
0x16: {  	s3 =	sld [smem:$0x3FDB];
	s0 =	simm.s32 @p2 $0x1  }
0x17: {  	s4 =	simm.s32 $0x1BF5;
	[smem:$0x3FB8] =	sst s0  }
0x18: {  	s0 =	sld [smem:$0x3F9B];
	_ =	swait.ge [sflag:s4], $0x0  }
0x19: {  	s7 =	sld [smem:$0x3F9C]  }
0x1a: {  	s8 =	sadd.s32 $0xFFFFE003, lr  }
0x1b: {  	s9 =	sadd.s32 $0xFFFFFEF7, lr;
	s5 =	simm.s32 $0xFFFFFFFF;
	p2 =	slt.u32 s8, $0xFFFFF086  }
0x1c: {  	p1 =	slt.u32 s9, $0xF7A;
	s5 =	simm.s32 @!p2 $0x0  }
0x1d: {  	s5 =	simm.s32 @p1 $0x1;
	p0 =	seq.s32 s7, s2  }
0x1e: {  	s7 =	smul.u32 @!p0 $0xF7A, s2;
	p2 =	seq.s32 @!p0 s5, $0x0  }
0x1f: {  	s9 =	smul.u32 $0xF7A, s1;
	s8 =	simm.s32 @!p0 $0x1BF5;
	p2 =	por !p2, p0  }
0x20: {  	[sflag:s8] =	ssyncset.s32 @!p0 $0xFFFFF086;
	s6 =	sadd.s32 @!p0 s3, s7;
	s7 =	simm.s32 @!p0 $0x108  }
0x21: {  	s3 =	sadd.s32 s3, s9;
	s6 =	sadd.s32 @!p0 $0x88, s6;
	s7 =	simm.s32 @p2 $0x1082  }
0x22: {  	[simem:s7], [sflag:s8] =	dma.local @!p0 [hbm:s6], $0xF7A  }
0x23: {  	s9 =	sor.u32 $0xD0000000, s2;
	s6 =	simm.s32 $0x108;
	_ =	swait.ge @!p0 [sflag:s8], $0x0  }
0x24: {  	s3 =	sadd.s32 $0x88, s3;
	s6 =	simm.s32 @!p1 $0x1082;
	[sflag:s4] =	ssyncset.s32 $0xFFFFF086  }
0x25: {  	[simem:s6], [sflag:s4] =	dma.local [hbm:s3], $0xF7A  }
0x26: {  	[smem:$0x3F9C] =	sst s1;
	(tag) =	ssettag s2;
	_ =	strace s9  }
0x27: {  	s1 =	sld [smem:$0x3FAC]  }
0x28: {  	s2 =	sld [smem:$0x3FAD]  }
0x29: {  	s4 =	sld [smem:$0x3FAF]  }
0x2a: {  	p0 =	seq.s32 s5, $0x0;
	s5 =	sld [smem:$0x3FB0]  }
0x2b: {  	s6 =	sld [smem:$0x3FB1]  }
0x2c: {  	s7 =	sld [smem:$0x3FB2]  }
0x2d: {  	s3 =	simm.s32 $0x108;
	s8 =	sld [smem:$0x3FB3]  }
0x2e: {  	s3 =	simm.s32 @!p0 $0x1082;
	s9 =	sld [smem:$0x3FB4]  }
0x2f: {  	lr =	sadd.s32 s0, s3;
	s0 =	sld [smem:$0x3FAB]  }
0x30: {  	s3 =	sld [smem:$0x3FAE]  }
0x31: {  	[smem:$0x3FB7] =	sst s10  }
0x32: {  	s10 =	sld [smem:$0x3FB5];
	_ =	sdelay $0x3  }
0x33: {  	p0 =	seq.s32 s10, $0x1;
	s10 =	sld [smem:$0x3FB7];
	_ =	sdelay $0x3  }
0x34: {  	[smem:$0x3FB7] =	sst s10  }
0x35: {  	s10 =	sld [smem:$0x3FB6];
	_ =	sdelay $0x3  }
0x36: {  	p1 =	seq.s32 s10, $0x1;
	s10 =	sld [smem:$0x3FB7];
	_ =	sdelay $0x3  }
0x37: {  	[smem:$0x3FB7] =	sst s10  }
0x38: {  	s10 =	sld [smem:$0x3FB8]  }
0x39: {  	_ = 	snop;
	(pc) =	sbr.ind lr, $3  }
0x3a: {  	_ = 	snop  }
0x3b: {  	_ = 	snop  }
0x3c: {  	p2 =	seq.s32 s10, $0x1;
	s10 =	sld [smem:$0x3FB7]  }
0x3d: {  	_ =	shalt  }
0x3e: {  	_ =	shalt  }
0x3f: {  	_ =	shalt  }
0x40: {  	_ =	shalt  }
0x41: {  	_ =	shalt  }
0x42: {  	_ =	shalt  }
0x43: {  	_ =	shalt  }
0x44: {  	_ =	shalt  }
0x45: {  	_ =	shalt  }
0x46: {  	_ =	shalt  }
0x47: {  	_ =	shalt  }
0x48: {  	_ =	shalt  }
0x49: {  	_ =	shalt  }
0x4a: {  	_ =	shalt  }
0x4b: {  	_ =	shalt  }
0x4c: {  	_ =	shalt  }
0x4d: {  	_ =	shalt  }
0x4e: {  	_ =	shalt  }
0x4f: {  	_ =	shalt  }
0x50: {  	_ =	shalt  }
0x51: {  	_ =	shalt  }
0x52: {  	_ =	shalt  }
0x53: {  	_ =	shalt  }
0x54: {  	_ =	shalt  }
0x55: {  	_ =	shalt  }
0x56: {  	_ =	shalt  }
0x57: {  	_ =	shalt  }
0x58: {  	_ =	shalt  }
0x59: {  	_ =	shalt  }
0x5a: {  	_ =	shalt  }
0x5b: {  	_ =	shalt  }
0x5c: {  	_ =	shalt  }
0x5d: {  	_ =	shalt  }
0x5e: {  	_ =	shalt  }
0x5f: {  	_ =	shalt  }
0x60: {  	_ =	shalt  }
0x61: {  	_ =	shalt  }
0x62: {  	_ =	shalt  }
0x63: {  	_ =	shalt  }
0x64: {  	_ =	shalt  }
0x65: {  	_ =	shalt  }
0x66: {  	_ =	shalt  }
0x67: {  	_ =	shalt  }
0x68: {  	_ =	shalt  }
0x69: {  	_ =	shalt  }
0x6a: {  	_ =	shalt  }
0x6b: {  	_ =	shalt  }
0x6c: {  	_ =	shalt  }
0x6d: {  	_ =	shalt  }
0x6e: {  	_ =	shalt  }
0x6f: {  	_ =	shalt  }
0x70: {  	_ =	shalt  }
0x71: {  	_ =	shalt  }
0x72: {  	_ =	shalt  }
0x73: {  	_ =	shalt  }
0x74: {  	_ =	shalt  }
0x75: {  	_ =	shalt  }
0x76: {  	_ =	shalt  }
0x77: {  	_ =	shalt  }
0x78: {  	_ =	shalt  }
0x79: {  	_ =	shalt  }
0x7a: {  	_ =	shalt  }
0x7b: {  	_ =	shalt  }
0x7c: {  	_ =	shalt  }
0x7d: {  	_ =	shalt  }
0x7e: {  	_ =	shalt  }
0x7f: {  	_ =	shalt  }
0x80: {  	_ =	shalt  }
0x81: {  	_ =	shalt  }
0x82: {  	_ =	shalt  }
0x83: {  	_ =	shalt  }
0x84: {  	_ =	shalt  }
0x85: {  	_ =	shalt  }
0x86: {  	_ =	shalt  }
0x87: {  	_ =	shalt  }
.Lfunc_end0:
.L_simem_size_0:
called_computation_lowered:
.L_overlay_start_0:
0x88: {  	s2 =	sld [smem:$0x3FD9]  }
0x89: {  	s3 =	sld [smem:$0x3FFE];
	_ =	sdelay $0x1  }
0x8a: {  	s1 =	srdreg.scid  }
0x8b: {  	s0 =	sand.u32 $0x1, s1  }
0x8c: {  	s14 =	sshll.u32 s0, $0xA;
	s2 =	sadd.s32 s3, s2  }
0x8d: {  	s2 =	sadd.s32 s2, s14  }
0x8e: {  	[smem:$0x3FC3] =	sst s2  }
0x8f: {  	_ = 	snop  }
0x90: {  	s2 =	sld [smem:$0x3FD0];
	_ =	sdelay $0x2  }
0x91: {  	s15 =	simm.s32 $0xA;
	s4 =	simm.s32 $0x10  }
0x92: {  	[smem:s4], [sflag:s15] =	dma.local [hbm:s2], $0x1  }
0x93: {  	_ =	swait.eq [sflag:s15], $0x1  }
0x94: {  	[sflag:s15] =	ssyncset.done $0x0  }
0x95: {  	[sflag:s15] =	ssyncadd.s32 $0xFFFFFFFF  }
0x96: {  	s16 =	sld [smem:$0x10];
	(tm) =	ssettm $0x1  }
0x97: {  	s17 =	sld [smem:$0x3FFB];
	_ =	sdelay $0x3  }
0x98: {  	_ =	strace s17  }
0x99: {  	s3 =	sld [smem:$0x3FFC];
	_ =	sdelay $0x3  }
0x9a: {  	_ =	strace s3  }
0x9b: {  	s3 =	sld [smem:$0x3FFD];
	_ =	sdelay $0x3  }
0x9c: {  	_ =	strace s3  }
0x9d: {  	_ =	strace $0x8FFFFFFF  }
0x9e: {  	s18 =	sld [smem:$0x3FDB];
	_ =	sdelay $0x1  }
0x9f: {  	s19 =	simm.s32 $_scs_section_size  }
0xa0: {  	s5 =	simm.s32 $_size__tile_overlayer_lowered;
	s6 =	simm.s32 $_tile_overlayer_lowered  }
0xa1: {  	s22 =	simm.s32 $0x1BFF;
	s21 =	sshll.u32 s6, $0x1;
	s3 =	sadd.s32 s19, s18  }
0xa2: {  	s7 =	simm.s32 $0x0;
	s20 =	sshll.u32 s5, $0x1;
	s5 =	sadd.s32 s21, s3  }
0xa3: {  	[timem:s7], [sflag:s22] =	dma.local [hbm:s5], s20  }
0xa4: {  	_ =	swait.ge [sflag:s22], s20  }
0xa5: {  	s4 =	ssub.s32 $0x0, s20;
	[sflag:s22] =	ssyncset.done $0x0  }
0xa6: {  	[sflag:s22] =	ssyncadd.s32 s4;
	_ =	sdelay $0x1  }
0xa7: {  	s23 =	simm.s32 $0x1B8B  }
0xa8: {  	_ =	swait.ge [sflag:s23], $0x1  }
0xa9: {  	[sflag:s23] =	ssyncset.done $0x0  }
0xaa: {  	s25 =	simm.s32 $0x1B8E;
	s24 =	sld [smem:$0x3FFE];
	[sflag:s23] =	ssyncadd.s32 $0xFFFFFFFF  }
0xab: {  	s26 =	simm.s32 $execute0_lowered;
	[smem:$0x3FD2] =	sst s25  }
0xac: {  	s5 =	sshll.u32 s26, $0x1;
	_ =	strace $0x80000046;
	[dreg:$0x1] =	wrdreg $0xFFFFFFFF  }
0xad: {  	s28 =	simm.s32 $_size_execute0_lowered;
	s3 =	sadd.s32 s3, s5;
	[dreg:$0x0] =	wrdreg $0x0  }
0xae: {  	s5 =	sshll.u32 s28, $0x1;
	[dreg:$0x2] =	wrdreg s3  }
0xaf: {  	[dreg:$0x3] =	wrdreg s5  }
0xb0: {  	[dreg:$0x4] =	wrdreg $0xC0  }
0xb1: {  	_ =	task [dreg:s7], $0x5FFFF  }
0xb2: {  	[dreg:$0x1] =	wrdreg $0xFFFFFFFF  }
0xb3: {  	[dreg:$0x0] =	wrdreg $0x60  }
0xb4: {  	[dreg:$0x2] =	wrdreg s24  }
0xb5: {  	[dreg:$0x3] =	wrdreg s16  }
0xb6: {  	[dreg:$0x4] =	wrdreg $0x9  }
0xb7: {  	_ =	task.clear_ibuf [dreg:s7], $0x5FFFF;
	_ =	strace $0x90000046  }
0xb8: {  	s29 =	simm.s32 $0x9;
	_ =	strace $0x80000048  }
0xb9: {  	_ =	swait.ge [sflag:s29], $0x1  }
0xba: {  	[sflag:s29] =	ssyncadd.s32 $0xFFFFFFFF  }
0xbb: {  	_ =	strace $0x90000048  }
0xbc: {  	_ =	sfence  }
0xbd: {  	s30 =	sld [smem:$0x0];
	_ =	sdelay $0x2  }
0xbe: {  	s31 =	sshll.u32 s1, $0xD;
	s1 =	sshrl.u32 s1, $0x2  }
0xbf: {  	s3 =	sand.u32 $0x4000, s31;
	s1 =	sadd.s32 s1, s30  }
0xc0: {  	s0 =	sor.u32 s3, s0;
	s1 =	sshll.u32 s1, $0x11  }
0xc1: {  	s0 =	sor.u32 s1, s0  }
0xc2: {  	s0 =	sadd.s32 $0x8F2B, s0  }
0xc3: {  	[sflag:s0] =	ssyncadd.remote.s32 $0x1  }
0xc4: {  	_ =	sfence.sel $0xFFFF  }
0xc5: {  	[dreg:$0x0] =	wrdreg $0xFFFFFFFF;
	(pc) =	sbr.abs _section_cstart, $3  }
0xc6: {  	[dreg:$0x1] =	wrdreg $0xFFFFFFFF  }
0xc7: {  	_ =	task.clear_ibuf [dreg:s7], $0x2FFFF;
	_ =	strace $0x9FFFFFFF  }
0xc8: {  	(tm) =	ssettm $0x7FFFFFFF  }
0xc9: {  	_ =	shalt  }
tec
execute0_lowered:
.L_overlay_start_1:
0x0: {  	(tag) =	ssettag $0x1  }
0x1: {  	s0 =	rddreg [dreg:$0x0]  }
0x2: {  	s1 =	srdreg.scid;
	s2 =	simm.s32 $0x0;
	s3 =	stileid.u32  }
0x3: {  	s8 =	simm.s32 $0x2;
	s9 =	simm.s32 $0x6000;
	s1 =	sand.u32 $0x1, s1  }
.Ltmp0:
0x4: {  	s5 =	smov.u32 s1;
	s1 =	ssub.s32 $0x2, s1;
	(pc) =	sbr.rel .LBB2_1-.Ltmp0, $4  }
0x5: {  	v3 =	vlaneseq.u32;
	s10 =	simm.s32 $0x6100;
	s11 =	simm.s32 $0x1;
	s30 =	sshrl.u32 s1, $0x1  }
0x6: {  	[smem:$0x7FF] =	sst s2;
	s0 =	sadd.s32 $0xA00, s0;
	v2 =	vmul.u32 $0xFFFFFFFF, v3;
	s31 =	ssub.s32 s1, s30  }
0x7: {  	v0 =	vimm.s32 $0x0;
	v1 =	vimm.s32 $0x1;
	_ =	strace $0x80000047;
	[dreg:$0x3] =	wrdreg s0;
	s0 =	smax.u32 s31, $0x1  }
0x8: {  	vm0 =	vmmov $0x1;
	s6 =	sshll.u32 s3, $0x1;
	v3 =	vadd.s32 $0x1, v3;
	v2 =	vadd.s32 $0xF, v2;
	s1 =	simm.s32 $0x0;
	[dreg:$0x4] =	wrdreg s0  }
.LBB2_15:
0x9: {  	s1 =	rddreg [dreg:$0x5]  }
0xa: {  	s0 =	rddreg [dreg:$0x4];
	s1 =	sadd.s32 $0x1, s1  }
0xb: {  	p0 =	sne.s32 s1, s0  }
.Ltmp1:
0xc: {  	_ = 	snop;
	(pc) =	sbr.rel @!p0 .LBB2_16-.Ltmp1, $1  }
0xd: {  	_ =	sdelay $0x3  }
.LBB2_1:
.Ltmp2:
0xe: {  	(pc) =	sbr.rel .LBB2_2-.Ltmp2, $2  }
0xf: {  	_ =	sdelay $0x2  }
0x10: {  	[dreg:$0x5] =	wrdreg s1;
	s13 =	simm.s32 $0x0  }
.LBB2_14:
0x11: {  	s13 =	sadd.s32 $0x1, s13  }
0x12: {  	p0 =	sne.s32 s13, $0x28  }
.Ltmp3:
0x13: {  	_ = 	snop;
	(pc) =	sbr.rel @!p0 .LBB2_15-.Ltmp3, $1  }
0x14: {  	_ =	sdelay $0x3  }
.LBB2_2:
0x15: {  	s0 =	sshll.u32 s13, $0x5  }
0x16: {  	s0 =	sor.u32 s6, s0  }
0x17: {  	p0 =	sgt.u32 s0, $0x4E1  }
.Ltmp4:
0x18: {  	_ = 	snop;
	(pc) =	sbr.rel @p0 .LBB2_14-.Ltmp4, $1  }
0x19: {  	_ =	sdelay $0x3  }
0x1a: {  	s14 =	sor.u32 s5, s0  }
0x1b: {  	s0 =	smul.u32 $0xC00, s14  }
0x1c: {  	s1 =	rddreg [dreg:$0x3]  }
0x1d: {  	s15 =	simm.s32 $0x0;
	s0 =	sadd.s32 s1, s0  }
0x1e: {  	[tilespmem:s15], [sflag:$0x2] =	stream.linear.gather [hbm4b:s0+s15], $0x6000, $0x38;
	[tilespmem:$0x6110] =	vst v63  }
0x1f: {  	_ =	swait.ge [sflag:s8], $0x6000  }
0x20: {  	[sflag:s8] =	ssyncset.done $0x0  }
0x21: {  	s16 =	simm.s32 $0x40;
	[sflag:s8] =	ssyncadd.s32 $0xFFFFA000  }
.LBB2_4:
0x22: {  	[tilespmem:$0x6000] =	vst v0  }
0x23: {  	[tilespmem:$0x6010] =	vst v0  }
0x24: {  	[tilespmem:$0x6020] =	vst v0  }
0x25: {  	[tilespmem:$0x6030] =	vst v0  }
0x26: {  	[tilespmem:$0x6040] =	vst v0  }
0x27: {  	[tilespmem:$0x6050] =	vst v0  }
0x28: {  	[tilespmem:$0x6060] =	vst v0  }
0x29: {  	[tilespmem:$0x6070] =	vst v0  }
0x2a: {  	[tilespmem:$0x6080] =	vst v0  }
0x2b: {  	[tilespmem:$0x6090] =	vst v0  }
0x2c: {  	[tilespmem:$0x60A0] =	vst v0  }
0x2d: {  	[tilespmem:$0x60B0] =	vst v0  }
0x2e: {  	[tilespmem:$0x60C0] =	vst v0;
	v4 =	vmov s16  }
0x2f: {  	[tilespmem:$0x60D0] =	vst v0  }
0x30: {  	[tilespmem:$0x60E0] =	vst v0  }
0x31: {  	[tilespmem:$0x60F0] =	vst v0;
	s0 =	simm.s32 $0x0  }
.LBB2_5:
0x32: {  	s1 =	sshra.s32 s0, $0x2  }
0x33: {  	v5 =	vld.idx.msk [tilespmem:v4+s1+$0xFFFFFFC0 ss:$0x1], $0xffff;
	_ =	sdelay $0x4  }
0x34: {  	v5 =	vshra.s32 v5, $0x18  }
0x35: {  	v5 =	vadd.s32 $0x80, v5;
	_ =	sdelay $0x4  }
0x36: {  	[tilespmem:v5+s9+$0x0] =	vst.idx.add.s32.msk $0xffff, v1  }
0x37: {  	v5 =	vld.idx.msk [tilespmem:v4+s1+$0xFFFFFFD0 ss:$0x1], $0xffff;
	_ =	sdelay $0x4  }
0x38: {  	v5 =	vshra.s32 v5, $0x18  }
0x39: {  	v5 =	vadd.s32 $0x80, v5;
	_ =	sdelay $0x4  }
0x3a: {  	[tilespmem:v5+s9+$0x0] =	vst.idx.add.s32.msk $0xffff, v1  }
0x3b: {  	v5 =	vld.idx.msk [tilespmem:v4+s1+$0xFFFFFFE0 ss:$0x1], $0xffff;
	_ =	sdelay $0x4  }
0x3c: {  	v5 =	vshra.s32 v5, $0x18  }
0x3d: {  	v5 =	vadd.s32 $0x80, v5;
	_ =	sdelay $0x4  }
0x3e: {  	[tilespmem:v5+s9+$0x0] =	vst.idx.add.s32.msk $0xffff, v1  }
0x3f: {  	v5 =	vld.idx.msk [tilespmem:v4+s1+$0xFFFFFFF0 ss:$0x1], $0xffff;
	_ =	sdelay $0x4  }
0x40: {  	v5 =	vshra.s32 v5, $0x18  }
0x41: {  	v5 =	vadd.s32 $0x80, v5;
	_ =	sdelay $0x4  }
0x42: {  	[tilespmem:v5+s9+$0x0] =	vst.idx.add.s32.msk $0xffff, v1  }
0x43: {  	v5 =	vld.idx.msk [tilespmem:v4+s1+$0x0 ss:$0x1], $0xffff;
	_ =	sdelay $0x4  }
0x44: {  	v5 =	vshra.s32 v5, $0x18  }
0x45: {  	v5 =	vadd.s32 $0x80, v5;
	_ =	sdelay $0x4  }
0x46: {  	[tilespmem:v5+s9+$0x0] =	vst.idx.add.s32.msk $0xffff, v1  }
0x47: {  	v5 =	vld.idx.msk [tilespmem:v4+s1+$0x10 ss:$0x1], $0xffff;
	_ =	sdelay $0x4  }
0x48: {  	v5 =	vshra.s32 v5, $0x18  }
0x49: {  	v5 =	vadd.s32 $0x80, v5;
	_ =	sdelay $0x4  }
0x4a: {  	[tilespmem:v5+s9+$0x0] =	vst.idx.add.s32.msk $0xffff, v1  }
0x4b: {  	v5 =	vld.idx.msk [tilespmem:v4+s1+$0x20 ss:$0x1], $0xffff;
	_ =	sdelay $0x4  }
0x4c: {  	v5 =	vshra.s32 v5, $0x18  }
0x4d: {  	v5 =	vadd.s32 $0x80, v5;
	_ =	sdelay $0x4  }
0x4e: {  	[tilespmem:v5+s9+$0x0] =	vst.idx.add.s32.msk $0xffff, v1  }
0x4f: {  	v5 =	vld.idx.msk [tilespmem:v4+s1+$0x30 ss:$0x1], $0xffff;
	_ =	sdelay $0x4  }
0x50: {  	v5 =	vshra.s32 v5, $0x18  }
0x51: {  	p0 =	sne.s32 s0, $0x1600;
	v5 =	vadd.s32 $0x80, v5  }
.Ltmp5:
0x52: {  	_ = 	snop;
	(pc) =	sbr.rel @p0 .LBB2_5-.Ltmp5, $2  }
0x53: {  	_ =	sdelay $0x2  }
0x54: {  	s0 =	sadd.s32 $0x200, s0;
	[tilespmem:v5+s9+$0x0] =	vst.idx.add.s32.msk $0xffff, v1  }
0x55: {  	v5 =	vld [tilespmem:$0x6000]  }
0x56: {  	v6 =	vld [tilespmem:$0x6010]  }
0x57: {  	v7 =	vld [tilespmem:$0x6020]  }
0x58: {  	v8 =	vld [tilespmem:$0x6030]  }
0x59: {  	v9 =	vld [tilespmem:$0x6040]  }
0x5a: {  	(xrf0) =	vadd.scan.msk.s32 $0xffff, v5;
	v5 =	vld [tilespmem:$0x6050]  }
0x5b: {  	(xrf0) =	vadd.scan.msk.s32 $0xffff, v6;
	v6 =	vld [tilespmem:$0x6060]  }
0x5c: {  	(xrf0) =	vadd.scan.msk.s32 $0xffff, v7;
	v7 =	vld [tilespmem:$0x6070]  }
0x5d: {  	(xrf0) =	vadd.scan.msk.s32 $0xffff, v8;
	v8 =	vld [tilespmem:$0x6080]  }
0x5e: {  	v57 =	vld [tilespmem:$0x6090];
	(xrf0) =	vadd.scan.msk.s32 $0xffff, v9  }
0x5f: {  	(xrf0) =	vadd.scan.msk.s32 $0xffff, v5;
	v5 =	vld [tilespmem:$0x60A0]  }
0x60: {  	v10, _, _ =	vpop (xrf0);
	(xrf0) =	vadd.scan.msk.s32 $0xffff, v6;
	v6 =	vld [tilespmem:$0x60B0]  }
0x61: {  	(v2sf) =	vpush v10, $0xF;
	v58, _, _ =	vpop (xrf0);
	(xrf0) =	vadd.scan.msk.s32 $0xffff, v7;
	v7 =	vld [tilespmem:$0x60C0]  }
0x62: {  	(v2sf) =	vpush v58, $0xF;
	v59, _, _ =	vpop (xrf0);
	(xrf0) =	vadd.scan.msk.s32 $0xffff, v8;
	v8 =	vld [tilespmem:$0x60D0]  }
0x63: {  	v61 =	vld [tilespmem:$0x60E0];
	(v2sf) =	vpush v59, $0xF;
	v60, _, _ =	vpop (xrf0);
	(xrf0) =	vadd.scan.msk.s32 $0xffff, v57  }
0x64: {  	(v2sf) =	vpush v60, $0xF;
	v62, _, _ =	vpop (xrf0);
	(xrf0) =	vadd.scan.msk.s32 $0xffff, v5;
	v5 =	vld [tilespmem:$0x60F0]  }
0x65: {  	(v2sf) =	vpush v62, $0xF;
	v63, _, _ =	vpop (xrf0);
	(xrf0) =	vadd.scan.msk.s32 $0xffff, v6  }
0x66: {  	(v2sf) =	vpush v63, $0xF;
	v6, _, _ =	vpop (xrf0);
	(xrf0) =	vadd.scan.msk.s32 $0xffff, v7  }
0x67: {  	(v2sf) =	vpush v6, $0xF;
	v6, _, _ =	vpop (xrf0);
	(xrf0) =	vadd.scan.msk.s32 $0xffff, v8  }
0x68: {  	(v2sf) =	vpush v6, $0xF;
	v6, _, _ =	vpop (xrf0);
	(xrf0) =	vadd.scan.msk.s32 $0xffff, v61  }
0x69: {  	(v2sf) =	vpush v6, $0xF;
	v6, _, _ =	vpop (xrf0);
	(xrf0) =	vadd.scan.msk.s32 $0xffff, v5  }
0x6a: {  	v5, _, _ =	vpop (xrf0);
	(v2sf) =	vpush v6, $0xF  }
0x6b: {  	v6, _, _ =	vpop (xrf0);
	(v2sf) =	vpush v5, $0xF  }
0x6c: {  	v5, _, _ =	vpop (xrf0);
	(v2sf) =	vpush v6, $0xF  }
0x6d: {  	v6, _, _ =	vpop (xrf0);
	(v2sf) =	vpush v5, $0xF  }
0x6e: {  	v5, _, _ =	vpop (xrf0);
	(v2sf) =	vpush v6, $0xF  }
0x6f: {  	(v2sf) =	vpush v5, $0xF;
	v5, _, _ =	vpop (xrf0)  }
0x70: {  	s20 =	spop (v2sf);
	(v2sf) =	vpush v5, $0xF  }
0x71: {  	s17 =	spop (v2sf)  }
0x72: {  	s24 =	spop (v2sf)  }
0x73: {  	s28 =	spop (v2sf)  }
0x74: {  	s3 =	spop (v2sf)  }
0x75: {  	s1 =	spop (v2sf)  }
0x76: {  	s2 =	spop (v2sf)  }
0x77: {  	s7 =	spop (v2sf)  }
0x78: {  	s0 =	spop (v2sf)  }
0x79: {  	s12 =	spop (v2sf)  }
0x7a: {  	s26 =	spop (v2sf)  }
0x7b: {  	s25 =	spop (v2sf)  }
0x7c: {  	s23 =	spop (v2sf)  }
0x7d: {  	s22 =	spop (v2sf)  }
0x7e: {  	s21 =	spop (v2sf)  }
0x7f: {  	s19 =	spop (v2sf)  }
0x80: {  	s18 =	simm.s32 $0xF0;
	s21 =	sadd.s32 s21, s19  }
0x81: {  	p1 =	sgt.s32 s19, $0x3F;
	p0 =	slt.s32 s19, $0x40;
	p2 =	sgt.s32 s21, $0x3F  }
0x82: {  	s18 =	simm.s32 @!p1 $0x0;
	s22 =	sadd.s32 s22, s21;
	p0 =	por !p0, !p2  }
0x83: {  	p2 =	por p1, p2;
	p3 =	sgt.s32 s22, $0x3F;
	s23 =	sadd.s32 s23, s22  }
0x84: {  	s4 =	simm.s32 @!p0 $0x0;
	p1 =	por !p2, !p2;
	p2 =	por p2, p3  }
0x85: {  	s25 =	sadd.s32 s25, s23;
	s4 =	simm.s32 @p0 $0x1;
	p0 =	por !p3, !p1  }
0x86: {  	p1 =	sgt.s32 s23, $0x3F;
	p4 =	por !p2, !p2;
	p6 =	sgt.s32 s25, $0x3F  }
0x87: {  	s26 =	sadd.s32 s26, s25;
	[smem:$0x7EE] =	sst s4;
	s4 =	simm.s32 @!p0 $0x0  }
0x88: {  	p5 =	por p2, p1;
	s29 =	sadd.s32 s12, s26;
	s4 =	simm.s32 @p0 $0x1  }
0x89: {  	p0 =	por !p1, !p4;
	p2 =	por !p5, !p5;
	p5 =	por p5, p6  }
0x8a: {  	p1 =	sgt.s32 s29, $0x3F;
	s0 =	sadd.s32 s0, s29;
	s31 =	sld [smem:$0x7EE]  }
0x8b: {  	[smem:$0x7EF] =	sst s4;
	s4 =	simm.s32 @!p0 $0x0;
	p4 =	por !p5, !p5  }
0x8c: {  	s7 =	sadd.s32 s7, s0;
	s4 =	simm.s32 @p0 $0x1;
	p0 =	por !p6, !p2  }
0x8d: {  	p6 =	sgt.s32 s26, $0x3F;
	[smem:$0x7F0] =	sst s4;
	s4 =	simm.s32 @!p0 $0x0  }
0x8e: {  	s12 =	sld [smem:$0x7EF];
	p5 =	por p5, p6;
	s4 =	simm.s32 @p0 $0x1  }
0x8f: {  	p0 =	por !p6, !p4;
	p2 =	por !p5, !p5;
	s30 =	sld [smem:$0x7F0]  }
0x90: {  	p4 =	sgt.s32 s0, $0x3F;
	[smem:$0x7F1] =	sst s4;
	s4 =	simm.s32 @!p0 $0x0  }
0x91: {  	p6 =	seq.s32 s12, $0x1;
	s4 =	simm.s32 @p0 $0x1;
	p0 =	por p5, p1  }
0x92: {  	s12 =	sadd.s32 s2, s7;
	p5 =	por !p1, !p2;
	p3 =	por !p0, !p0  }
0x93: {  	p1 =	sgt.s32 s7, $0x3F;
	s1 =	sadd.s32 s1, s12;
	p2 =	por !p4, !p3  }
0x94: {  	[smem:$0x7F2] =	sst s4;
	p5 =	por !p5, !p5;
	s4 =	simm.s32 @!p2 $0x0  }
0x95: {  	p3 =	seq.s32 s31, $0x1;
	s31 =	sld [smem:$0x7F1];
	s4 =	simm.s32 @p2 $0x1  }
0x96: {  	p2 =	por p0, p4;
	p0 =	por !p3, !p3;
	p3 =	seq.s32 s30, $0x1  }
0x97: {  	[smem:$0x7F3] =	sst s4;
	s4 =	simm.s32 @!p0 $0x0;
	p4 =	por !p2, !p2  }
0x98: {  	s18 =	simm.s32 @p0 $0xE0;
	s4 =	simm.s32 @p0 $0x1;
	p0 =	por !p6, !p6  }
0x99: {  	p4 =	por !p1, !p4;
	p1 =	por p2, p1;
	p2 =	por !p3, !p3  }
0x9a: {  	p6 =	seq.s32 s31, $0x1;
	[smem:$0x7F4] =	sst s4;
	s4 =	simm.s32 @!p0 $0x0  }
0x9b: {  	s30 =	sld [smem:$0x7F3];
	s18 =	simm.s32 @p0 $0xD0;
	s4 =	simm.s32 @p0 $0x1  }
0x9c: {  	s2 =	simm.s32 @!p2 $0x0;
	p3 =	por !p1, !p1;
	[smem:$0x7F5] =	sst s4  }
0x9d: {  	s2 =	simm.s32 @p2 $0x1;
	p0 =	sgt.s32 s12, $0x3F;
	s4 =	sld [smem:$0x7F2]  }
0x9e: {  	s18 =	simm.s32 @p2 $0xC0;
	p2 =	por !p6, !p6;
	s31 =	sld [smem:$0x7F4]  }
0x9f: {  	[smem:$0x7F6] =	sst s2;
	s2 =	simm.s32 @!p2 $0x0;
	p3 =	por !p0, !p3  }
0xa0: {  	p1 =	por p1, p0;
	s18 =	simm.s32 @p2 $0xB0;
	p6 =	seq.s32 s4, $0x1  }
0xa1: {  	s2 =	simm.s32 @p2 $0x1;
	p2 =	sgt.s32 s1, $0x3F;
	p0 =	por !p6, !p6  }
0xa2: {  	[smem:$0x7F7] =	sst s2;
	p6 =	por !p1, !p1;
	s2 =	simm.s32 @!p0 $0x0  }
0xa3: {  	s18 =	simm.s32 @p0 $0xA0;
	p6 =	por !p2, !p6;
	s2 =	simm.s32 @p0 $0x1  }
0xa4: {  	p0 =	por p1, p2;
	s18 =	simm.s32 @p5 $0x90;
	p2 =	seq.s32 s30, $0x1  }
0xa5: {  	[smem:$0x7F8] =	sst s2;
	s2 =	simm.s32 @!p5 $0x0;
	p1 =	por !p2, !p2  }
0xa6: {  	p2 =	por !p0, !p0;
	s2 =	simm.s32 @p5 $0x1;
	s18 =	simm.s32 @p1 $0x80  }
0xa7: {  	[smem:$0x7F9] =	sst s2;
	s2 =	sadd.s32 s3, s1;
	s3 =	simm.s32 @!p1 $0x0  }
0xa8: {  	s3 =	simm.s32 @p1 $0x1;
	p5 =	sgt.s32 s2, $0x3F;
	p1 =	por !p4, !p4  }
0xa9: {  	[smem:$0x7FA] =	sst s3;
	s3 =	simm.s32 @!p1 $0x0;
	p2 =	por !p5, !p2  }
0xaa: {  	p0 =	por p0, p5;
	s18 =	simm.s32 @p1 $0x70;
	s3 =	simm.s32 @p1 $0x1  }
0xab: {  	p1 =	por !p3, !p3;
	p4 =	por !p0, !p0;
	[smem:$0x7FB] =	sst s3  }
0xac: {  	s3 =	sadd.s32 s28, s2;
	s4 =	simm.s32 @!p1 $0x0;
	s18 =	simm.s32 @p1 $0x60  }
0xad: {  	s4 =	simm.s32 @p1 $0x1;
	p5 =	sgt.s32 s3, $0x3F;
	p1 =	por !p6, !p6  }
0xae: {  	s24 =	sadd.s32 s24, s3;
	[smem:$0x7FC] =	sst s4;
	s4 =	simm.s32 @!p1 $0x0  }
0xaf: {  	p3 =	por !p5, !p4;
	p0 =	por p0, p5;
	s18 =	simm.s32 @p1 $0x50  }
0xb0: {  	p5 =	por !p2, !p2;
	p6 =	sgt.s32 s24, $0x3F;
	s17 =	sadd.s32 s17, s24  }
0xb1: {  	s4 =	simm.s32 @p1 $0x1;
	p1 =	por !p0, !p0;
	p4 =	por !p3, !p3  }
0xb2: {  	s20 =	sadd.s32 s20, s17;
	p2 =	por !p6, !p1;
	p1 =	por p0, p6  }
0xb3: {  	p0 =	sgt.s32 s17, $0x3F;
	p6 =	por !p1, !p1;
	p3 =	por !p2, !p2  }
0xb4: {  	p2 =	por !p0, !p6;
	p6 =	slt.s32 s20, $0x40;
	s20 =	sld [smem:$0x7F5]  }
0xb5: {  	_ = 	snop  }
0xb6: {  	p6 =	por p0, p6;
	p0 =	por !p2, !p2;
	p2 =	seq.s32 s31, $0x1  }
0xb7: {  	s19 =	simm.s32 @!p2 $0x0;
	p2 =	seq.s32 s20, $0x1  }
0xb8: {  	s19 =	smov.u32 @p2 s21;
	s21 =	sld [smem:$0x7F6];
	_ =	sdelay $0x2  }
0xb9: {  	p2 =	seq.s32 s21, $0x1  }
0xba: {  	s19 =	smov.u32 @p2 s22;
	s22 =	sld [smem:$0x7F7];
	_ =	sdelay $0x2  }
0xbb: {  	p2 =	seq.s32 s22, $0x1  }
0xbc: {  	s19 =	smov.u32 @p2 s23;
	s23 =	sld [smem:$0x7F8];
	_ =	sdelay $0x2  }
0xbd: {  	p2 =	seq.s32 s23, $0x1  }
0xbe: {  	s18 =	simm.s32 @p5 $0x40;
	s19 =	smov.u32 @p2 s25;
	s25 =	sld [smem:$0x7F9]  }
0xbf: {  	s18 =	simm.s32 @p4 $0x30  }
0xc0: {  	s18 =	simm.s32 @p3 $0x20  }
0xc1: {  	p1 =	por p1, p6;
	s18 =	simm.s32 @p0 $0x10;
	p2 =	seq.s32 s25, $0x1  }
0xc2: {  	s18 =	simm.s32 @!p1 $0x0;
	s19 =	smov.u32 @p2 s26;
	s26 =	sld [smem:$0x7FA]  }
0xc3: {  	v5 =	vld [tilespmem:s18+$0x6000]  }
0xc4: {  	s28 =	sld [smem:$0x7FB]  }
0xc5: {  	[smem:$0x7FD] =	sst s4;
	p2 =	seq.s32 s26, $0x1  }
0xc6: {  	s19 =	smov.u32 @p2 s29;
	s29 =	sld [smem:$0x7FC]  }
0xc7: {  	s30 =	sld [smem:$0x7FD]  }
0xc8: {  	v5 =	vperm.xlane v5, v2;
	p2 =	seq.s32 s28, $0x1  }
0xc9: {  	s19 =	smov.u32 @p2 s0;
	p2 =	seq.s32 s29, $0x1  }
0xca: {  	(xrf0) =	vadd.scan.msk.s32 $0xffff, v5;
	s19 =	smov.u32 @p2 s7;
	p2 =	seq.s32 s30, $0x1  }
0xcb: {  	s19 =	smov.u32 @p2 s12  }
0xcc: {  	s19 =	smov.u32 @p5 s1  }
0xcd: {  	s19 =	smov.u32 @p4 s2  }
0xce: {  	s19 =	smov.u32 @p3 s3  }
0xcf: {  	s19 =	smov.u32 @p0 s24  }
0xd0: {  	v5, _, _ =	vpop (xrf0);
	s17 =	smov.u32 @p1 s19  }
0xd1: {  	v6 =	vadd.s32 s17, v5  }
0xd2: {  	vm1 =	vgt.s32 v6, $0x3F  }
0xd3: {  	v6 =	vmctz.xlane vm1;
	_ =	sdelay $0x1  }
0xd4: {  	v7 =	vnsel vm0, $0x0, v6  }
0xd5: {  	(xrf0) =	vadd.scan.msk.s32 $0xffff, v7;
	_ =	sdelay $0x5  }
0xd6: {  	v7, _, _ =	vpop (xrf0)  }
0xd7: {  	(v2sf) =	vpush v7, $0xF;
	_ =	sdelay $0x2  }
0xd8: {  	[tilespmem:$0x6000] =	vst v0  }
0xd9: {  	[tilespmem:$0x6010] =	vst v0  }
0xda: {  	[tilespmem:$0x6020] =	vst v0  }
0xdb: {  	[tilespmem:$0x6030] =	vst v0  }
0xdc: {  	[tilespmem:$0x6040] =	vst v0  }
0xdd: {  	[tilespmem:$0x6050] =	vst v0  }
0xde: {  	[tilespmem:$0x6060] =	vst v0  }
0xdf: {  	[tilespmem:$0x6070] =	vst v0  }
0xe0: {  	[tilespmem:$0x6080] =	vst v0  }
0xe1: {  	[tilespmem:$0x6090] =	vst v0  }
0xe2: {  	[tilespmem:$0x60A0] =	vst v0  }
0xe3: {  	[tilespmem:$0x60B0] =	vst v0  }
0xe4: {  	[tilespmem:$0x60C0] =	vst v0;
	s31 =	spop (v2sf)  }
0xe5: {  	[tilespmem:$0x60D0] =	vst v0;
	s0 =	ssub.s32 s18, s31  }
0xe6: {  	[tilespmem:$0x60E0] =	vst v0;
	s18 =	sadd.s32 $0xFFFFFF8F, s0  }
0xe7: {  	[tilespmem:$0x60F0] =	vst v0;
	s0 =	simm.s32 $0x0;
	v7 =	vmov s18  }
.LBB2_7:
0xe8: {  	s1 =	sshra.s32 s0, $0x2  }
0xe9: {  	v8 =	vld.idx.msk [tilespmem:v4+s1+$0xFFFFFFC0 ss:$0x1], $0xffff;
	_ =	sdelay $0x4  }
0xea: {  	v9 =	vshra.s32 v8, $0x18  }
0xeb: {  	v8 =	vshrl.u32 v8, $0x10;
	vm1 =	veq.s32 v9, v7  }
0xec: {  	v8 =	vand.u32 $0xFF, v8;
	_ =	sdelay $0x4  }
0xed: {  	[tilespmem:v8+s9+$0x0] =	vst.idx.add.s32.msk vm1, v1  }
0xee: {  	v8 =	vld.idx.msk [tilespmem:v4+s1+$0xFFFFFFD0 ss:$0x1], $0xffff;
	_ =	sdelay $0x4  }
0xef: {  	v57 =	vshra.s32 v8, $0x18  }
0xf0: {  	v8 =	vshrl.u32 v8, $0x10;
	vm1 =	veq.s32 v57, v7  }
0xf1: {  	v8 =	vand.u32 $0xFF, v8;
	_ =	sdelay $0x4  }
0xf2: {  	[tilespmem:v8+s9+$0x0] =	vst.idx.add.s32.msk vm1, v1  }
0xf3: {  	v8 =	vld.idx.msk [tilespmem:v4+s1+$0xFFFFFFE0 ss:$0x1], $0xffff;
	_ =	sdelay $0x4  }
0xf4: {  	v58 =	vshra.s32 v8, $0x18  }
0xf5: {  	v8 =	vshrl.u32 v8, $0x10;
	vm1 =	veq.s32 v58, v7  }
0xf6: {  	v8 =	vand.u32 $0xFF, v8;
	_ =	sdelay $0x4  }
0xf7: {  	[tilespmem:v8+s9+$0x0] =	vst.idx.add.s32.msk vm1, v1  }
0xf8: {  	v8 =	vld.idx.msk [tilespmem:v4+s1+$0xFFFFFFF0 ss:$0x1], $0xffff;
	_ =	sdelay $0x4  }
0xf9: {  	v59 =	vshra.s32 v8, $0x18  }
0xfa: {  	v8 =	vshrl.u32 v8, $0x10;
	vm1 =	veq.s32 v59, v7  }
0xfb: {  	v8 =	vand.u32 $0xFF, v8;
	_ =	sdelay $0x4  }
0xfc: {  	[tilespmem:v8+s9+$0x0] =	vst.idx.add.s32.msk vm1, v1  }
0xfd: {  	v8 =	vld.idx.msk [tilespmem:v4+s1+$0x0 ss:$0x1], $0xffff;
	_ =	sdelay $0x4  }
0xfe: {  	v60 =	vshra.s32 v8, $0x18  }
0xff: {  	v8 =	vshrl.u32 v8, $0x10;
	vm1 =	veq.s32 v60, v7  }
0x100: {  	v8 =	vand.u32 $0xFF, v8;
	_ =	sdelay $0x4  }
0x101: {  	[tilespmem:v8+s9+$0x0] =	vst.idx.add.s32.msk vm1, v1  }
0x102: {  	v8 =	vld.idx.msk [tilespmem:v4+s1+$0x10 ss:$0x1], $0xffff;
	_ =	sdelay $0x4  }
0x103: {  	v61 =	vshra.s32 v8, $0x18  }
0x104: {  	v8 =	vshrl.u32 v8, $0x10;
	vm1 =	veq.s32 v61, v7  }
0x105: {  	v8 =	vand.u32 $0xFF, v8;
	_ =	sdelay $0x4  }
0x106: {  	[tilespmem:v8+s9+$0x0] =	vst.idx.add.s32.msk vm1, v1  }
0x107: {  	v8 =	vld.idx.msk [tilespmem:v4+s1+$0x20 ss:$0x1], $0xffff;
	_ =	sdelay $0x4  }
0x108: {  	v62 =	vshra.s32 v8, $0x18  }
0x109: {  	v8 =	vshrl.u32 v8, $0x10;
	vm1 =	veq.s32 v62, v7  }
0x10a: {  	v8 =	vand.u32 $0xFF, v8;
	_ =	sdelay $0x4  }
0x10b: {  	[tilespmem:v8+s9+$0x0] =	vst.idx.add.s32.msk vm1, v1  }
0x10c: {  	v8 =	vld.idx.msk [tilespmem:v4+s1+$0x30 ss:$0x1], $0xffff;
	_ =	sdelay $0x4  }
0x10d: {  	v63 =	vshra.s32 v8, $0x18  }
0x10e: {  	v8 =	vshrl.u32 v8, $0x10;
	vm1 =	veq.s32 v63, v7  }
0x10f: {  	p0 =	sne.s32 s0, $0x1600;
	v8 =	vand.u32 $0xFF, v8  }
.Ltmp6:
0x110: {  	_ = 	snop;
	(pc) =	sbr.rel @p0 .LBB2_7-.Ltmp6, $2  }
0x111: {  	_ =	sdelay $0x2  }
0x112: {  	s0 =	sadd.s32 $0x200, s0;
	[tilespmem:v8+s9+$0x0] =	vst.idx.add.s32.msk vm1, v1  }
0x113: {  	v7 =	vld [tilespmem:$0x6000]  }
0x114: {  	v8 =	vld [tilespmem:$0x6010]  }
0x115: {  	vm1 =	veq.s32 v6, v3;
	v6 =	vld [tilespmem:$0x6020]  }
0x116: {  	v9 =	vld [tilespmem:$0x6030];
	v5 =	vnsel vm1, $0x0, v5  }
0x117: {  	(xrf0) =	vadd.scan.msk.s32 $0xffff, v5;
	v5 =	vld [tilespmem:$0x6040]  }
0x118: {  	(xrf0) =	vadd.scan.msk.s32 $0xffff, v7;
	v7 =	vld [tilespmem:$0x6050]  }
0x119: {  	(xrf0) =	vadd.scan.msk.s32 $0xffff, v8;
	v8 =	vld [tilespmem:$0x6060]  }
0x11a: {  	(xrf0) =	vadd.scan.msk.s32 $0xffff, v6;
	v6 =	vld [tilespmem:$0x6070]  }
0x11b: {  	v56 =	vld [tilespmem:$0x6080];
	(xrf0) =	vadd.scan.msk.s32 $0xffff, v9  }
0x11c: {  	(xrf0) =	vadd.scan.msk.s32 $0xffff, v5;
	v5 =	vld [tilespmem:$0x6090]  }
0x11d: {  	v10, _, _ =	vpop (xrf0);
	(xrf0) =	vadd.scan.msk.s32 $0xffff, v7;
	v7 =	vld [tilespmem:$0x60A0]  }
0x11e: {  	(v2sf) =	vpush v10, $0xF;
	v57, _, _ =	vpop (xrf0);
	(xrf0) =	vadd.scan.msk.s32 $0xffff, v8;
	v8 =	vld [tilespmem:$0x60B0]  }
0x11f: {  	(v2sf) =	vpush v57, $0xF;
	v58, _, _ =	vpop (xrf0);
	(xrf0) =	vadd.scan.msk.s32 $0xffff, v6;
	v6 =	vld [tilespmem:$0x60C0]  }
0x120: {  	v60 =	vld [tilespmem:$0x60D0];
	(v2sf) =	vpush v58, $0xF;
	v59, _, _ =	vpop (xrf0);
	(xrf0) =	vadd.scan.msk.s32 $0xffff, v56  }
0x121: {  	(v2sf) =	vpush v59, $0xF;
	v61, _, _ =	vpop (xrf0);
	(xrf0) =	vadd.scan.msk.s32 $0xffff, v5;
	v5 =	vld [tilespmem:$0x60E0]  }
0x122: {  	(v2sf) =	vpush v61, $0xF;
	v62, _, _ =	vpop (xrf0);
	(xrf0) =	vadd.scan.msk.s32 $0xffff, v7;
	v7 =	vld [tilespmem:$0x60F0]  }
0x123: {  	(v2sf) =	vpush v62, $0xF;
	v63, _, _ =	vpop (xrf0);
	(xrf0) =	vadd.scan.msk.s32 $0xffff, v8  }
0x124: {  	(v2sf) =	vpush v63, $0xF;
	v8, _, _ =	vpop (xrf0);
	(xrf0) =	vadd.scan.msk.s32 $0xffff, v6  }
0x125: {  	(v2sf) =	vpush v8, $0xF;
	v6, _, _ =	vpop (xrf0);
	(xrf0) =	vadd.scan.msk.s32 $0xffff, v60  }
0x126: {  	(v2sf) =	vpush v6, $0xF;
	v6, _, _ =	vpop (xrf0);
	(xrf0) =	vadd.scan.msk.s32 $0xffff, v5  }
0x127: {  	(v2sf) =	vpush v6, $0xF;
	v5, _, _ =	vpop (xrf0);
	(xrf0) =	vadd.scan.msk.s32 $0xffff, v7  }
0x128: {  	v6, _, _ =	vpop (xrf0);
	(v2sf) =	vpush v5, $0xF  }
0x129: {  	v5, _, _ =	vpop (xrf0);
	(v2sf) =	vpush v6, $0xF  }
0x12a: {  	v6, _, _ =	vpop (xrf0);
	(v2sf) =	vpush v5, $0xF  }
0x12b: {  	v5, _, _ =	vpop (xrf0);
	(v2sf) =	vpush v6, $0xF  }
0x12c: {  	v6, _, _ =	vpop (xrf0);
	(v2sf) =	vpush v5, $0xF  }
0x12d: {  	s0 =	spop (v2sf);
	(v2sf) =	vpush v6, $0xF;
	v5, _, _ =	vpop (xrf0)  }
0x12e: {  	s22 =	spop (v2sf);
	(v2sf) =	vpush v5, $0xF  }
0x12f: {  	s19 =	spop (v2sf)  }
0x130: {  	s25 =	spop (v2sf)  }
0x131: {  	s29 =	spop (v2sf)  }
0x132: {  	s3 =	spop (v2sf)  }
0x133: {  	s1 =	spop (v2sf)  }
0x134: {  	s2 =	spop (v2sf)  }
0x135: {  	s7 =	spop (v2sf)  }
0x136: {  	s12 =	spop (v2sf)  }
0x137: {  	s31 =	spop (v2sf)  }
0x138: {  	s30 =	spop (v2sf)  }
0x139: {  	s28 =	spop (v2sf)  }
0x13a: {  	s26 =	spop (v2sf)  }
0x13b: {  	s24 =	spop (v2sf)  }
0x13c: {  	s0 =	sadd.s32 s17, s0;
	s23 =	spop (v2sf)  }
0x13d: {  	s17 =	ssub.s32 $0x40, s0;
	s21 =	spop (v2sf)  }
0x13e: {  	s20 =	simm.s32 $0xF0;
	p1 =	sge.s32 s21, s17;
	s23 =	sadd.s32 s23, s21  }
0x13f: {  	p0 =	slt.s32 s21, s17;
	s20 =	simm.s32 @!p1 $0x0;
	p2 =	sge.s32 s23, s17  }
0x140: {  	s24 =	sadd.s32 s24, s23;
	p0 =	por !p0, !p2;
	p2 =	por p1, p2  }
0x141: {  	p3 =	sge.s32 s24, s17;
	s26 =	sadd.s32 s26, s24;
	s0 =	simm.s32 @!p0 $0x0  }
0x142: {  	p1 =	por !p2, !p2;
	p2 =	por p2, p3;
	s28 =	sadd.s32 s28, s26  }
0x143: {  	s0 =	simm.s32 @p0 $0x1;
	p0 =	por !p3, !p1;
	p1 =	sge.s32 s26, s17  }
0x144: {  	p4 =	por !p2, !p2;
	p6 =	sge.s32 s28, s17;
	s30 =	sadd.s32 s30, s28  }
0x145: {  	[smem:$0x7DE] =	sst s0;
	s0 =	simm.s32 @!p0 $0x0;
	p5 =	por p2, p1  }
0x146: {  	s0 =	simm.s32 @p0 $0x1;
	p0 =	por !p1, !p4;
	p2 =	por !p5, !p5  }
0x147: {  	p5 =	por p5, p6;
	[smem:$0x7DF] =	sst s0;
	s0 =	simm.s32 @!p0 $0x0  }
0x148: {  	p4 =	por !p5, !p5;
	s0 =	simm.s32 @p0 $0x1;
	p0 =	por !p6, !p2  }
0x149: {  	p6 =	sge.s32 s30, s17;
	[smem:$0x7E0] =	sst s0;
	s0 =	simm.s32 @!p0 $0x0  }
0x14a: {  	s0 =	simm.s32 @p0 $0x1;
	p0 =	por !p6, !p4  }
0x14b: {  	[smem:$0x7E1] =	sst s0;
	s0 =	simm.s32 @!p0 $0x0  }
0x14c: {  	s31 =	sadd.s32 s31, s30;
	s0 =	simm.s32 @p0 $0x1  }
0x14d: {  	p1 =	sge.s32 s31, s17;
	[smem:$0x7E2] =	sst s0  }
0x14e: {  	p5 =	por p5, p6;
	s0 =	sadd.s32 s12, s31;
	s12 =	sld [smem:$0x7DE]  }
0x14f: {  	p2 =	por !p5, !p5;
	p0 =	por p5, p1  }
0x150: {  	p5 =	por !p1, !p2;
	p3 =	por !p0, !p0;
	p4 =	sge.s32 s0, s17  }
0x151: {  	p2 =	por !p4, !p3;
	p3 =	seq.s32 s12, $0x1;
	s12 =	sld [smem:$0x7DF]  }
0x152: {  	s4 =	simm.s32 @!p2 $0x0  }
0x153: {  	s4 =	simm.s32 @p2 $0x1;
	p2 =	por p0, p4;
	p0 =	por !p3, !p3  }
0x154: {  	[smem:$0x7E3] =	sst s4;
	s4 =	simm.s32 @!p0 $0x0;
	p6 =	seq.s32 s12, $0x1  }
0x155: {  	s20 =	simm.s32 @p0 $0xE0;
	s4 =	simm.s32 @p0 $0x1;
	p0 =	por !p6, !p6  }
0x156: {  	[smem:$0x7E4] =	sst s4;
	s4 =	simm.s32 @!p0 $0x0  }
0x157: {  	s4 =	simm.s32 @p0 $0x1  }
0x158: {  	[smem:$0x7E5] =	sst s4  }
0x159: {  	s7 =	sadd.s32 s7, s0;
	s4 =	sld [smem:$0x7E0]  }
0x15a: {  	p5 =	por !p5, !p5;
	p1 =	sge.s32 s7, s17;
	p4 =	por !p2, !p2  }
0x15b: {  	p4 =	por !p1, !p4;
	p1 =	por p2, p1;
	s12 =	sadd.s32 s2, s7  }
0x15c: {  	s1 =	sadd.s32 s1, s12;
	p3 =	seq.s32 s4, $0x1;
	s4 =	sld [smem:$0x7E1]  }
0x15d: {  	s20 =	simm.s32 @p0 $0xD0;
	p0 =	sge.s32 s12, s17;
	p2 =	por !p3, !p3  }
0x15e: {  	p3 =	por !p1, !p1;
	p1 =	por p1, p0;
	s2 =	simm.s32 @!p2 $0x0  }
0x15f: {  	s20 =	simm.s32 @p2 $0xC0;
	p6 =	seq.s32 s4, $0x1;
	s4 =	sld [smem:$0x7E2]  }
0x160: {  	p3 =	por !p0, !p3;
	s2 =	simm.s32 @p2 $0x1;
	p2 =	por !p6, !p6  }
0x161: {  	[smem:$0x7E6] =	sst s2;
	s2 =	simm.s32 @!p2 $0x0;
	s20 =	simm.s32 @p2 $0xB0  }
0x162: {  	s2 =	simm.s32 @p2 $0x1;
	p6 =	seq.s32 s4, $0x1;
	s4 =	sld [smem:$0x7E3]  }
0x163: {  	p2 =	sge.s32 s1, s17;
	[smem:$0x7E7] =	sst s2;
	p0 =	por !p6, !p6  }
0x164: {  	p6 =	por !p1, !p1;
	s2 =	simm.s32 @!p0 $0x0;
	s20 =	simm.s32 @p0 $0xA0  }
0x165: {  	p6 =	por !p2, !p6;
	s2 =	simm.s32 @p0 $0x1;
	p0 =	por p1, p2  }
0x166: {  	p2 =	seq.s32 s4, $0x1;
	[smem:$0x7E8] =	sst s2;
	s2 =	simm.s32 @!p5 $0x0  }
0x167: {  	s20 =	simm.s32 @p5 $0x90;
	p1 =	por !p2, !p2;
	s2 =	simm.s32 @p5 $0x1  }
0x168: {  	[smem:$0x7E9] =	sst s2;
	s2 =	sadd.s32 s3, s1;
	s3 =	simm.s32 @!p1 $0x0  }
0x169: {  	p2 =	por !p0, !p0;
	s20 =	simm.s32 @p1 $0x80;
	s3 =	simm.s32 @p1 $0x1  }
0x16a: {  	p5 =	sge.s32 s2, s17;
	p1 =	por !p4, !p4;
	[smem:$0x7EA] =	sst s3  }
0x16b: {  	s3 =	simm.s32 @!p1 $0x0;
	p2 =	por !p5, !p2;
	p0 =	por p0, p5  }
0x16c: {  	s20 =	simm.s32 @p1 $0x70;
	s3 =	simm.s32 @p1 $0x1;
	p1 =	por !p3, !p3  }
0x16d: {  	p4 =	por !p0, !p0;
	[smem:$0x7EB] =	sst s3;
	s3 =	sadd.s32 s29, s2  }
0x16e: {  	s4 =	simm.s32 @!p1 $0x0;
	s20 =	simm.s32 @p1 $0x60;
	s29 =	sld [smem:$0x7E4]  }
0x16f: {  	s4 =	simm.s32 @p1 $0x1;
	p5 =	sge.s32 s3, s17;
	p1 =	por !p6, !p6  }
0x170: {  	s25 =	sadd.s32 s25, s3;
	[smem:$0x7EC] =	sst s4;
	s4 =	simm.s32 @!p1 $0x0  }
0x171: {  	p3 =	por !p5, !p4;
	p0 =	por p0, p5;
	s20 =	simm.s32 @p1 $0x50  }
0x172: {  	p5 =	por !p2, !p2;
	p6 =	sge.s32 s25, s17;
	s19 =	sadd.s32 s19, s25  }
0x173: {  	s4 =	simm.s32 @p1 $0x1;
	p1 =	por !p0, !p0;
	p4 =	por !p3, !p3  }
0x174: {  	s22 =	sadd.s32 s22, s19;
	p2 =	por !p6, !p1;
	p1 =	por p0, p6  }
0x175: {  	p0 =	sge.s32 s19, s17;
	p6 =	por !p1, !p1;
	p3 =	por !p2, !p2  }
0x176: {  	p2 =	por !p0, !p6;
	p6 =	slt.s32 s22, s17;
	s22 =	sld [smem:$0x7E5]  }
0x177: {  	s20 =	simm.s32 @p5 $0x40;
	[smem:$0x7ED] =	sst s4  }
0x178: {  	p6 =	por p0, p6;
	p0 =	por !p2, !p2;
	p2 =	seq.s32 s29, $0x1  }
0x179: {  	s20 =	simm.s32 @p4 $0x30;
	s21 =	simm.s32 @!p2 $0x0;
	p2 =	seq.s32 s22, $0x1  }
0x17a: {  	s20 =	simm.s32 @p3 $0x20;
	s21 =	smov.u32 @p2 s23;
	s23 =	sld [smem:$0x7E6]  }
0x17b: {  	s29 =	sld [smem:$0x7E7];
	p1 =	por p1, p6;
	s20 =	simm.s32 @p0 $0x10  }
0x17c: {  	s20 =	simm.s32 @!p1 $0x0;
	s22 =	sld [smem:$0x7E8]  }
0x17d: {  	v5 =	vld [tilespmem:s20+$0x6000];
	p2 =	seq.s32 s23, $0x1;
	s23 =	sld [smem:$0x7E9]  }
0x17e: {  	s21 =	smov.u32 @p2 s24;
	p2 =	seq.s32 s29, $0x1;
	s24 =	sld [smem:$0x7EA]  }
0x17f: {  	s21 =	smov.u32 @p2 s26;
	p2 =	seq.s32 s22, $0x1;
	s26 =	sld [smem:$0x7EB]  }
0x180: {  	s21 =	smov.u32 @p2 s28;
	p2 =	seq.s32 s23, $0x1;
	s28 =	sld [smem:$0x7EC]  }
0x181: {  	s29 =	sld [smem:$0x7ED];
	s21 =	smov.u32 @p2 s30;
	p2 =	seq.s32 s24, $0x1  }
0x182: {  	v5 =	vperm.xlane v5, v2;
	s21 =	smov.u32 @p2 s31;
	p2 =	seq.s32 s26, $0x1  }
0x183: {  	s21 =	smov.u32 @p2 s0;
	p2 =	seq.s32 s28, $0x1  }
0x184: {  	(xrf0) =	vadd.scan.msk.s32 $0xffff, v5;
	s21 =	smov.u32 @p2 s7;
	p2 =	seq.s32 s29, $0x1  }
0x185: {  	s21 =	smov.u32 @p2 s12  }
0x186: {  	s21 =	smov.u32 @p5 s1  }
0x187: {  	s21 =	smov.u32 @p4 s2  }
0x188: {  	s21 =	smov.u32 @p3 s3  }
0x189: {  	s21 =	smov.u32 @p0 s25  }
0x18a: {  	v5, _, _ =	vpop (xrf0);
	s19 =	smov.u32 @p1 s21  }
0x18b: {  	v6 =	vadd.s32 s19, v5  }
0x18c: {  	vm1 =	vge.s32 v6, s17  }
0x18d: {  	v6 =	vmctz.xlane vm1;
	_ =	sdelay $0x1  }
0x18e: {  	v7 =	vnsel vm0, $0x0, v6  }
0x18f: {  	(xrf0) =	vadd.scan.msk.s32 $0xffff, v7;
	_ =	sdelay $0x5  }
0x190: {  	v7, _, _ =	vpop (xrf0)  }
0x191: {  	(v2sf) =	vpush v7, $0xF;
	_ =	sdelay $0x2  }
0x192: {  	[tilespmem:$0x6000] =	vst v0  }
0x193: {  	[tilespmem:$0x6010] =	vst v0  }
0x194: {  	[tilespmem:$0x6020] =	vst v0  }
0x195: {  	[tilespmem:$0x6030] =	vst v0  }
0x196: {  	[tilespmem:$0x6040] =	vst v0  }
0x197: {  	[tilespmem:$0x6050] =	vst v0  }
0x198: {  	[tilespmem:$0x6060] =	vst v0  }
0x199: {  	[tilespmem:$0x6070] =	vst v0  }
0x19a: {  	[tilespmem:$0x6080] =	vst v0  }
0x19b: {  	[tilespmem:$0x6090] =	vst v0  }
0x19c: {  	[tilespmem:$0x60A0] =	vst v0  }
0x19d: {  	[tilespmem:$0x60B0] =	vst v0;
	s30 =	sshll.u32 s18, $0x8  }
0x19e: {  	[tilespmem:$0x60C0] =	vst v0;
	s0 =	sor.u32 $0xF, s30;
	s31 =	spop (v2sf)  }
0x19f: {  	[tilespmem:$0x60D0] =	vst v0;
	s0 =	ssub.s32 s0, s31  }
0x1a0: {  	[tilespmem:$0x60E0] =	vst v0;
	s18 =	sadd.s32 s20, s0  }
0x1a1: {  	[tilespmem:$0x60F0] =	vst v0;
	s0 =	simm.s32 $0x0;
	v7 =	vmov s18  }
.LBB2_9:
0x1a2: {  	s1 =	sshra.s32 s0, $0x2  }
0x1a3: {  	v8 =	vld.idx.msk [tilespmem:v4+s1+$0xFFFFFFC0 ss:$0x1], $0xffff;
	_ =	sdelay $0x4  }
0x1a4: {  	v9 =	vshra.s32 v8, $0x10  }
0x1a5: {  	v8 =	vshrl.u32 v8, $0x8;
	vm1 =	veq.s32 v9, v7  }
0x1a6: {  	v8 =	vand.u32 $0xFF, v8;
	_ =	sdelay $0x4  }
0x1a7: {  	[tilespmem:v8+s9+$0x0] =	vst.idx.add.s32.msk vm1, v1  }
0x1a8: {  	v8 =	vld.idx.msk [tilespmem:v4+s1+$0xFFFFFFD0 ss:$0x1], $0xffff;
	_ =	sdelay $0x4  }
0x1a9: {  	v57 =	vshra.s32 v8, $0x10  }
0x1aa: {  	v8 =	vshrl.u32 v8, $0x8;
	vm1 =	veq.s32 v57, v7  }
0x1ab: {  	v8 =	vand.u32 $0xFF, v8;
	_ =	sdelay $0x4  }
0x1ac: {  	[tilespmem:v8+s9+$0x0] =	vst.idx.add.s32.msk vm1, v1  }
0x1ad: {  	v8 =	vld.idx.msk [tilespmem:v4+s1+$0xFFFFFFE0 ss:$0x1], $0xffff;
	_ =	sdelay $0x4  }
0x1ae: {  	v58 =	vshra.s32 v8, $0x10  }
0x1af: {  	v8 =	vshrl.u32 v8, $0x8;
	vm1 =	veq.s32 v58, v7  }
0x1b0: {  	v8 =	vand.u32 $0xFF, v8;
	_ =	sdelay $0x4  }
0x1b1: {  	[tilespmem:v8+s9+$0x0] =	vst.idx.add.s32.msk vm1, v1  }
0x1b2: {  	v8 =	vld.idx.msk [tilespmem:v4+s1+$0xFFFFFFF0 ss:$0x1], $0xffff;
	_ =	sdelay $0x4  }
0x1b3: {  	v59 =	vshra.s32 v8, $0x10  }
0x1b4: {  	v8 =	vshrl.u32 v8, $0x8;
	vm1 =	veq.s32 v59, v7  }
0x1b5: {  	v8 =	vand.u32 $0xFF, v8;
	_ =	sdelay $0x4  }
0x1b6: {  	[tilespmem:v8+s9+$0x0] =	vst.idx.add.s32.msk vm1, v1  }
0x1b7: {  	v8 =	vld.idx.msk [tilespmem:v4+s1+$0x0 ss:$0x1], $0xffff;
	_ =	sdelay $0x4  }
0x1b8: {  	v60 =	vshra.s32 v8, $0x10  }
0x1b9: {  	v8 =	vshrl.u32 v8, $0x8;
	vm1 =	veq.s32 v60, v7  }
0x1ba: {  	v8 =	vand.u32 $0xFF, v8;
	_ =	sdelay $0x4  }
0x1bb: {  	[tilespmem:v8+s9+$0x0] =	vst.idx.add.s32.msk vm1, v1  }
0x1bc: {  	v8 =	vld.idx.msk [tilespmem:v4+s1+$0x10 ss:$0x1], $0xffff;
	_ =	sdelay $0x4  }
0x1bd: {  	v61 =	vshra.s32 v8, $0x10  }
0x1be: {  	v8 =	vshrl.u32 v8, $0x8;
	vm1 =	veq.s32 v61, v7  }
0x1bf: {  	v8 =	vand.u32 $0xFF, v8;
	_ =	sdelay $0x4  }
0x1c0: {  	[tilespmem:v8+s9+$0x0] =	vst.idx.add.s32.msk vm1, v1  }
0x1c1: {  	v8 =	vld.idx.msk [tilespmem:v4+s1+$0x20 ss:$0x1], $0xffff;
	_ =	sdelay $0x4  }
0x1c2: {  	v62 =	vshra.s32 v8, $0x10  }
0x1c3: {  	v8 =	vshrl.u32 v8, $0x8;
	vm1 =	veq.s32 v62, v7  }
0x1c4: {  	v8 =	vand.u32 $0xFF, v8;
	_ =	sdelay $0x4  }
0x1c5: {  	[tilespmem:v8+s9+$0x0] =	vst.idx.add.s32.msk vm1, v1  }
0x1c6: {  	v8 =	vld.idx.msk [tilespmem:v4+s1+$0x30 ss:$0x1], $0xffff;
	_ =	sdelay $0x4  }
0x1c7: {  	v63 =	vshra.s32 v8, $0x10  }
0x1c8: {  	v8 =	vshrl.u32 v8, $0x8;
	vm1 =	veq.s32 v63, v7  }
0x1c9: {  	p0 =	sne.s32 s0, $0x1600;
	v8 =	vand.u32 $0xFF, v8  }
.Ltmp7:
0x1ca: {  	_ = 	snop;
	(pc) =	sbr.rel @p0 .LBB2_9-.Ltmp7, $2  }
0x1cb: {  	_ =	sdelay $0x2  }
0x1cc: {  	s0 =	sadd.s32 $0x200, s0;
	[tilespmem:v8+s9+$0x0] =	vst.idx.add.s32.msk vm1, v1  }
0x1cd: {  	v7 =	vld [tilespmem:$0x6000]  }
0x1ce: {  	v8 =	vld [tilespmem:$0x6010]  }
0x1cf: {  	vm1 =	veq.s32 v6, v3;
	v6 =	vld [tilespmem:$0x6020]  }
0x1d0: {  	v9 =	vld [tilespmem:$0x6030];
	v5 =	vnsel vm1, $0x0, v5  }
0x1d1: {  	(xrf0) =	vadd.scan.msk.s32 $0xffff, v5;
	v5 =	vld [tilespmem:$0x6040]  }
0x1d2: {  	(xrf0) =	vadd.scan.msk.s32 $0xffff, v7;
	v7 =	vld [tilespmem:$0x6050]  }
0x1d3: {  	(xrf0) =	vadd.scan.msk.s32 $0xffff, v8;
	v8 =	vld [tilespmem:$0x6060]  }
0x1d4: {  	(xrf0) =	vadd.scan.msk.s32 $0xffff, v6;
	v6 =	vld [tilespmem:$0x6070]  }
0x1d5: {  	v56 =	vld [tilespmem:$0x6080];
	(xrf0) =	vadd.scan.msk.s32 $0xffff, v9  }
0x1d6: {  	(xrf0) =	vadd.scan.msk.s32 $0xffff, v5;
	v5 =	vld [tilespmem:$0x6090]  }
0x1d7: {  	v10, _, _ =	vpop (xrf0);
	(xrf0) =	vadd.scan.msk.s32 $0xffff, v7;
	v7 =	vld [tilespmem:$0x60A0]  }
0x1d8: {  	(v2sf) =	vpush v10, $0xF;
	v57, _, _ =	vpop (xrf0);
	(xrf0) =	vadd.scan.msk.s32 $0xffff, v8;
	v8 =	vld [tilespmem:$0x60B0]  }
0x1d9: {  	(v2sf) =	vpush v57, $0xF;
	v58, _, _ =	vpop (xrf0);
	(xrf0) =	vadd.scan.msk.s32 $0xffff, v6;
	v6 =	vld [tilespmem:$0x60C0]  }
0x1da: {  	v60 =	vld [tilespmem:$0x60D0];
	(v2sf) =	vpush v58, $0xF;
	v59, _, _ =	vpop (xrf0);
	(xrf0) =	vadd.scan.msk.s32 $0xffff, v56  }
0x1db: {  	(v2sf) =	vpush v59, $0xF;
	v61, _, _ =	vpop (xrf0);
	(xrf0) =	vadd.scan.msk.s32 $0xffff, v5;
	v5 =	vld [tilespmem:$0x60E0]  }
0x1dc: {  	(v2sf) =	vpush v61, $0xF;
	v62, _, _ =	vpop (xrf0);
	(xrf0) =	vadd.scan.msk.s32 $0xffff, v7;
	v7 =	vld [tilespmem:$0x60F0]  }
0x1dd: {  	(v2sf) =	vpush v62, $0xF;
	v63, _, _ =	vpop (xrf0);
	(xrf0) =	vadd.scan.msk.s32 $0xffff, v8  }
0x1de: {  	(v2sf) =	vpush v63, $0xF;
	v8, _, _ =	vpop (xrf0);
	(xrf0) =	vadd.scan.msk.s32 $0xffff, v6  }
0x1df: {  	(v2sf) =	vpush v8, $0xF;
	v6, _, _ =	vpop (xrf0);
	(xrf0) =	vadd.scan.msk.s32 $0xffff, v60  }
0x1e0: {  	(v2sf) =	vpush v6, $0xF;
	v6, _, _ =	vpop (xrf0);
	(xrf0) =	vadd.scan.msk.s32 $0xffff, v5  }
0x1e1: {  	(v2sf) =	vpush v6, $0xF;
	v5, _, _ =	vpop (xrf0);
	(xrf0) =	vadd.scan.msk.s32 $0xffff, v7  }
0x1e2: {  	v6, _, _ =	vpop (xrf0);
	(v2sf) =	vpush v5, $0xF  }
0x1e3: {  	v5, _, _ =	vpop (xrf0);
	(v2sf) =	vpush v6, $0xF  }
0x1e4: {  	v6, _, _ =	vpop (xrf0);
	(v2sf) =	vpush v5, $0xF  }
0x1e5: {  	v5, _, _ =	vpop (xrf0);
	(v2sf) =	vpush v6, $0xF  }
0x1e6: {  	v6, _, _ =	vpop (xrf0);
	(v2sf) =	vpush v5, $0xF  }
0x1e7: {  	s0 =	spop (v2sf);
	(v2sf) =	vpush v6, $0xF;
	v5, _, _ =	vpop (xrf0)  }
0x1e8: {  	s22 =	spop (v2sf);
	(v2sf) =	vpush v5, $0xF  }
0x1e9: {  	s23 =	spop (v2sf)  }
0x1ea: {  	s26 =	spop (v2sf)  }
0x1eb: {  	s30 =	spop (v2sf)  }
0x1ec: {  	s7 =	spop (v2sf)  }
0x1ed: {  	s2 =	spop (v2sf)  }
0x1ee: {  	s1 =	spop (v2sf)  }
0x1ef: {  	s12 =	spop (v2sf)  }
0x1f0: {  	s3 =	spop (v2sf)  }
0x1f1: {  	s4 =	spop (v2sf)  }
0x1f2: {  	s31 =	spop (v2sf)  }
0x1f3: {  	s29 =	spop (v2sf)  }
0x1f4: {  	s28 =	spop (v2sf)  }
0x1f5: {  	s25 =	spop (v2sf)  }
0x1f6: {  	s0 =	sadd.s32 s19, s0;
	s24 =	spop (v2sf)  }
0x1f7: {  	s17 =	ssub.s32 s17, s0;
	s21 =	spop (v2sf)  }
0x1f8: {  	s20 =	simm.s32 $0xF0;
	p1 =	sge.s32 s21, s17;
	s24 =	sadd.s32 s24, s21  }
0x1f9: {  	p0 =	slt.s32 s21, s17;
	s20 =	simm.s32 @!p1 $0x0;
	p2 =	sge.s32 s24, s17  }
0x1fa: {  	s25 =	sadd.s32 s25, s24;
	p0 =	por !p0, !p2;
	p2 =	por p1, p2  }
0x1fb: {  	p3 =	sge.s32 s25, s17;
	s28 =	sadd.s32 s28, s25;
	s0 =	simm.s32 @!p0 $0x0  }
0x1fc: {  	p1 =	por !p2, !p2;
	p2 =	por p2, p3;
	s29 =	sadd.s32 s29, s28  }
0x1fd: {  	s0 =	simm.s32 @p0 $0x1;
	p0 =	por !p3, !p1;
	p1 =	sge.s32 s28, s17  }
0x1fe: {  	p4 =	por !p2, !p2;
	p6 =	sge.s32 s29, s17;
	s31 =	sadd.s32 s31, s29  }
0x1ff: {  	[smem:$0x7CE] =	sst s0;
	s0 =	simm.s32 @!p0 $0x0;
	p5 =	por p2, p1  }
0x200: {  	s0 =	simm.s32 @p0 $0x1;
	p0 =	por !p1, !p4;
	p2 =	por !p5, !p5  }
0x201: {  	p5 =	por p5, p6;
	[smem:$0x7CF] =	sst s0;
	s0 =	simm.s32 @!p0 $0x0  }
0x202: {  	p4 =	por !p5, !p5;
	s0 =	simm.s32 @p0 $0x1;
	p0 =	por !p6, !p2  }
0x203: {  	p6 =	sge.s32 s31, s17;
	[smem:$0x7D0] =	sst s0;
	s0 =	simm.s32 @!p0 $0x0  }
0x204: {  	p5 =	por p5, p6;
	s0 =	simm.s32 @p0 $0x1;
	p0 =	por !p6, !p4  }
0x205: {  	[smem:$0x7D1] =	sst s0;
	s0 =	sadd.s32 s4, s31;
	s4 =	simm.s32 @!p0 $0x0  }
0x206: {  	s19 =	sld [smem:$0x7CE];
	p2 =	por !p5, !p5;
	s4 =	simm.s32 @p0 $0x1  }
0x207: {  	p1 =	sge.s32 s0, s17;
	s3 =	sadd.s32 s3, s0;
	[smem:$0x7D2] =	sst s4  }
0x208: {  	p0 =	por p5, p1;
	p5 =	por !p1, !p2;
	s12 =	sadd.s32 s12, s3  }
0x209: {  	p4 =	sge.s32 s3, s17;
	p3 =	por !p0, !p0;
	p1 =	sge.s32 s12, s17  }
0x20a: {  	s1 =	sadd.s32 s1, s12;
	p5 =	por !p5, !p5;
	p2 =	por !p4, !p3  }
0x20b: {  	p3 =	seq.s32 s19, $0x1;
	s19 =	sld [smem:$0x7CF];
	s4 =	simm.s32 @!p2 $0x0  }
0x20c: {  	s4 =	simm.s32 @p2 $0x1;
	p2 =	por p0, p4;
	p0 =	por !p3, !p3  }
0x20d: {  	s2 =	sadd.s32 s2, s1;
	[smem:$0x7D3] =	sst s4;
	s4 =	simm.s32 @!p0 $0x0  }
0x20e: {  	p4 =	por !p2, !p2;
	p6 =	seq.s32 s19, $0x1;
	s19 =	sld [smem:$0x7D0]  }
0x20f: {  	s20 =	simm.s32 @p0 $0xE0;
	s4 =	simm.s32 @p0 $0x1;
	p0 =	por !p6, !p6  }
0x210: {  	p4 =	por !p1, !p4;
	p1 =	por p2, p1;
	[smem:$0x7D4] =	sst s4  }
0x211: {  	s4 =	simm.s32 @!p0 $0x0;
	p3 =	seq.s32 s19, $0x1;
	s19 =	sld [smem:$0x7D1]  }
0x212: {  	s20 =	simm.s32 @p0 $0xD0;
	s4 =	simm.s32 @p0 $0x1;
	p0 =	sge.s32 s1, s17  }
0x213: {  	[smem:$0x7D5] =	sst s4;
	p2 =	por !p3, !p3;
	p3 =	por !p1, !p1  }
0x214: {  	s4 =	simm.s32 @!p2 $0x0;
	s20 =	simm.s32 @p2 $0xC0;
	p6 =	seq.s32 s19, $0x1  }
0x215: {  	s4 =	simm.s32 @p2 $0x1;
	s19 =	sld [smem:$0x7D2];
	p2 =	por !p6, !p6  }
0x216: {  	p1 =	por p1, p0;
	[smem:$0x7D6] =	sst s4;
	s4 =	simm.s32 @!p2 $0x0  }
0x217: {  	p3 =	por !p0, !p3;
	s20 =	simm.s32 @p2 $0xB0;
	s4 =	simm.s32 @p2 $0x1  }
0x218: {  	p6 =	seq.s32 s19, $0x1;
	p2 =	sge.s32 s2, s17;
	s19 =	sld [smem:$0x7D3]  }
0x219: {  	[smem:$0x7D7] =	sst s4;
	p0 =	por !p6, !p6;
	p6 =	por !p1, !p1  }
0x21a: {  	s4 =	simm.s32 @!p0 $0x0;
	s20 =	simm.s32 @p0 $0xA0;
	p6 =	por !p2, !p6  }
0x21b: {  	s4 =	simm.s32 @p0 $0x1;
	p0 =	por p1, p2;
	s20 =	simm.s32 @p5 $0x90  }
0x21c: {  	p2 =	seq.s32 s19, $0x1;
	[smem:$0x7D8] =	sst s4;
	s4 =	simm.s32 @!p5 $0x0  }
0x21d: {  	p1 =	por !p2, !p2;
	p2 =	por !p0, !p0;
	s4 =	simm.s32 @p5 $0x1  }
0x21e: {  	[smem:$0x7D9] =	sst s4;
	s4 =	sadd.s32 s7, s2;
	s7 =	simm.s32 @!p1 $0x0  }
0x21f: {  	s20 =	simm.s32 @p1 $0x80;
	s7 =	simm.s32 @p1 $0x1;
	p1 =	por !p4, !p4  }
0x220: {  	p5 =	sge.s32 s4, s17;
	[smem:$0x7DA] =	sst s7;
	s7 =	simm.s32 @!p1 $0x0  }
0x221: {  	p2 =	por !p5, !p2;
	p0 =	por p0, p5;
	s20 =	simm.s32 @p1 $0x70  }
0x222: {  	s7 =	simm.s32 @p1 $0x1;
	p1 =	por !p3, !p3;
	p4 =	por !p0, !p0  }
0x223: {  	[smem:$0x7DB] =	sst s7;
	s7 =	sadd.s32 s30, s4;
	s19 =	simm.s32 @!p1 $0x0  }
0x224: {  	s20 =	simm.s32 @p1 $0x60;
	s30 =	sld [smem:$0x7D4];
	s19 =	simm.s32 @p1 $0x1  }
0x225: {  	p5 =	sge.s32 s7, s17;
	p1 =	por !p6, !p6;
	s26 =	sadd.s32 s26, s7  }
0x226: {  	[smem:$0x7DC] =	sst s19;
	s19 =	simm.s32 @!p1 $0x0;
	p3 =	por !p5, !p4  }
0x227: {  	p0 =	por p0, p5;
	s20 =	simm.s32 @p1 $0x50;
	p5 =	por !p2, !p2  }
0x228: {  	p6 =	sge.s32 s26, s17;
	s19 =	simm.s32 @p1 $0x1;
	p1 =	por !p0, !p0  }
0x229: {  	p4 =	por !p3, !p3;
	[smem:$0x7DD] =	sst s19;
	p2 =	por !p6, !p1  }
0x22a: {  	p1 =	por p0, p6;
	s19 =	sadd.s32 s23, s26;
	s23 =	sld [smem:$0x7D5]  }
0x22b: {  	s22 =	sadd.s32 s22, s19;
	p6 =	por !p1, !p1;
	p0 =	sge.s32 s19, s17  }
0x22c: {  	p3 =	por !p2, !p2;
	p2 =	por !p0, !p6;
	p6 =	slt.s32 s22, s17  }
0x22d: {  	p6 =	por p0, p6;
	p0 =	por !p2, !p2;
	p2 =	seq.s32 s30, $0x1  }
0x22e: {  	s21 =	simm.s32 @!p2 $0x0;
	p2 =	seq.s32 s23, $0x1  }
0x22f: {  	s21 =	smov.u32 @p2 s24;
	s24 =	sld [smem:$0x7D6]  }
0x230: {  	s20 =	simm.s32 @p5 $0x40  }
0x231: {  	s20 =	simm.s32 @p4 $0x30  }
0x232: {  	s20 =	simm.s32 @p3 $0x20;
	p1 =	por p1, p6;
	p2 =	seq.s32 s24, $0x1  }
0x233: {  	s20 =	simm.s32 @p0 $0x10;
	s21 =	smov.u32 @p2 s25;
	s25 =	sld [smem:$0x7D7]  }
0x234: {  	s30 =	sld [smem:$0x7D8];
	s20 =	simm.s32 @!p1 $0x0  }
0x235: {  	s23 =	sld [smem:$0x7D9];
	v5 =	vld [tilespmem:s20+$0x6000]  }
0x236: {  	s24 =	sld [smem:$0x7DA];
	p2 =	seq.s32 s25, $0x1  }
0x237: {  	s25 =	sld [smem:$0x7DB];
	s21 =	smov.u32 @p2 s28;
	p2 =	seq.s32 s30, $0x1  }
0x238: {  	s28 =	sld [smem:$0x7DC];
	s21 =	smov.u32 @p2 s29;
	p2 =	seq.s32 s23, $0x1  }
0x239: {  	s29 =	sld [smem:$0x7DD];
	s21 =	smov.u32 @p2 s31;
	p2 =	seq.s32 s24, $0x1  }
0x23a: {  	v5 =	vperm.xlane v5, v2;
	s21 =	smov.u32 @p2 s0;
	p2 =	seq.s32 s25, $0x1  }
0x23b: {  	s21 =	smov.u32 @p2 s3;
	p2 =	seq.s32 s28, $0x1  }
0x23c: {  	(xrf0) =	vadd.scan.msk.s32 $0xffff, v5;
	s21 =	smov.u32 @p2 s12;
	p2 =	seq.s32 s29, $0x1  }
0x23d: {  	s21 =	smov.u32 @p2 s1  }
0x23e: {  	s21 =	smov.u32 @p5 s2  }
0x23f: {  	s21 =	smov.u32 @p4 s4  }
0x240: {  	s21 =	smov.u32 @p3 s7  }
0x241: {  	s21 =	smov.u32 @p0 s26  }
0x242: {  	v5, _, _ =	vpop (xrf0);
	s19 =	smov.u32 @p1 s21  }
0x243: {  	v6 =	vadd.s32 s19, v5  }
0x244: {  	vm1 =	vge.s32 v6, s17  }
0x245: {  	v6 =	vmctz.xlane vm1;
	_ =	sdelay $0x1  }
0x246: {  	v7 =	vnsel vm0, $0x0, v6  }
0x247: {  	(xrf0) =	vadd.scan.msk.s32 $0xffff, v7;
	_ =	sdelay $0x5  }
0x248: {  	v7, _, _ =	vpop (xrf0)  }
0x249: {  	(v2sf) =	vpush v7, $0xF;
	_ =	sdelay $0x2  }
0x24a: {  	[tilespmem:$0x6000] =	vst v0  }
0x24b: {  	[tilespmem:$0x6010] =	vst v0  }
0x24c: {  	[tilespmem:$0x6020] =	vst v0  }
0x24d: {  	[tilespmem:$0x6030] =	vst v0  }
0x24e: {  	[tilespmem:$0x6040] =	vst v0  }
0x24f: {  	[tilespmem:$0x6050] =	vst v0  }
0x250: {  	[tilespmem:$0x6060] =	vst v0  }
0x251: {  	[tilespmem:$0x6070] =	vst v0  }
0x252: {  	[tilespmem:$0x6080] =	vst v0  }
0x253: {  	[tilespmem:$0x6090] =	vst v0  }
0x254: {  	[tilespmem:$0x60A0] =	vst v0  }
0x255: {  	[tilespmem:$0x60B0] =	vst v0;
	s30 =	sshll.u32 s18, $0x8  }
0x256: {  	[tilespmem:$0x60C0] =	vst v0;
	s0 =	sor.u32 $0xF, s30;
	s31 =	spop (v2sf)  }
0x257: {  	[tilespmem:$0x60D0] =	vst v0;
	s0 =	ssub.s32 s0, s31  }
0x258: {  	[tilespmem:$0x60E0] =	vst v0;
	s18 =	sadd.s32 s20, s0  }
0x259: {  	[tilespmem:$0x60F0] =	vst v0;
	s0 =	simm.s32 $0x0;
	v7 =	vmov s18  }
.LBB2_11:
0x25a: {  	s1 =	sshra.s32 s0, $0x2  }
0x25b: {  	v8 =	vld.idx.msk [tilespmem:v4+s1+$0xFFFFFFC0 ss:$0x1], $0xffff;
	_ =	sdelay $0x4  }
0x25c: {  	v9 =	vshra.s32 v8, $0x8  }
0x25d: {  	vm1 =	veq.s32 v9, v7  }
0x25e: {  	v8 =	vand.u32 $0xFF, v8;
	_ =	sdelay $0x4  }
0x25f: {  	[tilespmem:v8+s9+$0x0] =	vst.idx.add.s32.msk vm1, v1  }
0x260: {  	v8 =	vld.idx.msk [tilespmem:v4+s1+$0xFFFFFFD0 ss:$0x1], $0xffff;
	_ =	sdelay $0x4  }
0x261: {  	v57 =	vshra.s32 v8, $0x8  }
0x262: {  	vm1 =	veq.s32 v57, v7  }
0x263: {  	v8 =	vand.u32 $0xFF, v8;
	_ =	sdelay $0x4  }
0x264: {  	[tilespmem:v8+s9+$0x0] =	vst.idx.add.s32.msk vm1, v1  }
0x265: {  	v8 =	vld.idx.msk [tilespmem:v4+s1+$0xFFFFFFE0 ss:$0x1], $0xffff;
	_ =	sdelay $0x4  }
0x266: {  	v58 =	vshra.s32 v8, $0x8  }
0x267: {  	vm1 =	veq.s32 v58, v7  }
0x268: {  	v8 =	vand.u32 $0xFF, v8;
	_ =	sdelay $0x4  }
0x269: {  	[tilespmem:v8+s9+$0x0] =	vst.idx.add.s32.msk vm1, v1  }
0x26a: {  	v8 =	vld.idx.msk [tilespmem:v4+s1+$0xFFFFFFF0 ss:$0x1], $0xffff;
	_ =	sdelay $0x4  }
0x26b: {  	v59 =	vshra.s32 v8, $0x8  }
0x26c: {  	vm1 =	veq.s32 v59, v7  }
0x26d: {  	v8 =	vand.u32 $0xFF, v8;
	_ =	sdelay $0x4  }
0x26e: {  	[tilespmem:v8+s9+$0x0] =	vst.idx.add.s32.msk vm1, v1  }
0x26f: {  	v8 =	vld.idx.msk [tilespmem:v4+s1+$0x0 ss:$0x1], $0xffff;
	_ =	sdelay $0x4  }
0x270: {  	v60 =	vshra.s32 v8, $0x8  }
0x271: {  	vm1 =	veq.s32 v60, v7  }
0x272: {  	v8 =	vand.u32 $0xFF, v8;
	_ =	sdelay $0x4  }
0x273: {  	[tilespmem:v8+s9+$0x0] =	vst.idx.add.s32.msk vm1, v1  }
0x274: {  	v8 =	vld.idx.msk [tilespmem:v4+s1+$0x10 ss:$0x1], $0xffff;
	_ =	sdelay $0x4  }
0x275: {  	v61 =	vshra.s32 v8, $0x8  }
0x276: {  	vm1 =	veq.s32 v61, v7  }
0x277: {  	v8 =	vand.u32 $0xFF, v8;
	_ =	sdelay $0x4  }
0x278: {  	[tilespmem:v8+s9+$0x0] =	vst.idx.add.s32.msk vm1, v1  }
0x279: {  	v8 =	vld.idx.msk [tilespmem:v4+s1+$0x20 ss:$0x1], $0xffff;
	_ =	sdelay $0x4  }
0x27a: {  	v62 =	vshra.s32 v8, $0x8  }
0x27b: {  	vm1 =	veq.s32 v62, v7  }
0x27c: {  	v8 =	vand.u32 $0xFF, v8;
	_ =	sdelay $0x4  }
0x27d: {  	[tilespmem:v8+s9+$0x0] =	vst.idx.add.s32.msk vm1, v1  }
0x27e: {  	v8 =	vld.idx.msk [tilespmem:v4+s1+$0x30 ss:$0x1], $0xffff;
	_ =	sdelay $0x4  }
0x27f: {  	v63 =	vshra.s32 v8, $0x8  }
0x280: {  	vm1 =	veq.s32 v63, v7  }
0x281: {  	p0 =	sne.s32 s0, $0x1600;
	v8 =	vand.u32 $0xFF, v8  }
.Ltmp8:
0x282: {  	_ = 	snop;
	(pc) =	sbr.rel @p0 .LBB2_11-.Ltmp8, $2  }
0x283: {  	_ =	sdelay $0x2  }
0x284: {  	s0 =	sadd.s32 $0x200, s0;
	[tilespmem:v8+s9+$0x0] =	vst.idx.add.s32.msk vm1, v1  }
0x285: {  	v4 =	vld [tilespmem:$0x6000]  }
0x286: {  	v7 =	vld [tilespmem:$0x6010]  }
0x287: {  	vm1 =	veq.s32 v6, v3;
	v48 =	vld [tilespmem:$0x6020]  }
0x288: {  	v8 =	vld [tilespmem:$0x6030];
	v5 =	vnsel vm1, $0x0, v5  }
0x289: {  	(xrf0) =	vadd.scan.msk.s32 $0xffff, v5;
	v5 =	vld [tilespmem:$0x6040]  }
0x28a: {  	(xrf0) =	vadd.scan.msk.s32 $0xffff, v4;
	v4 =	vld [tilespmem:$0x6050]  }
0x28b: {  	v49 =	vld [tilespmem:$0x6060];
	(xrf0) =	vadd.scan.msk.s32 $0xffff, v7  }
0x28c: {  	v50 =	vld [tilespmem:$0x6070];
	(xrf0) =	vadd.scan.msk.s32 $0xffff, v48  }
0x28d: {  	v51 =	vld [tilespmem:$0x6080];
	(xrf0) =	vadd.scan.msk.s32 $0xffff, v8  }
0x28e: {  	(xrf0) =	vadd.scan.msk.s32 $0xffff, v5;
	v5 =	vld [tilespmem:$0x6090]  }
0x28f: {  	v9, _, _ =	vpop (xrf0);
	(xrf0) =	vadd.scan.msk.s32 $0xffff, v4;
	v4 =	vld [tilespmem:$0x60A0]  }
0x290: {  	v53 =	vld [tilespmem:$0x60B0];
	(v2sf) =	vpush v9, $0xF;
	v52, _, _ =	vpop (xrf0);
	(xrf0) =	vadd.scan.msk.s32 $0xffff, v49  }
0x291: {  	v55 =	vld [tilespmem:$0x60C0];
	(v2sf) =	vpush v52, $0xF;
	v54, _, _ =	vpop (xrf0);
	(xrf0) =	vadd.scan.msk.s32 $0xffff, v50  }
0x292: {  	v57 =	vld [tilespmem:$0x60D0];
	(v2sf) =	vpush v54, $0xF;
	v56, _, _ =	vpop (xrf0);
	(xrf0) =	vadd.scan.msk.s32 $0xffff, v51  }
0x293: {  	(v2sf) =	vpush v56, $0xF;
	v58, _, _ =	vpop (xrf0);
	(xrf0) =	vadd.scan.msk.s32 $0xffff, v5;
	v5 =	vld [tilespmem:$0x60E0]  }
0x294: {  	(v2sf) =	vpush v58, $0xF;
	v59, _, _ =	vpop (xrf0);
	(xrf0) =	vadd.scan.msk.s32 $0xffff, v4;
	v4 =	vld [tilespmem:$0x60F0]  }
0x295: {  	(v2sf) =	vpush v59, $0xF;
	v60, _, _ =	vpop (xrf0);
	(xrf0) =	vadd.scan.msk.s32 $0xffff, v53  }
0x296: {  	(v2sf) =	vpush v60, $0xF;
	v61, _, _ =	vpop (xrf0);
	(xrf0) =	vadd.scan.msk.s32 $0xffff, v55  }
0x297: {  	(v2sf) =	vpush v61, $0xF;
	v62, _, _ =	vpop (xrf0);
	(xrf0) =	vadd.scan.msk.s32 $0xffff, v57  }
0x298: {  	(v2sf) =	vpush v62, $0xF;
	v63, _, _ =	vpop (xrf0);
	(xrf0) =	vadd.scan.msk.s32 $0xffff, v5  }
0x299: {  	(v2sf) =	vpush v63, $0xF;
	v5, _, _ =	vpop (xrf0);
	(xrf0) =	vadd.scan.msk.s32 $0xffff, v4  }
0x29a: {  	v4, _, _ =	vpop (xrf0);
	(v2sf) =	vpush v5, $0xF  }
0x29b: {  	v5, _, _ =	vpop (xrf0);
	(v2sf) =	vpush v4, $0xF  }
0x29c: {  	v4, _, _ =	vpop (xrf0);
	(v2sf) =	vpush v5, $0xF  }
0x29d: {  	v5, _, _ =	vpop (xrf0);
	(v2sf) =	vpush v4, $0xF  }
0x29e: {  	v4, _, _ =	vpop (xrf0);
	(v2sf) =	vpush v5, $0xF  }
0x29f: {  	s0 =	spop (v2sf);
	(v2sf) =	vpush v4, $0xF;
	v4, _, _ =	vpop (xrf0)  }
0x2a0: {  	s21 =	spop (v2sf);
	(v2sf) =	vpush v4, $0xF  }
0x2a1: {  	s22 =	spop (v2sf)  }
0x2a2: {  	s25 =	spop (v2sf)  }
0x2a3: {  	s29 =	spop (v2sf)  }
0x2a4: {  	s7 =	spop (v2sf)  }
0x2a5: {  	s2 =	spop (v2sf)  }
0x2a6: {  	s1 =	spop (v2sf)  }
0x2a7: {  	s4 =	spop (v2sf)  }
0x2a8: {  	s3 =	spop (v2sf)  }
0x2a9: {  	s12 =	spop (v2sf)  }
0x2aa: {  	s30 =	spop (v2sf)  }
0x2ab: {  	s28 =	spop (v2sf)  }
0x2ac: {  	s26 =	spop (v2sf)  }
0x2ad: {  	s24 =	spop (v2sf)  }
0x2ae: {  	s23 =	spop (v2sf)  }
0x2af: {  	s0 =	sadd.s32 s19, s0;
	s20 =	spop (v2sf)  }
0x2b0: {  	s19 =	ssub.s32 s17, s0;
	s17 =	simm.s32 $0xF0;
	s23 =	sadd.s32 s23, s20  }
0x2b1: {  	p1 =	sge.s32 s20, s19;
	p0 =	slt.s32 s20, s19;
	p2 =	sge.s32 s23, s19  }
0x2b2: {  	s17 =	simm.s32 @!p1 $0x0;
	s24 =	sadd.s32 s24, s23;
	p0 =	por !p0, !p2  }
0x2b3: {  	p2 =	por p1, p2;
	p3 =	sge.s32 s24, s19;
	s26 =	sadd.s32 s26, s24  }
0x2b4: {  	s0 =	simm.s32 @!p0 $0x0;
	p1 =	por !p2, !p2;
	p2 =	por p2, p3  }
0x2b5: {  	s28 =	sadd.s32 s28, s26;
	s0 =	simm.s32 @p0 $0x1;
	p0 =	por !p3, !p1  }
0x2b6: {  	p1 =	sge.s32 s26, s19;
	p4 =	por !p2, !p2;
	p6 =	sge.s32 s28, s19  }
0x2b7: {  	s30 =	sadd.s32 s30, s28;
	[smem:$0x7BE] =	sst s0;
	s0 =	simm.s32 @!p0 $0x0  }
0x2b8: {  	p5 =	por p2, p1;
	s0 =	simm.s32 @p0 $0x1;
	p0 =	por !p1, !p4  }
0x2b9: {  	p2 =	por !p5, !p5;
	[smem:$0x7BF] =	sst s0;
	s0 =	simm.s32 @!p0 $0x0  }
0x2ba: {  	s31 =	sld [smem:$0x7BE];
	s0 =	simm.s32 @p0 $0x1;
	p0 =	por !p6, !p2  }
0x2bb: {  	p5 =	por p5, p6;
	[smem:$0x7C0] =	sst s0;
	s0 =	simm.s32 @!p0 $0x0  }
0x2bc: {  	p4 =	por !p5, !p5;
	p6 =	sge.s32 s30, s19;
	s0 =	simm.s32 @p0 $0x1  }
0x2bd: {  	p0 =	por !p6, !p4;
	[smem:$0x7C1] =	sst s0;
	s0 =	sadd.s32 s12, s30  }
0x2be: {  	p5 =	por p5, p6;
	s12 =	simm.s32 @!p0 $0x0;
	p1 =	sge.s32 s0, s19  }
0x2bf: {  	s12 =	simm.s32 @p0 $0x1;
	s3 =	sadd.s32 s3, s0;
	p0 =	por p5, p1  }
0x2c0: {  	p2 =	por !p5, !p5;
	p4 =	sge.s32 s3, s19;
	p3 =	por !p0, !p0  }
0x2c1: {  	p5 =	por !p1, !p2;
	p2 =	por !p4, !p3  }
0x2c2: {  	[smem:$0x7C2] =	sst s12;
	p5 =	por !p5, !p5;
	s12 =	simm.s32 @!p2 $0x0  }
0x2c3: {  	p3 =	seq.s32 s31, $0x1;
	s31 =	sld [smem:$0x7BF];
	s12 =	simm.s32 @p2 $0x1  }
0x2c4: {  	p2 =	por p0, p4;
	p0 =	por !p3, !p3;
	[smem:$0x7C3] =	sst s12  }
0x2c5: {  	s12 =	sadd.s32 s4, s3;
	s4 =	simm.s32 @!p0 $0x0;
	p4 =	por !p2, !p2  }
0x2c6: {  	s17 =	simm.s32 @p0 $0xE0;
	p6 =	seq.s32 s31, $0x1;
	s31 =	sld [smem:$0x7C0]  }
0x2c7: {  	s4 =	simm.s32 @p0 $0x1;
	p1 =	sge.s32 s12, s19;
	p0 =	por !p6, !p6  }
0x2c8: {  	s1 =	sadd.s32 s1, s12;
	[smem:$0x7C4] =	sst s4;
	s4 =	simm.s32 @!p0 $0x0  }
0x2c9: {  	p4 =	por !p1, !p4;
	p1 =	por p2, p1;
	s17 =	simm.s32 @p0 $0xD0  }
0x2ca: {  	s4 =	simm.s32 @p0 $0x1;
	p3 =	seq.s32 s31, $0x1;
	s31 =	sld [smem:$0x7C1]  }
0x2cb: {  	s2 =	sadd.s32 s2, s1;
	p0 =	sge.s32 s1, s19;
	[smem:$0x7C5] =	sst s4  }
0x2cc: {  	p2 =	por !p3, !p3;
	p3 =	por !p1, !p1;
	p1 =	por p1, p0  }
0x2cd: {  	s4 =	simm.s32 @!p2 $0x0;
	p6 =	seq.s32 s31, $0x1;
	s31 =	sld [smem:$0x7C2]  }
0x2ce: {  	s17 =	simm.s32 @p2 $0xC0;
	s4 =	simm.s32 @p2 $0x1;
	p2 =	por !p6, !p6  }
0x2cf: {  	p3 =	por !p0, !p3;
	[smem:$0x7C6] =	sst s4;
	s4 =	simm.s32 @!p2 $0x0  }
0x2d0: {  	s17 =	simm.s32 @p2 $0xB0;
	s4 =	simm.s32 @p2 $0x1;
	p6 =	seq.s32 s31, $0x1  }
0x2d1: {  	p2 =	sge.s32 s2, s19;
	s31 =	sld [smem:$0x7C3];
	p0 =	por !p6, !p6  }
0x2d2: {  	[smem:$0x7C7] =	sst s4;
	p6 =	por !p1, !p1;
	s4 =	simm.s32 @!p0 $0x0  }
0x2d3: {  	s17 =	simm.s32 @p0 $0xA0;
	p6 =	por !p2, !p6;
	s4 =	simm.s32 @p0 $0x1  }
0x2d4: {  	p0 =	por p1, p2;
	p2 =	seq.s32 s31, $0x1;
	s31 =	sld [smem:$0x7C5]  }
0x2d5: {  	s17 =	simm.s32 @p5 $0x90;
	[smem:$0x7C8] =	sst s4;
	s4 =	simm.s32 @!p5 $0x0  }
0x2d6: {  	p1 =	por !p2, !p2;
	p2 =	por !p0, !p0;
	s4 =	simm.s32 @p5 $0x1  }
0x2d7: {  	[smem:$0x7C9] =	sst s4;
	s4 =	sadd.s32 s7, s2;
	s7 =	simm.s32 @!p1 $0x0  }
0x2d8: {  	s17 =	simm.s32 @p1 $0x80;
	s7 =	simm.s32 @p1 $0x1;
	p1 =	por !p4, !p4  }
0x2d9: {  	p5 =	sge.s32 s4, s19;
	[smem:$0x7CA] =	sst s7;
	s7 =	simm.s32 @!p1 $0x0  }
0x2da: {  	p2 =	por !p5, !p2;
	p0 =	por p0, p5;
	s17 =	simm.s32 @p1 $0x70  }
0x2db: {  	s7 =	simm.s32 @p1 $0x1;
	p1 =	por !p3, !p3;
	p4 =	por !p0, !p0  }
0x2dc: {  	[smem:$0x7CB] =	sst s7;
	s7 =	sadd.s32 s29, s4;
	s29 =	simm.s32 @!p1 $0x0  }
0x2dd: {  	s17 =	simm.s32 @p1 $0x60;
	s29 =	simm.s32 @p1 $0x1;
	p5 =	sge.s32 s7, s19  }
0x2de: {  	p1 =	por !p6, !p6;
	s25 =	sadd.s32 s25, s7;
	[smem:$0x7CC] =	sst s29  }
0x2df: {  	s29 =	simm.s32 @!p1 $0x0;
	p3 =	por !p5, !p4;
	p0 =	por p0, p5  }
0x2e0: {  	s17 =	simm.s32 @p1 $0x50;
	p5 =	por !p2, !p2;
	p6 =	sge.s32 s25, s19  }
0x2e1: {  	s22 =	sadd.s32 s22, s25;
	s29 =	simm.s32 @p1 $0x1;
	p1 =	por !p0, !p0  }
0x2e2: {  	s17 =	simm.s32 @p5 $0x40;
	p4 =	por !p3, !p3;
	[smem:$0x7CD] =	sst s29  }
0x2e3: {  	p2 =	por !p6, !p1;
	p1 =	por p0, p6;
	s29 =	sld [smem:$0x7C4]  }
0x2e4: {  	s21 =	sadd.s32 s21, s22;
	p0 =	sge.s32 s22, s19;
	p6 =	por !p1, !p1  }
0x2e5: {  	p3 =	por !p2, !p2;
	p2 =	por !p0, !p6;
	p6 =	slt.s32 s21, s19  }
0x2e6: {  	p6 =	por p0, p6;
	p0 =	por !p2, !p2;
	p2 =	seq.s32 s29, $0x1  }
0x2e7: {  	s17 =	simm.s32 @p4 $0x30;
	s20 =	simm.s32 @!p2 $0x0;
	p2 =	seq.s32 s31, $0x1  }
0x2e8: {  	s17 =	simm.s32 @p3 $0x20;
	s20 =	smov.u32 @p2 s23;
	s23 =	sld [smem:$0x7C6]  }
0x2e9: {  	s29 =	sld [smem:$0x7C7];
	p1 =	por p1, p6;
	s17 =	simm.s32 @p0 $0x10  }
0x2ea: {  	s31 =	sld [smem:$0x7C8];
	s17 =	simm.s32 @!p1 $0x0  }
0x2eb: {  	v4 =	vld [tilespmem:s17+$0x6000];
	p2 =	seq.s32 s23, $0x1;
	s23 =	sld [smem:$0x7C9]  }
0x2ec: {  	s20 =	smov.u32 @p2 s24;
	p2 =	seq.s32 s29, $0x1;
	s24 =	sld [smem:$0x7CA]  }
0x2ed: {  	s20 =	smov.u32 @p2 s26;
	p2 =	seq.s32 s31, $0x1;
	s26 =	sld [smem:$0x7CB]  }
0x2ee: {  	s20 =	smov.u32 @p2 s28;
	p2 =	seq.s32 s23, $0x1;
	s28 =	sld [smem:$0x7CC]  }
0x2ef: {  	s29 =	sld [smem:$0x7CD];
	s20 =	smov.u32 @p2 s30;
	p2 =	seq.s32 s24, $0x1  }
0x2f0: {  	v4 =	vperm.xlane v4, v2;
	s20 =	smov.u32 @p2 s0;
	p2 =	seq.s32 s26, $0x1  }
0x2f1: {  	s20 =	smov.u32 @p2 s3;
	p2 =	seq.s32 s28, $0x1  }
0x2f2: {  	(xrf0) =	vadd.scan.msk.s32 $0xffff, v4;
	s20 =	smov.u32 @p2 s12;
	p2 =	seq.s32 s29, $0x1  }
0x2f3: {  	s20 =	smov.u32 @p2 s1  }
0x2f4: {  	s20 =	smov.u32 @p5 s2  }
0x2f5: {  	s20 =	smov.u32 @p4 s4  }
0x2f6: {  	s20 =	smov.u32 @p3 s7  }
0x2f7: {  	s20 =	smov.u32 @p0 s25  }
0x2f8: {  	v4, _, _ =	vpop (xrf0);
	s22 =	smov.u32 @p1 s20  }
0x2f9: {  	v4 =	vadd.s32 s22, v4  }
0x2fa: {  	vm1 =	vge.s32 v4, s19  }
0x2fb: {  	v4 =	vmctz.xlane vm1;
	_ =	sdelay $0x1  }
0x2fc: {  	v4 =	vnsel vm0, $0x0, v4  }
0x2fd: {  	(xrf0) =	vadd.scan.msk.s32 $0xffff, v4;
	_ =	sdelay $0x5  }
0x2fe: {  	v4, _, _ =	vpop (xrf0)  }
0x2ff: {  	(v2sf) =	vpush v4, $0xF;
	_ =	sdelay $0xc  }
0x300: {  	v4 =	vmov s15;
	s15 =	sadd.s32 $0x1, s15  }
0x301: {  	s30 =	sshll.u32 s18, $0x8;
	p0 =	sne.s32 s15, $0x10  }
.Ltmp9:
0x302: {  	s0 =	sor.u32 $0xF, s30;
	s31 =	spop (v2sf);
	(pc) =	sbr.rel @p0 .LBB2_4-.Ltmp9, $4  }
0x303: {  	s0 =	ssub.s32 s0, s31  }
0x304: {  	s0 =	sadd.s32 s17, s0  }
0x305: {  	v5 =	vmov s0  }
0x306: {  	s16 =	sadd.s32 $0x600, s16;
	[tilespmem:v4+s10+$0x0] =	vst.idx.msk $0x1, v5  }
0x307: {  	s0 =	sshll.u32 s14, $0x1;
	s1 =	rddreg [dreg:$0x1]  }
.Ltmp10:
0x308: {  	s31 =	simm.s32 $0x0;
	s0 =	sadd.s32 s1, s0;
	(pc) =	sbr.rel .LBB2_14-.Ltmp10, $4  }
0x309: {  	[hbm4b:s0+s31] =	stream.linear.scatter [tilespmem:s10], [sflag:$0x1], $0x10, $0x38;
	[tilespmem:$0x6110] =	vst v63  }
0x30a: {  	_ =	swait.ge [sflag:s11], $0x10  }
0x30b: {  	[sflag:s11] =	ssyncset.done $0x0  }
0x30c: {  	[sflag:s11] =	ssyncadd.s32 $0xFFFFFFF0  }
.LBB2_16:
0x30d: {  	_ =	sfence.sel $0x180000  }
0x30e: {  	[bflag:$0x0] =	sbarrier.arrive $0xFFFF  }
0x30f: {  	_ =	strace $0x90000047  }
0x310: {  	s0 =	stileid.u32;
	[bflag:$0x2] =	sbarrier.arrive $0xFFFF  }
0x311: {  	p0 =	sne.s32 s0, $0x0;
	s0 =	rddreg [dreg:$0x2]  }
0x312: {  	s0 =	sadd.s32 @!p0 $0x100000, s0  }
0x313: {  	[sflag:s0] =	ssyncadd.tile.s32 @!p0 $0x1;
	_ =	shalt  }
.Lfunc_end2:
_tile_overlayer_lowered:
.L_overlay_start_2:
0x314: {  	(tag) =	ssettag $0x2  }
0x315: {  	s0 =	rddreg [dreg:$0x0];
	s2 =	stileid.u32  }
0x316: {  	s1 =	rddreg [dreg:$0x1];
	p0 =	sne.s32 s2, $0x0  }
0x317: {  	s3 =	rddreg [dreg:$0x2];
	[bflag:$0x3] =	sbarrier.arrive $0xFFFF;
	s2 =	simm.s32 @!p0 $0x1C01  }
0x318: {  	[timem:s3], [sflag:s2] =	dma.local @!p0 [hbm:s0], s1  }
0x319: {  	s0 =	simm.s32 @!p0 $0x1  }
0x31a: {  	_ =	swait.ge @!p0 [sflag:s0], s1  }
0x31b: {  	s1 =	ssub.s32 @!p0 $0x0, s1;
	[sflag:s0] =	ssyncset.done @!p0 $0x0  }
0x31c: {  	[sflag:s0] =	ssyncadd.s32 @!p0 s1  }
0x31d: {  	[bflag:$0x3] =	sbarrier.arrive $0xFFFF  }
0x31e: {  	_ =	shalt  }

</sc_bundles>
